<compile_context>
chip_gen: v7x
topology: tpu7x:2x2x1
jax: 0.10.2.dev20260603
libtpu: 0.0.44.dev20260713+nightly
codegen_flags: <defaults>
</compile_context>

<pallas_src>
import functools

import jax
import jax.numpy as jnp
from jax import lax
from jax.experimental import pallas as pl
from jax.experimental.pallas import tpu as pltpu
from jax.experimental.pallas import tpu_sc as plsc

N = 10000
E = 320000
DX = 128
DE = 16

NC = 2
NS = 16

HALF = E // NC
QUART = E // 4
CH = 16000
NPASS = QUART // CH
N_PAD = 10240
ZGROUPS = N_PAD // 16


def _sc_segment_sum_t(idx1d, attr_t):
    mesh = plsc.VectorSubcoreMesh(core_axis_name="c", subcore_axis_name="s")

    @functools.partial(
        pl.kernel,
        mesh=mesh,
        out_type=jax.ShapeDtypeStruct((NC, 2, DE, N_PAD), jnp.float32),
        scratch_types=[
            pltpu.VMEM((CH // 128, 128), jnp.int32),
            pltpu.VMEM((CH // 128, 128), jnp.int32),
            pltpu.VMEM((CH // 128, 128), jnp.float32),
            pltpu.VMEM((CH // 128, 128), jnp.float32),
            pltpu.VMEM((CH // 128, 128), jnp.float32),
            pltpu.VMEM((CH // 128, 128), jnp.float32),
            pltpu.VMEM((N_PAD,), jnp.float32),
            pltpu.VMEM((N_PAD,), jnp.float32),
            pltpu.SemaphoreType.DMA,
            pltpu.SemaphoreType.DMA,
        ],
        compiler_params=pltpu.CompilerParams(use_tc_tiling_on_sc=False,
                                             needs_layout_passes=False),
    )
    def sc_kernel(idx_hbm, attr_hbm, out_hbm, idx0, idx1, vala0, vala1,
                  valb0, valb1, plane_a, plane_b, sem0, sem1):
        cid = lax.axis_index("c")
        s = lax.axis_index("s")
        half = s // 8
        fc = s % 8
        tbase = (cid * 2 + half) * (QUART // 128)

        zvec = jnp.zeros((16,), jnp.float32)

        def zbody(i, carry):
            plane_a[pl.ds(16 * i, 16)] = zvec
            plane_b[pl.ds(16 * i, 16)] = zvec
            return carry

        lax.fori_loop(0, ZGROUPS, zbody, 0)

        idxb = (idx0, idx1)
        valab = (vala0, vala1)
        valbb = (valb0, valb1)
        sems = (sem0, sem1)

        TPP = CH // 128

        def start(p):
            b = p % 2
            ci = pltpu.async_copy(
                idx_hbm.at[pl.ds(tbase + p * TPP, TPP), 0, :], idxb[b],
                sems[b])
            cva = pltpu.async_copy(
                attr_hbm.at[0, pl.ds(tbase + p * TPP, TPP), fc, :], valab[b],
                sems[b])
            cvb = pltpu.async_copy(
                attr_hbm.at[1, pl.ds(tbase + p * TPP, TPP), fc, :], valbb[b],
                sems[b])
            return ci, cva, cvb

        cps = {0: start(0)}
        for p in range(NPASS):
            b = p % 2
            if p + 1 < NPASS:
                cps[(p + 1) % 2] = start(p + 1)
            ci, cva, cvb = cps[b]
            ci.wait()
            cva.wait()
            cvb.wait()
            ib, va, vb = idxb[b], valab[b], valbb[b]

            @plsc.parallel_loop(0, CH // 128, unroll=2)
            def inner(t, ib=ib, va=va, vb=vb):
                for g in range(8):
                    sl = pl.ds(16 * g, 16)
                    idxv = ib[t, sl]
                    plsc.addupdate_scatter(plane_a, [idxv], va[t, sl])
                    plsc.addupdate_scatter(plane_b, [idxv], vb[t, sl])

        pltpu.sync_copy(plane_a, out_hbm.at[cid, half, fc])
        pltpu.sync_copy(plane_b, out_hbm.at[cid, half, fc + 8])

    return sc_kernel(idx1d, attr_t)


def _tc_hx_t(x, Wx, bxc):
    L = 2048

    def body(x_ref, wx_ref, bx_ref, o_ref):
        hx = lax.dot_general(wx_ref[...], x_ref[...],
                             (((1,), (1,)), ((), ())),
                             preferred_element_type=jnp.float32)
        o_ref[...] = jnp.maximum(hx + bx_ref[...], 0.0)

    return pl.pallas_call(
        body,
        grid=(pl.cdiv(N, L),),
        in_specs=[
            pl.BlockSpec((L, DX), lambda i: (i, 0)),
            pl.BlockSpec((DX, DX), lambda i: (0, 0)),
            pl.BlockSpec((DX, 1), lambda i: (0, 0)),
        ],
        out_specs=pl.BlockSpec((DX, L), lambda i: (0, i)),
        out_shape=jax.ShapeDtypeStruct((DX + DE, N), jnp.float32),
    )(x, Wx, bxc)


def _tc_he_t(partials, We, bec, base):
    L = 2048

    def body(p_ref, we_ref, be_ref, base_ref, o_ref):
        del base_ref
        aggt = ((p_ref[0, 0] + p_ref[0, 1]) + (p_ref[1, 0] + p_ref[1, 1]))
        he = lax.dot_general(we_ref[...], aggt,
                             (((1,), (0,)), ((), ())),
                             preferred_element_type=jnp.float32)
        o_ref[...] = jnp.maximum(he + be_ref[...], 0.0)

    return pl.pallas_call(
        body,
        grid=(pl.cdiv(N, L),),
        in_specs=[
            pl.BlockSpec((NC, 2, DE, L), lambda i: (0, 0, 0, i)),
            pl.BlockSpec((DE, DE), lambda i: (0, 0)),
            pl.BlockSpec((DE, 1), lambda i: (0, 0)),
            pl.BlockSpec(memory_space=pltpu.MemorySpace.HBM),
        ],
        out_specs=pl.BlockSpec((DE, L), lambda i: (DX // DE, i)),
        out_shape=jax.ShapeDtypeStruct((DX + DE, N), jnp.float32),
        input_output_aliases={3: 0},
    )(partials, We, bec, base)


def kernel(x, edge_index, edge_attr, Wx, bx, We, be):
    idx3 = edge_index.astype(jnp.int32).T.reshape(E // 128, 128, 2)
    idx3 = idx3.transpose(0, 2, 1)
    attr4 = edge_attr.T.reshape(2, 8, E // 128, 128).transpose(0, 2, 1, 3)
    partials = _sc_segment_sum_t(idx3, attr4)
    base = _tc_hx_t(x, Wx, bx.reshape(DX, 1))
    out_t = _tc_he_t(partials, We, be.reshape(DE, 1), base)
    return out_t.T

# --- scband reference (transcript-rebuilt; emitter-appended) ---
"""Pipeline reference for scband-node-centric-15479062134971 (READ-ONLY COPY).

The authoritative reference and input builder live on the scoring server;
editing this copy changes nothing except your own understanding.
"""

import jax, jax.numpy as jnp
import numpy as np

N = 10000
E = 320000
DX = 128
DE = 16


def setup_inputs(seed: int = 0) -> dict:
    key = jax.random.key(seed)
    k_x, k_ei, k_ea, k_wx, k_bx, k_we, k_be = jax.random.split(key, 7)
    x = jax.random.normal(k_x, (N, DX), dtype=jnp.float32)
    edge_index = jax.random.randint(k_ei, (2, E), 0, N, dtype=jnp.int64)
    edge_attr = jax.random.normal(k_ea, (E, DE), dtype=jnp.float32)
    # Linear layer params (torch nn.Linear: y = x @ W.T + b)
    Wx = jax.random.normal(k_wx, (DX, DX), dtype=jnp.float32) * (1.0 / np.sqrt(DX))
    bx = jax.random.normal(k_bx, (DX,), dtype=jnp.float32) * (1.0 / np.sqrt(DX))
    We = jax.random.normal(k_we, (DE, DE), dtype=jnp.float32) * (1.0 / np.sqrt(DE))
    be = jax.random.normal(k_be, (DE,), dtype=jnp.float32) * (1.0 / np.sqrt(DE))
    return {"x": x, "edge_index": edge_index, "edge_attr": edge_attr,
            "Wx": Wx, "bx": bx, "We": We, "be": be}


def reference(x, edge_index, edge_attr, Wx, bx, We, be):
    # torch: adj = sparse_coo_tensor(edge_index, edge_attr).to_dense(); adj = adj.sum(dim=1)
    # Dense [N, N, DE] summed over dim=1 == scatter-add of edge_attr by row index
    # (to_dense sums duplicate coordinates), i.e. a segment-sum over edge_index[0].
    agg = jax.ops.segment_sum(edge_attr, edge_index[0], num_segments=x.shape[0])
    hx = x @ Wx.T + bx
    he = agg @ We.T + be
    return jax.nn.relu(jnp.concatenate([hx, he], axis=1))

if __name__ == "__main__":
    import jax
    _d = setup_inputs()
    print(jax.jit(kernel)(*tuple(_d.values())))

</pallas_src>

<mosaic_0001>
#map = affine_map<(d0, d1) -> (0, 0, 0)>
#map1 = affine_map<(d0, d1) -> (0, 0, 0, 0)>
module attributes {stable_mosaic.version = 14 : i64} {
  func.func @sc_kernel(%arg0: i32, %arg1: i32, %arg2: memref<2500x2x128xi32, #tpu.memory_space<hbm>>, %arg3: memref<2x2500x8x128xf32, #tpu.memory_space<hbm>>, %arg4: memref<2x2x16x10240xf32, #tpu.memory_space<hbm>>, %arg5: memref<125x128xi32, #tpu.memory_space<vmem>>, %arg6: memref<125x128xi32, #tpu.memory_space<vmem>>, %arg7: memref<125x128xf32, #tpu.memory_space<vmem>>, %arg8: memref<125x128xf32, #tpu.memory_space<vmem>>, %arg9: memref<125x128xf32, #tpu.memory_space<vmem>>, %arg10: memref<125x128xf32, #tpu.memory_space<vmem>>, %arg11: memref<10240xf32, #tpu.memory_space<vmem>>, %arg12: memref<10240xf32, #tpu.memory_space<vmem>>, %arg13: memref<!tpu.dma_semaphore, #tpu.memory_space<semaphore_mem>>, %arg14: memref<!tpu.dma_semaphore, #tpu.memory_space<semaphore_mem>>) attributes {dimension_semantics = [#tpu.dimension_semantics<core_parallel>, #tpu.dimension_semantics<subcore_parallel>], iteration_bounds = array<i64: 2, 16>, scalar_prefetch = 0 : i64, scratch_operands = 10 : i64, tpu.core_type = #tpu.core_type<sc_vector_subcore>, window_params = [{transform_indices = #map}, {transform_indices = #map1}, {transform_indices = #map1}]} {
    %jit3A = arith.constant 8 : i32
    %div3A = arith.divsi %arg1, %jit3A : i32
    %sign3A = arith.constant 0 : i32
    %sign3A_0 = arith.cmpi sgt, %arg1, %sign3A : i32
    %sign3A_1 = arith.extui %sign3A_0 : i1 to i32
    %sign3A_2 = arith.constant 0 : i32
    %sign3A_3 = arith.cmpi slt, %arg1, %sign3A_2 : i32
    %sign3A_4 = arith.extui %sign3A_3 : i1 to i32
    %sign3A_5 = arith.subi %sign3A_1, %sign3A_4 : i32
    %sign3A_6 = arith.constant 0 : i32
    %sign3A_7 = arith.cmpi sgt, %jit3A, %sign3A_6 : i32
    %sign3A_8 = arith.extui %sign3A_7 : i1 to i32
    %sign3A_9 = arith.constant 0 : i32
    %sign3A_10 = arith.cmpi slt, %jit3A, %sign3A_9 : i32
    %sign3A_11 = arith.extui %sign3A_10 : i1 to i32
    %sign3A_12 = arith.subi %sign3A_8, %sign3A_11 : i32
    %ne3A = arith.cmpi ne, %sign3A_5, %sign3A_12 : i32
    %rem3A = arith.remsi %arg1, %jit3A : i32
    %ne3A_13 = arith.constant 0 : i32
    %ne3A_14 = arith.cmpi ne, %rem3A, %ne3A_13 : i32
    %and3A = arith.andi %ne3A, %ne3A_14 : i1
    %sub3A = arith.constant 1 : i32
    %sub3A_15 = arith.subi %div3A, %sub3A : i32
    %select_n3A = arith.select %and3A, %sub3A_15, %div3A : i32
    %jit3A_16 = arith.constant 8 : i32
    %eq3A = arith.constant 0 : i32
    %eq3A_17 = arith.cmpi eq, %jit3A_16, %eq3A : i32
    %jit3A_18 = arith.constant 1 : i32
    %select_n3A_19 = arith.select %eq3A_17, %jit3A_18, %jit3A_16 : i32
    %rem3A_20 = arith.remsi %arg1, %select_n3A_19 : i32
    %ne3A_21 = arith.constant 0 : i32
    %ne3A_22 = arith.cmpi ne, %rem3A_20, %ne3A_21 : i32
    %lt3A = arith.constant 0 : i32
    %lt3A_23 = arith.cmpi slt, %rem3A_20, %lt3A : i32
    %lt3A_24 = arith.constant 0 : i32
    %lt3A_25 = arith.cmpi slt, %select_n3A_19, %lt3A_24 : i32
    %ne3A_26 = arith.xori %lt3A_23, %lt3A_25 : i1
    %and3A_27 = arith.andi %ne3A_26, %ne3A_22 : i1
    %add3A = arith.addi %rem3A_20, %select_n3A_19 : i32
    %select_n3A_28 = arith.select %and3A_27, %add3A, %rem3A_20 : i32
    %mul3A = arith.constant 2 : i32
    %mul3A_29 = arith.muli %arg0, %mul3A : i32
    %add3A_30 = arith.addi %mul3A_29, %select_n3A : i32
    %mul3A_31 = arith.constant 625 : i32
    %mul3A_32 = arith.muli %add3A_30, %mul3A_31 : i32
    %broadcast_in_dim3A = arith.constant 0.000000e+00 : f32
    %broadcast_in_dim3A_33 = vector.broadcast %broadcast_in_dim3A : f32 to vector<16xf32>
    %scan3A = arith.constant 0 : i32
    %scan3A_34 = arith.constant 0 : i32
    %scan3A_35 = arith.constant 640 : i32
    %scan3A_36 = arith.addi %scan3A_34, %scan3A_35 : i32
    %scan3A_37 = arith.constant 1 : i32
    scf.for %scan3A_293 = %scan3A_34 to %scan3A_36 step %scan3A_37  : i32 {
      %mul3A_294 = arith.constant 16 : i32
      %mul3A_295 = arith.muli %mul3A_294, %scan3A_293 : i32
      %swap3A = arith.index_cast %mul3A_295 : i32 to index
      %swap3A_296 = tpu.vector_load %arg11[%swap3A] {strides = array<i32>} : memref<10240xf32, #tpu.memory_space<vmem>>, vector<16xf32>,
      tpu.vector_store %arg11[%swap3A], %broadcast_in_dim3A_33 {strides = array<i32>} : memref<10240xf32, #tpu.memory_space<vmem>>, vector<16xf32>,
      %mul3A_297 = arith.constant 16 : i32
      %mul3A_298 = arith.muli %mul3A_297, %scan3A_293 : i32
      %swap3A_299 = arith.index_cast %mul3A_298 : i32 to index
      %swap3A_300 = tpu.vector_load %arg12[%swap3A_299] {strides = array<i32>} : memref<10240xf32, #tpu.memory_space<vmem>>, vector<16xf32>,
      tpu.vector_store %arg12[%swap3A_299], %broadcast_in_dim3A_33 {strides = array<i32>} : memref<10240xf32, #tpu.memory_space<vmem>>, vector<16xf32>,
    }
    %scan3A_38 = arith.constant 640 : i32
    %add3A_39 = arith.constant 0 : i32
    %add3A_40 = arith.addi %mul3A_32, %add3A_39 : i32
    %dma_start3A = arith.constant 0 : i32
    %dma_start3A_41 = arith.constant 0 : i32
    %dma_start3A_42 = tpu.memref_slice %arg2[%add3A_40, %dma_start3A, %dma_start3A_41] : memref<2500x2x128xi32, #tpu.memory_space<hbm>> -> memref<125x1x128xi32, #tpu.memory_space<hbm>>
    %dma_start3A_43 = tpu.memref_squeeze %dma_start3A_42 : memref<125x1x128xi32, #tpu.memory_space<hbm>> -> memref<125x128xi32, #tpu.memory_space<hbm>>
    %dma_start3A_44 = arith.constant 0 : i32
    %dma_start3A_45 = tpu.memref_slice %arg2[%add3A_40, %dma_start3A, %dma_start3A_44] : memref<2500x2x128xi32, #tpu.memory_space<hbm>> -> memref<125x1x128xi32, #tpu.memory_space<hbm>>
    %dma_start3A_46 = tpu.memref_squeeze %dma_start3A_45 : memref<125x1x128xi32, #tpu.memory_space<hbm>> -> memref<125x128xi32, #tpu.memory_space<hbm>>
    tpu.enqueue_dma source(%dma_start3A_46 : memref<125x128xi32, #tpu.memory_space<hbm>>) target(%arg5 : memref<125x128xi32, #tpu.memory_space<vmem>>) target_semaphore(%arg13 : memref<!tpu.dma_semaphore, #tpu.memory_space<semaphore_mem>>)
    %add3A_47 = arith.constant 0 : i32
    %add3A_48 = arith.addi %mul3A_32, %add3A_47 : i32
    %dma_start3A_49 = arith.constant 0 : i32
    %dma_start3A_50 = arith.constant 0 : i32
    %dma_start3A_51 = tpu.memref_slice %arg3[%dma_start3A_49, %add3A_48, %select_n3A_28, %dma_start3A_50] : memref<2x2500x8x128xf32, #tpu.memory_space<hbm>> -> memref<1x125x1x128xf32, #tpu.memory_space<hbm>>
    %dma_start3A_52 = tpu.memref_squeeze %dma_start3A_51 : memref<1x125x1x128xf32, #tpu.memory_space<hbm>> -> memref<125x128xf32, #tpu.memory_space<hbm>>
    %dma_start3A_53 = arith.constant 0 : i32
    %dma_start3A_54 = tpu.memref_slice %arg3[%dma_start3A_49, %add3A_48, %select_n3A_28, %dma_start3A_53] : memref<2x2500x8x128xf32, #tpu.memory_space<hbm>> -> memref<1x125x1x128xf32, #tpu.memory_space<hbm>>
    %dma_start3A_55 = tpu.memref_squeeze %dma_start3A_54 : memref<1x125x1x128xf32, #tpu.memory_space<hbm>> -> memref<125x128xf32, #tpu.memory_space<hbm>>
    tpu.enqueue_dma source(%dma_start3A_55 : memref<125x128xf32, #tpu.memory_space<hbm>>) target(%arg7 : memref<125x128xf32, #tpu.memory_space<vmem>>) target_semaphore(%arg13 : memref<!tpu.dma_semaphore, #tpu.memory_space<semaphore_mem>>)
    %add3A_56 = arith.constant 0 : i32
    %add3A_57 = arith.addi %mul3A_32, %add3A_56 : i32
    %dma_start3A_58 = arith.constant 1 : i32
    %dma_start3A_59 = arith.constant 0 : i32
    %dma_start3A_60 = tpu.memref_slice %arg3[%dma_start3A_58, %add3A_57, %select_n3A_28, %dma_start3A_59] : memref<2x2500x8x128xf32, #tpu.memory_space<hbm>> -> memref<1x125x1x128xf32, #tpu.memory_space<hbm>>
    %dma_start3A_61 = tpu.memref_squeeze %dma_start3A_60 : memref<1x125x1x128xf32, #tpu.memory_space<hbm>> -> memref<125x128xf32, #tpu.memory_space<hbm>>
    %dma_start3A_62 = arith.constant 0 : i32
    %dma_start3A_63 = tpu.memref_slice %arg3[%dma_start3A_58, %add3A_57, %select_n3A_28, %dma_start3A_62] : memref<2x2500x8x128xf32, #tpu.memory_space<hbm>> -> memref<1x125x1x128xf32, #tpu.memory_space<hbm>>
    %dma_start3A_64 = tpu.memref_squeeze %dma_start3A_63 : memref<1x125x1x128xf32, #tpu.memory_space<hbm>> -> memref<125x128xf32, #tpu.memory_space<hbm>>
    tpu.enqueue_dma source(%dma_start3A_64 : memref<125x128xf32, #tpu.memory_space<hbm>>) target(%arg9 : memref<125x128xf32, #tpu.memory_space<vmem>>) target_semaphore(%arg13 : memref<!tpu.dma_semaphore, #tpu.memory_space<semaphore_mem>>)
    %add3A_65 = arith.constant 125 : i32
    %add3A_66 = arith.addi %mul3A_32, %add3A_65 : i32
    %dma_start3A_67 = arith.constant 0 : i32
    %dma_start3A_68 = arith.constant 0 : i32
    %dma_start3A_69 = tpu.memref_slice %arg2[%add3A_66, %dma_start3A_67, %dma_start3A_68] : memref<2500x2x128xi32, #tpu.memory_space<hbm>> -> memref<125x1x128xi32, #tpu.memory_space<hbm>>
    %dma_start3A_70 = tpu.memref_squeeze %dma_start3A_69 : memref<125x1x128xi32, #tpu.memory_space<hbm>> -> memref<125x128xi32, #tpu.memory_space<hbm>>
    %dma_start3A_71 = arith.constant 0 : i32
    %dma_start3A_72 = tpu.memref_slice %arg2[%add3A_66, %dma_start3A_67, %dma_start3A_71] : memref<2500x2x128xi32, #tpu.memory_space<hbm>> -> memref<125x1x128xi32, #tpu.memory_space<hbm>>
    %dma_start3A_73 = tpu.memref_squeeze %dma_start3A_72 : memref<125x1x128xi32, #tpu.memory_space<hbm>> -> memref<125x128xi32, #tpu.memory_space<hbm>>
    tpu.enqueue_dma source(%dma_start3A_73 : memref<125x128xi32, #tpu.memory_space<hbm>>) target(%arg6 : memref<125x128xi32, #tpu.memory_space<vmem>>) target_semaphore(%arg14 : memref<!tpu.dma_semaphore, #tpu.memory_space<semaphore_mem>>)
    %add3A_74 = arith.constant 125 : i32
    %add3A_75 = arith.addi %mul3A_32, %add3A_74 : i32
    %dma_start3A_76 = arith.constant 0 : i32
    %dma_start3A_77 = arith.constant 0 : i32
    %dma_start3A_78 = tpu.memref_slice %arg3[%dma_start3A_76, %add3A_75, %select_n3A_28, %dma_start3A_77] : memref<2x2500x8x128xf32, #tpu.memory_space<hbm>> -> memref<1x125x1x128xf32, #tpu.memory_space<hbm>>
    %dma_start3A_79 = tpu.memref_squeeze %dma_start3A_78 : memref<1x125x1x128xf32, #tpu.memory_space<hbm>> -> memref<125x128xf32, #tpu.memory_space<hbm>>
    %dma_start3A_80 = arith.constant 0 : i32
    %dma_start3A_81 = tpu.memref_slice %arg3[%dma_start3A_76, %add3A_75, %select_n3A_28, %dma_start3A_80] : memref<2x2500x8x128xf32, #tpu.memory_space<hbm>> -> memref<1x125x1x128xf32, #tpu.memory_space<hbm>>
    %dma_start3A_82 = tpu.memref_squeeze %dma_start3A_81 : memref<1x125x1x128xf32, #tpu.memory_space<hbm>> -> memref<125x128xf32, #tpu.memory_space<hbm>>
    tpu.enqueue_dma source(%dma_start3A_82 : memref<125x128xf32, #tpu.memory_space<hbm>>) target(%arg8 : memref<125x128xf32, #tpu.memory_space<vmem>>) target_semaphore(%arg14 : memref<!tpu.dma_semaphore, #tpu.memory_space<semaphore_mem>>)
    %add3A_83 = arith.constant 125 : i32
    %add3A_84 = arith.addi %mul3A_32, %add3A_83 : i32
    %dma_start3A_85 = arith.constant 1 : i32
    %dma_start3A_86 = arith.constant 0 : i32
    %dma_start3A_87 = tpu.memref_slice %arg3[%dma_start3A_85, %add3A_84, %select_n3A_28, %dma_start3A_86] : memref<2x2500x8x128xf32, #tpu.memory_space<hbm>> -> memref<1x125x1x128xf32, #tpu.memory_space<hbm>>
    %dma_start3A_88 = tpu.memref_squeeze %dma_start3A_87 : memref<1x125x1x128xf32, #tpu.memory_space<hbm>> -> memref<125x128xf32, #tpu.memory_space<hbm>>
    %dma_start3A_89 = arith.constant 0 : i32
    %dma_start3A_90 = tpu.memref_slice %arg3[%dma_start3A_85, %add3A_84, %select_n3A_28, %dma_start3A_89] : memref<2x2500x8x128xf32, #tpu.memory_space<hbm>> -> memref<1x125x1x128xf32, #tpu.memory_space<hbm>>
    %dma_start3A_91 = tpu.memref_squeeze %dma_start3A_90 : memref<1x125x1x128xf32, #tpu.memory_space<hbm>> -> memref<125x128xf32, #tpu.memory_space<hbm>>
    tpu.enqueue_dma source(%dma_start3A_91 : memref<125x128xf32, #tpu.memory_space<hbm>>) target(%arg10 : memref<125x128xf32, #tpu.memory_space<vmem>>) target_semaphore(%arg14 : memref<!tpu.dma_semaphore, #tpu.memory_space<semaphore_mem>>)
    %dma_wait3A = arith.constant 0 : i32
    %dma_wait3A_92 = arith.constant 0 : i32
    %dma_wait3A_93 = tpu.memref_slice %arg2[%add3A_40, %dma_wait3A, %dma_wait3A_92] : memref<2500x2x128xi32, #tpu.memory_space<hbm>> -> memref<125x1x128xi32, #tpu.memory_space<hbm>>
    %dma_wait3A_94 = tpu.memref_squeeze %dma_wait3A_93 : memref<125x1x128xi32, #tpu.memory_space<hbm>> -> memref<125x128xi32, #tpu.memory_space<hbm>>
    %dma_wait3A_95 = arith.constant 0 : i32
    %dma_wait3A_96 = tpu.memref_slice %arg2[%add3A_40, %dma_wait3A, %dma_wait3A_95] : memref<2500x2x128xi32, #tpu.memory_space<hbm>> -> memref<125x1x128xi32, #tpu.memory_space<hbm>>
    %dma_wait3A_97 = tpu.memref_squeeze %dma_wait3A_96 : memref<125x1x128xi32, #tpu.memory_space<hbm>> -> memref<125x128xi32, #tpu.memory_space<hbm>>
    tpu.wait_dma2 semaphore(%arg13 : memref<!tpu.dma_semaphore, #tpu.memory_space<semaphore_mem>>) src(%dma_wait3A_97 : memref<125x128xi32, #tpu.memory_space<hbm>>) dst(%arg5 : memref<125x128xi32, #tpu.memory_space<vmem>>)
    %dma_wait3A_98 = arith.constant 0 : i32
    %dma_wait3A_99 = arith.constant 0 : i32
    %dma_wait3A_100 = tpu.memref_slice %arg3[%dma_wait3A_98, %add3A_48, %select_n3A_28, %dma_wait3A_99] : memref<2x2500x8x128xf32, #tpu.memory_space<hbm>> -> memref<1x125x1x128xf32, #tpu.memory_space<hbm>>
    %dma_wait3A_101 = tpu.memref_squeeze %dma_wait3A_100 : memref<1x125x1x128xf32, #tpu.memory_space<hbm>> -> memref<125x128xf32, #tpu.memory_space<hbm>>
    %dma_wait3A_102 = arith.constant 0 : i32
    %dma_wait3A_103 = tpu.memref_slice %arg3[%dma_wait3A_98, %add3A_48, %select_n3A_28, %dma_wait3A_102] : memref<2x2500x8x128xf32, #tpu.memory_space<hbm>> -> memref<1x125x1x128xf32, #tpu.memory_space<hbm>>
    %dma_wait3A_104 = tpu.memref_squeeze %dma_wait3A_103 : memref<1x125x1x128xf32, #tpu.memory_space<hbm>> -> memref<125x128xf32, #tpu.memory_space<hbm>>
    tpu.wait_dma2 semaphore(%arg13 : memref<!tpu.dma_semaphore, #tpu.memory_space<semaphore_mem>>) src(%dma_wait3A_104 : memref<125x128xf32, #tpu.memory_space<hbm>>) dst(%arg7 : memref<125x128xf32, #tpu.memory_space<vmem>>)
    %dma_wait3A_105 = arith.constant 1 : i32
    %dma_wait3A_106 = arith.constant 0 : i32
    %dma_wait3A_107 = tpu.memref_slice %arg3[%dma_wait3A_105, %add3A_57, %select_n3A_28, %dma_wait3A_106] : memref<2x2500x8x128xf32, #tpu.memory_space<hbm>> -> memref<1x125x1x128xf32, #tpu.memory_space<hbm>>
    %dma_wait3A_108 = tpu.memref_squeeze %dma_wait3A_107 : memref<1x125x1x128xf32, #tpu.memory_space<hbm>> -> memref<125x128xf32, #tpu.memory_space<hbm>>
    %dma_wait3A_109 = arith.constant 0 : i32
    %dma_wait3A_110 = tpu.memref_slice %arg3[%dma_wait3A_105, %add3A_57, %select_n3A_28, %dma_wait3A_109] : memref<2x2500x8x128xf32, #tpu.memory_space<hbm>> -> memref<1x125x1x128xf32, #tpu.memory_space<hbm>>
    %dma_wait3A_111 = tpu.memref_squeeze %dma_wait3A_110 : memref<1x125x1x128xf32, #tpu.memory_space<hbm>> -> memref<125x128xf32, #tpu.memory_space<hbm>>
    tpu.wait_dma2 semaphore(%arg13 : memref<!tpu.dma_semaphore, #tpu.memory_space<semaphore_mem>>) src(%dma_wait3A_111 : memref<125x128xf32, #tpu.memory_space<hbm>>) dst(%arg9 : memref<125x128xf32, #tpu.memory_space<vmem>>)
    %parallel_loop3A = arith.constant 0 : i32
    %parallel_loop3A_112 = arith.constant 125 : i32
    %parallel_loop3A_113 = arith.constant 1 : i32
    scf.for %parallel_loop3A_293 = %parallel_loop3A to %parallel_loop3A_112 step %parallel_loop3A_113  : i32 {
      %parallel_loop3A_294 = arith.index_cast %parallel_loop3A_293 : i32 to index
      %parallel_loop3A_295 = arith.constant 0 : index
      %parallel_loop3A_296 = tpu.vector_load %arg5[%parallel_loop3A_294, %parallel_loop3A_295] {strides = array<i32>} : memref<125x128xi32, #tpu.memory_space<vmem>>, vector<16xi32>,
      %parallel_loop3A_297 = arith.index_cast %parallel_loop3A_293 : i32 to index
      %parallel_loop3A_298 = arith.constant 0 : index
      %parallel_loop3A_299 = tpu.vector_load %arg7[%parallel_loop3A_297, %parallel_loop3A_298] {strides = array<i32>} : memref<125x128xf32, #tpu.memory_space<vmem>>, vector<16xf32>,
      tpu.vector_store_idx %arg11[%parallel_loop3A_296], %parallel_loop3A_299 {add = true} : memref<10240xf32, #tpu.memory_space<vmem>>[vector<16xi32>], vector<16xf32>,
      %parallel_loop3A_300 = arith.index_cast %parallel_loop3A_293 : i32 to index
      %parallel_loop3A_301 = arith.constant 0 : index
      %parallel_loop3A_302 = tpu.vector_load %arg9[%parallel_loop3A_300, %parallel_loop3A_301] {strides = array<i32>} : memref<125x128xf32, #tpu.memory_space<vmem>>, vector<16xf32>,
      tpu.vector_store_idx %arg12[%parallel_loop3A_296], %parallel_loop3A_302 {add = true} : memref<10240xf32, #tpu.memory_space<vmem>>[vector<16xi32>], vector<16xf32>,
      %parallel_loop3A_303 = arith.index_cast %parallel_loop3A_293 : i32 to index
      %parallel_loop3A_304 = arith.constant 16 : index
      %parallel_loop3A_305 = tpu.vector_load %arg5[%parallel_loop3A_303, %parallel_loop3A_304] {strides = array<i32>} : memref<125x128xi32, #tpu.memory_space<vmem>>, vector<16xi32>,
      %parallel_loop3A_306 = arith.index_cast %parallel_loop3A_293 : i32 to index
      %parallel_loop3A_307 = arith.constant 16 : index
      %parallel_loop3A_308 = tpu.vector_load %arg7[%parallel_loop3A_306, %parallel_loop3A_307] {strides = array<i32>} : memref<125x128xf32, #tpu.memory_space<vmem>>, vector<16xf32>,
      tpu.vector_store_idx %arg11[%parallel_loop3A_305], %parallel_loop3A_308 {add = true} : memref<10240xf32, #tpu.memory_space<vmem>>[vector<16xi32>], vector<16xf32>,
      %parallel_loop3A_309 = arith.index_cast %parallel_loop3A_293 : i32 to index
      %parallel_loop3A_310 = arith.constant 16 : index
      %parallel_loop3A_311 = tpu.vector_load %arg9[%parallel_loop3A_309, %parallel_loop3A_310] {strides = array<i32>} : memref<125x128xf32, #tpu.memory_space<vmem>>, vector<16xf32>,
      tpu.vector_store_idx %arg12[%parallel_loop3A_305], %parallel_loop3A_311 {add = true} : memref<10240xf32, #tpu.memory_space<vmem>>[vector<16xi32>], vector<16xf32>,
      %parallel_loop3A_312 = arith.index_cast %parallel_loop3A_293 : i32 to index
      %parallel_loop3A_313 = arith.constant 32 : index
      %parallel_loop3A_314 = tpu.vector_load %arg5[%parallel_loop3A_312, %parallel_loop3A_313] {strides = array<i32>} : memref<125x128xi32, #tpu.memory_space<vmem>>, vector<16xi32>,
      %parallel_loop3A_315 = arith.index_cast %parallel_loop3A_293 : i32 to index
      %parallel_loop3A_316 = arith.constant 32 : index
      %parallel_loop3A_317 = tpu.vector_load %arg7[%parallel_loop3A_315, %parallel_loop3A_316] {strides = array<i32>} : memref<125x128xf32, #tpu.memory_space<vmem>>, vector<16xf32>,
      tpu.vector_store_idx %arg11[%parallel_loop3A_314], %parallel_loop3A_317 {add = true} : memref<10240xf32, #tpu.memory_space<vmem>>[vector<16xi32>], vector<16xf32>,
      %parallel_loop3A_318 = arith.index_cast %parallel_loop3A_293 : i32 to index
      %parallel_loop3A_319 = arith.constant 32 : index
      %parallel_loop3A_320 = tpu.vector_load %arg9[%parallel_loop3A_318, %parallel_loop3A_319] {strides = array<i32>} : memref<125x128xf32, #tpu.memory_space<vmem>>, vector<16xf32>,
      tpu.vector_store_idx %arg12[%parallel_loop3A_314], %parallel_loop3A_320 {add = true} : memref<10240xf32, #tpu.memory_space<vmem>>[vector<16xi32>], vector<16xf32>,
      %parallel_loop3A_321 = arith.index_cast %parallel_loop3A_293 : i32 to index
      %parallel_loop3A_322 = arith.constant 48 : index
      %parallel_loop3A_323 = tpu.vector_load %arg5[%parallel_loop3A_321, %parallel_loop3A_322] {strides = array<i32>} : memref<125x128xi32, #tpu.memory_space<vmem>>, vector<16xi32>,
      %parallel_loop3A_324 = arith.index_cast %parallel_loop3A_293 : i32 to index
      %parallel_loop3A_325 = arith.constant 48 : index
      %parallel_loop3A_326 = tpu.vector_load %arg7[%parallel_loop3A_324, %parallel_loop3A_325] {strides = array<i32>} : memref<125x128xf32, #tpu.memory_space<vmem>>, vector<16xf32>,
      tpu.vector_store_idx %arg11[%parallel_loop3A_323], %parallel_loop3A_326 {add = true} : memref<10240xf32, #tpu.memory_space<vmem>>[vector<16xi32>], vector<16xf32>,
      %parallel_loop3A_327 = arith.index_cast %parallel_loop3A_293 : i32 to index
      %parallel_loop3A_328 = arith.constant 48 : index
      %parallel_loop3A_329 = tpu.vector_load %arg9[%parallel_loop3A_327, %parallel_loop3A_328] {strides = array<i32>} : memref<125x128xf32, #tpu.memory_space<vmem>>, vector<16xf32>,
      tpu.vector_store_idx %arg12[%parallel_loop3A_323], %parallel_loop3A_329 {add = true} : memref<10240xf32, #tpu.memory_space<vmem>>[vector<16xi32>], vector<16xf32>,
      %parallel_loop3A_330 = arith.index_cast %parallel_loop3A_293 : i32 to index
      %parallel_loop3A_331 = arith.constant 64 : index
      %parallel_loop3A_332 = tpu.vector_load %arg5[%parallel_loop3A_330, %parallel_loop3A_331] {strides = array<i32>} : memref<125x128xi32, #tpu.memory_space<vmem>>, vector<16xi32>,
      %parallel_loop3A_333 = arith.index_cast %parallel_loop3A_293 : i32 to index
      %parallel_loop3A_334 = arith.constant 64 : index
      %parallel_loop3A_335 = tpu.vector_load %arg7[%parallel_loop3A_333, %parallel_loop3A_334] {strides = array<i32>} : memref<125x128xf32, #tpu.memory_space<vmem>>, vector<16xf32>,
      tpu.vector_store_idx %arg11[%parallel_loop3A_332], %parallel_loop3A_335 {add = true} : memref<10240xf32, #tpu.memory_space<vmem>>[vector<16xi32>], vector<16xf32>,
      %parallel_loop3A_336 = arith.index_cast %parallel_loop3A_293 : i32 to index
      %parallel_loop3A_337 = arith.constant 64 : index
      %parallel_loop3A_338 = tpu.vector_load %arg9[%parallel_loop3A_336, %parallel_loop3A_337] {strides = array<i32>} : memref<125x128xf32, #tpu.memory_space<vmem>>, vector<16xf32>,
      tpu.vector_store_idx %arg12[%parallel_loop3A_332], %parallel_loop3A_338 {add = true} : memref<10240xf32, #tpu.memory_space<vmem>>[vector<16xi32>], vector<16xf32>,
      %parallel_loop3A_339 = arith.index_cast %parallel_loop3A_293 : i32 to index
      %parallel_loop3A_340 = arith.constant 80 : index
      %parallel_loop3A_341 = tpu.vector_load %arg5[%parallel_loop3A_339, %parallel_loop3A_340] {strides = array<i32>} : memref<125x128xi32, #tpu.memory_space<vmem>>, vector<16xi32>,
      %parallel_loop3A_342 = arith.index_cast %parallel_loop3A_293 : i32 to index
      %parallel_loop3A_343 = arith.constant 80 : index
      %parallel_loop3A_344 = tpu.vector_load %arg7[%parallel_loop3A_342, %parallel_loop3A_343] {strides = array<i32>} : memref<125x128xf32, #tpu.memory_space<vmem>>, vector<16xf32>,
      tpu.vector_store_idx %arg11[%parallel_loop3A_341], %parallel_loop3A_344 {add = true} : memref<10240xf32, #tpu.memory_space<vmem>>[vector<16xi32>], vector<16xf32>,
      %parallel_loop3A_345 = arith.index_cast %parallel_loop3A_293 : i32 to index
      %parallel_loop3A_346 = arith.constant 80 : index
      %parallel_loop3A_347 = tpu.vector_load %arg9[%parallel_loop3A_345, %parallel_loop3A_346] {strides = array<i32>} : memref<125x128xf32, #tpu.memory_space<vmem>>, vector<16xf32>,
      tpu.vector_store_idx %arg12[%parallel_loop3A_341], %parallel_loop3A_347 {add = true} : memref<10240xf32, #tpu.memory_space<vmem>>[vector<16xi32>], vector<16xf32>,
      %parallel_loop3A_348 = arith.index_cast %parallel_loop3A_293 : i32 to index
      %parallel_loop3A_349 = arith.constant 96 : index
      %parallel_loop3A_350 = tpu.vector_load %arg5[%parallel_loop3A_348, %parallel_loop3A_349] {strides = array<i32>} : memref<125x128xi32, #tpu.memory_space<vmem>>, vector<16xi32>,
      %parallel_loop3A_351 = arith.index_cast %parallel_loop3A_293 : i32 to index
      %parallel_loop3A_352 = arith.constant 96 : index
      %parallel_loop3A_353 = tpu.vector_load %arg7[%parallel_loop3A_351, %parallel_loop3A_352] {strides = array<i32>} : memref<125x128xf32, #tpu.memory_space<vmem>>, vector<16xf32>,
      tpu.vector_store_idx %arg11[%parallel_loop3A_350], %parallel_loop3A_353 {add = true} : memref<10240xf32, #tpu.memory_space<vmem>>[vector<16xi32>], vector<16xf32>,
      %parallel_loop3A_354 = arith.index_cast %parallel_loop3A_293 : i32 to index
      %parallel_loop3A_355 = arith.constant 96 : index
      %parallel_loop3A_356 = tpu.vector_load %arg9[%parallel_loop3A_354, %parallel_loop3A_355] {strides = array<i32>} : memref<125x128xf32, #tpu.memory_space<vmem>>, vector<16xf32>,
      tpu.vector_store_idx %arg12[%parallel_loop3A_350], %parallel_loop3A_356 {add = true} : memref<10240xf32, #tpu.memory_space<vmem>>[vector<16xi32>], vector<16xf32>,
      %parallel_loop3A_357 = arith.index_cast %parallel_loop3A_293 : i32 to index
      %parallel_loop3A_358 = arith.constant 112 : index
      %parallel_loop3A_359 = tpu.vector_load %arg5[%parallel_loop3A_357, %parallel_loop3A_358] {strides = array<i32>} : memref<125x128xi32, #tpu.memory_space<vmem>>, vector<16xi32>,
      %parallel_loop3A_360 = arith.index_cast %parallel_loop3A_293 : i32 to index
      %parallel_loop3A_361 = arith.constant 112 : index
      %parallel_loop3A_362 = tpu.vector_load %arg7[%parallel_loop3A_360, %parallel_loop3A_361] {strides = array<i32>} : memref<125x128xf32, #tpu.memory_space<vmem>>, vector<16xf32>,
      tpu.vector_store_idx %arg11[%parallel_loop3A_359], %parallel_loop3A_362 {add = true} : memref<10240xf32, #tpu.memory_space<vmem>>[vector<16xi32>], vector<16xf32>,
      %parallel_loop3A_363 = arith.index_cast %parallel_loop3A_293 : i32 to index
      %parallel_loop3A_364 = arith.constant 112 : index
      %parallel_loop3A_365 = tpu.vector_load %arg9[%parallel_loop3A_363, %parallel_loop3A_364] {strides = array<i32>} : memref<125x128xf32, #tpu.memory_space<vmem>>, vector<16xf32>,
      tpu.vector_store_idx %arg12[%parallel_loop3A_359], %parallel_loop3A_365 {add = true} : memref<10240xf32, #tpu.memory_space<vmem>>[vector<16xi32>], vector<16xf32>,
    } {sc.loop_unroll_factor = 2 : i64, sc.parallel_access}
    %add3A_114 = arith.constant 250 : i32
    %add3A_115 = arith.addi %mul3A_32, %add3A_114 : i32
    %dma_start3A_116 = arith.constant 0 : i32
    %dma_start3A_117 = arith.constant 0 : i32
    %dma_start3A_118 = tpu.memref_slice %arg2[%add3A_115, %dma_start3A_116, %dma_start3A_117] : memref<2500x2x128xi32, #tpu.memory_space<hbm>> -> memref<125x1x128xi32, #tpu.memory_space<hbm>>
    %dma_start3A_119 = tpu.memref_squeeze %dma_start3A_118 : memref<125x1x128xi32, #tpu.memory_space<hbm>> -> memref<125x128xi32, #tpu.memory_space<hbm>>
    %dma_start3A_120 = arith.constant 0 : i32
    %dma_start3A_121 = tpu.memref_slice %arg2[%add3A_115, %dma_start3A_116, %dma_start3A_120] : memref<2500x2x128xi32, #tpu.memory_space<hbm>> -> memref<125x1x128xi32, #tpu.memory_space<hbm>>
    %dma_start3A_122 = tpu.memref_squeeze %dma_start3A_121 : memref<125x1x128xi32, #tpu.memory_space<hbm>> -> memref<125x128xi32, #tpu.memory_space<hbm>>
    tpu.enqueue_dma source(%dma_start3A_122 : memref<125x128xi32, #tpu.memory_space<hbm>>) target(%arg5 : memref<125x128xi32, #tpu.memory_space<vmem>>) target_semaphore(%arg13 : memref<!tpu.dma_semaphore, #tpu.memory_space<semaphore_mem>>)
    %add3A_123 = arith.constant 250 : i32
    %add3A_124 = arith.addi %mul3A_32, %add3A_123 : i32
    %dma_start3A_125 = arith.constant 0 : i32
    %dma_start3A_126 = arith.constant 0 : i32
    %dma_start3A_127 = tpu.memref_slice %arg3[%dma_start3A_125, %add3A_124, %select_n3A_28, %dma_start3A_126] : memref<2x2500x8x128xf32, #tpu.memory_space<hbm>> -> memref<1x125x1x128xf32, #tpu.memory_space<hbm>>
    %dma_start3A_128 = tpu.memref_squeeze %dma_start3A_127 : memref<1x125x1x128xf32, #tpu.memory_space<hbm>> -> memref<125x128xf32, #tpu.memory_space<hbm>>
    %dma_start3A_129 = arith.constant 0 : i32
    %dma_start3A_130 = tpu.memref_slice %arg3[%dma_start3A_125, %add3A_124, %select_n3A_28, %dma_start3A_129] : memref<2x2500x8x128xf32, #tpu.memory_space<hbm>> -> memref<1x125x1x128xf32, #tpu.memory_space<hbm>>
    %dma_start3A_131 = tpu.memref_squeeze %dma_start3A_130 : memref<1x125x1x128xf32, #tpu.memory_space<hbm>> -> memref<125x128xf32, #tpu.memory_space<hbm>>
    tpu.enqueue_dma source(%dma_start3A_131 : memref<125x128xf32, #tpu.memory_space<hbm>>) target(%arg7 : memref<125x128xf32, #tpu.memory_space<vmem>>) target_semaphore(%arg13 : memref<!tpu.dma_semaphore, #tpu.memory_space<semaphore_mem>>)
    %add3A_132 = arith.constant 250 : i32
    %add3A_133 = arith.addi %mul3A_32, %add3A_132 : i32
    %dma_start3A_134 = arith.constant 1 : i32
    %dma_start3A_135 = arith.constant 0 : i32
    %dma_start3A_136 = tpu.memref_slice %arg3[%dma_start3A_134, %add3A_133, %select_n3A_28, %dma_start3A_135] : memref<2x2500x8x128xf32, #tpu.memory_space<hbm>> -> memref<1x125x1x128xf32, #tpu.memory_space<hbm>>
    %dma_start3A_137 = tpu.memref_squeeze %dma_start3A_136 : memref<1x125x1x128xf32, #tpu.memory_space<hbm>> -> memref<125x128xf32, #tpu.memory_space<hbm>>
    %dma_start3A_138 = arith.constant 0 : i32
    %dma_start3A_139 = tpu.memref_slice %arg3[%dma_start3A_134, %add3A_133, %select_n3A_28, %dma_start3A_138] : memref<2x2500x8x128xf32, #tpu.memory_space<hbm>> -> memref<1x125x1x128xf32, #tpu.memory_space<hbm>>
    %dma_start3A_140 = tpu.memref_squeeze %dma_start3A_139 : memref<1x125x1x128xf32, #tpu.memory_space<hbm>> -> memref<125x128xf32, #tpu.memory_space<hbm>>
    tpu.enqueue_dma source(%dma_start3A_140 : memref<125x128xf32, #tpu.memory_space<hbm>>) target(%arg9 : memref<125x128xf32, #tpu.memory_space<vmem>>) target_semaphore(%arg13 : memref<!tpu.dma_semaphore, #tpu.memory_space<semaphore_mem>>)
    %dma_wait3A_141 = arith.constant 0 : i32
    %dma_wait3A_142 = arith.constant 0 : i32
    %dma_wait3A_143 = tpu.memref_slice %arg2[%add3A_66, %dma_wait3A_141, %dma_wait3A_142] : memref<2500x2x128xi32, #tpu.memory_space<hbm>> -> memref<125x1x128xi32, #tpu.memory_space<hbm>>
    %dma_wait3A_144 = tpu.memref_squeeze %dma_wait3A_143 : memref<125x1x128xi32, #tpu.memory_space<hbm>> -> memref<125x128xi32, #tpu.memory_space<hbm>>
    %dma_wait3A_145 = arith.constant 0 : i32
    %dma_wait3A_146 = tpu.memref_slice %arg2[%add3A_66, %dma_wait3A_141, %dma_wait3A_145] : memref<2500x2x128xi32, #tpu.memory_space<hbm>> -> memref<125x1x128xi32, #tpu.memory_space<hbm>>
    %dma_wait3A_147 = tpu.memref_squeeze %dma_wait3A_146 : memref<125x1x128xi32, #tpu.memory_space<hbm>> -> memref<125x128xi32, #tpu.memory_space<hbm>>
    tpu.wait_dma2 semaphore(%arg14 : memref<!tpu.dma_semaphore, #tpu.memory_space<semaphore_mem>>) src(%dma_wait3A_147 : memref<125x128xi32, #tpu.memory_space<hbm>>) dst(%arg6 : memref<125x128xi32, #tpu.memory_space<vmem>>)
    %dma_wait3A_148 = arith.constant 0 : i32
    %dma_wait3A_149 = arith.constant 0 : i32
    %dma_wait3A_150 = tpu.memref_slice %arg3[%dma_wait3A_148, %add3A_75, %select_n3A_28, %dma_wait3A_149] : memref<2x2500x8x128xf32, #tpu.memory_space<hbm>> -> memref<1x125x1x128xf32, #tpu.memory_space<hbm>>
    %dma_wait3A_151 = tpu.memref_squeeze %dma_wait3A_150 : memref<1x125x1x128xf32, #tpu.memory_space<hbm>> -> memref<125x128xf32, #tpu.memory_space<hbm>>
    %dma_wait3A_152 = arith.constant 0 : i32
    %dma_wait3A_153 = tpu.memref_slice %arg3[%dma_wait3A_148, %add3A_75, %select_n3A_28, %dma_wait3A_152] : memref<2x2500x8x128xf32, #tpu.memory_space<hbm>> -> memref<1x125x1x128xf32, #tpu.memory_space<hbm>>
    %dma_wait3A_154 = tpu.memref_squeeze %dma_wait3A_153 : memref<1x125x1x128xf32, #tpu.memory_space<hbm>> -> memref<125x128xf32, #tpu.memory_space<hbm>>
    tpu.wait_dma2 semaphore(%arg14 : memref<!tpu.dma_semaphore, #tpu.memory_space<semaphore_mem>>) src(%dma_wait3A_154 : memref<125x128xf32, #tpu.memory_space<hbm>>) dst(%arg8 : memref<125x128xf32, #tpu.memory_space<vmem>>)
    %dma_wait3A_155 = arith.constant 1 : i32
    %dma_wait3A_156 = arith.constant 0 : i32
    %dma_wait3A_157 = tpu.memref_slice %arg3[%dma_wait3A_155, %add3A_84, %select_n3A_28, %dma_wait3A_156] : memref<2x2500x8x128xf32, #tpu.memory_space<hbm>> -> memref<1x125x1x128xf32, #tpu.memory_space<hbm>>
    %dma_wait3A_158 = tpu.memref_squeeze %dma_wait3A_157 : memref<1x125x1x128xf32, #tpu.memory_space<hbm>> -> memref<125x128xf32, #tpu.memory_space<hbm>>
    %dma_wait3A_159 = arith.constant 0 : i32
    %dma_wait3A_160 = tpu.memref_slice %arg3[%dma_wait3A_155, %add3A_84, %select_n3A_28, %dma_wait3A_159] : memref<2x2500x8x128xf32, #tpu.memory_space<hbm>> -> memref<1x125x1x128xf32, #tpu.memory_space<hbm>>
    %dma_wait3A_161 = tpu.memref_squeeze %dma_wait3A_160 : memref<1x125x1x128xf32, #tpu.memory_space<hbm>> -> memref<125x128xf32, #tpu.memory_space<hbm>>
    tpu.wait_dma2 semaphore(%arg14 : memref<!tpu.dma_semaphore, #tpu.memory_space<semaphore_mem>>) src(%dma_wait3A_161 : memref<125x128xf32, #tpu.memory_space<hbm>>) dst(%arg10 : memref<125x128xf32, #tpu.memory_space<vmem>>)
    %parallel_loop3A_162 = arith.constant 0 : i32
    %parallel_loop3A_163 = arith.constant 125 : i32
    %parallel_loop3A_164 = arith.constant 1 : i32
    scf.for %parallel_loop3A_293 = %parallel_loop3A_162 to %parallel_loop3A_163 step %parallel_loop3A_164  : i32 {
      %parallel_loop3A_294 = arith.index_cast %parallel_loop3A_293 : i32 to index
      %parallel_loop3A_295 = arith.constant 0 : index
      %parallel_loop3A_296 = tpu.vector_load %arg6[%parallel_loop3A_294, %parallel_loop3A_295] {strides = array<i32>} : memref<125x128xi32, #tpu.memory_space<vmem>>, vector<16xi32>,
      %parallel_loop3A_297 = arith.index_cast %parallel_loop3A_293 : i32 to index
      %parallel_loop3A_298 = arith.constant 0 : index
      %parallel_loop3A_299 = tpu.vector_load %arg8[%parallel_loop3A_297, %parallel_loop3A_298] {strides = array<i32>} : memref<125x128xf32, #tpu.memory_space<vmem>>, vector<16xf32>,
      tpu.vector_store_idx %arg11[%parallel_loop3A_296], %parallel_loop3A_299 {add = true} : memref<10240xf32, #tpu.memory_space<vmem>>[vector<16xi32>], vector<16xf32>,
      %parallel_loop3A_300 = arith.index_cast %parallel_loop3A_293 : i32 to index
      %parallel_loop3A_301 = arith.constant 0 : index
      %parallel_loop3A_302 = tpu.vector_load %arg10[%parallel_loop3A_300, %parallel_loop3A_301] {strides = array<i32>} : memref<125x128xf32, #tpu.memory_space<vmem>>, vector<16xf32>,
      tpu.vector_store_idx %arg12[%parallel_loop3A_296], %parallel_loop3A_302 {add = true} : memref<10240xf32, #tpu.memory_space<vmem>>[vector<16xi32>], vector<16xf32>,
      %parallel_loop3A_303 = arith.index_cast %parallel_loop3A_293 : i32 to index
      %parallel_loop3A_304 = arith.constant 16 : index
      %parallel_loop3A_305 = tpu.vector_load %arg6[%parallel_loop3A_303, %parallel_loop3A_304] {strides = array<i32>} : memref<125x128xi32, #tpu.memory_space<vmem>>, vector<16xi32>,
      %parallel_loop3A_306 = arith.index_cast %parallel_loop3A_293 : i32 to index
      %parallel_loop3A_307 = arith.constant 16 : index
      %parallel_loop3A_308 = tpu.vector_load %arg8[%parallel_loop3A_306, %parallel_loop3A_307] {strides = array<i32>} : memref<125x128xf32, #tpu.memory_space<vmem>>, vector<16xf32>,
      tpu.vector_store_idx %arg11[%parallel_loop3A_305], %parallel_loop3A_308 {add = true} : memref<10240xf32, #tpu.memory_space<vmem>>[vector<16xi32>], vector<16xf32>,
      %parallel_loop3A_309 = arith.index_cast %parallel_loop3A_293 : i32 to index
      %parallel_loop3A_310 = arith.constant 16 : index
      %parallel_loop3A_311 = tpu.vector_load %arg10[%parallel_loop3A_309, %parallel_loop3A_310] {strides = array<i32>} : memref<125x128xf32, #tpu.memory_space<vmem>>, vector<16xf32>,
      tpu.vector_store_idx %arg12[%parallel_loop3A_305], %parallel_loop3A_311 {add = true} : memref<10240xf32, #tpu.memory_space<vmem>>[vector<16xi32>], vector<16xf32>,
      %parallel_loop3A_312 = arith.index_cast %parallel_loop3A_293 : i32 to index
      %parallel_loop3A_313 = arith.constant 32 : index
      %parallel_loop3A_314 = tpu.vector_load %arg6[%parallel_loop3A_312, %parallel_loop3A_313] {strides = array<i32>} : memref<125x128xi32, #tpu.memory_space<vmem>>, vector<16xi32>,
      %parallel_loop3A_315 = arith.index_cast %parallel_loop3A_293 : i32 to index
      %parallel_loop3A_316 = arith.constant 32 : index
      %parallel_loop3A_317 = tpu.vector_load %arg8[%parallel_loop3A_315, %parallel_loop3A_316] {strides = array<i32>} : memref<125x128xf32, #tpu.memory_space<vmem>>, vector<16xf32>,
      tpu.vector_store_idx %arg11[%parallel_loop3A_314], %parallel_loop3A_317 {add = true} : memref<10240xf32, #tpu.memory_space<vmem>>[vector<16xi32>], vector<16xf32>,
      %parallel_loop3A_318 = arith.index_cast %parallel_loop3A_293 : i32 to index
      %parallel_loop3A_319 = arith.constant 32 : index
      %parallel_loop3A_320 = tpu.vector_load %arg10[%parallel_loop3A_318, %parallel_loop3A_319] {strides = array<i32>} : memref<125x128xf32, #tpu.memory_space<vmem>>, vector<16xf32>,
      tpu.vector_store_idx %arg12[%parallel_loop3A_314], %parallel_loop3A_320 {add = true} : memref<10240xf32, #tpu.memory_space<vmem>>[vector<16xi32>], vector<16xf32>,
      %parallel_loop3A_321 = arith.index_cast %parallel_loop3A_293 : i32 to index
      %parallel_loop3A_322 = arith.constant 48 : index
      %parallel_loop3A_323 = tpu.vector_load %arg6[%parallel_loop3A_321, %parallel_loop3A_322] {strides = array<i32>} : memref<125x128xi32, #tpu.memory_space<vmem>>, vector<16xi32>,
      %parallel_loop3A_324 = arith.index_cast %parallel_loop3A_293 : i32 to index
      %parallel_loop3A_325 = arith.constant 48 : index
      %parallel_loop3A_326 = tpu.vector_load %arg8[%parallel_loop3A_324, %parallel_loop3A_325] {strides = array<i32>} : memref<125x128xf32, #tpu.memory_space<vmem>>, vector<16xf32>,
      tpu.vector_store_idx %arg11[%parallel_loop3A_323], %parallel_loop3A_326 {add = true} : memref<10240xf32, #tpu.memory_space<vmem>>[vector<16xi32>], vector<16xf32>,
      %parallel_loop3A_327 = arith.index_cast %parallel_loop3A_293 : i32 to index
      %parallel_loop3A_328 = arith.constant 48 : index
      %parallel_loop3A_329 = tpu.vector_load %arg10[%parallel_loop3A_327, %parallel_loop3A_328] {strides = array<i32>} : memref<125x128xf32, #tpu.memory_space<vmem>>, vector<16xf32>,
      tpu.vector_store_idx %arg12[%parallel_loop3A_323], %parallel_loop3A_329 {add = true} : memref<10240xf32, #tpu.memory_space<vmem>>[vector<16xi32>], vector<16xf32>,
      %parallel_loop3A_330 = arith.index_cast %parallel_loop3A_293 : i32 to index
      %parallel_loop3A_331 = arith.constant 64 : index
      %parallel_loop3A_332 = tpu.vector_load %arg6[%parallel_loop3A_330, %parallel_loop3A_331] {strides = array<i32>} : memref<125x128xi32, #tpu.memory_space<vmem>>, vector<16xi32>,
      %parallel_loop3A_333 = arith.index_cast %parallel_loop3A_293 : i32 to index
      %parallel_loop3A_334 = arith.constant 64 : index
      %parallel_loop3A_335 = tpu.vector_load %arg8[%parallel_loop3A_333, %parallel_loop3A_334] {strides = array<i32>} : memref<125x128xf32, #tpu.memory_space<vmem>>, vector<16xf32>,
      tpu.vector_store_idx %arg11[%parallel_loop3A_332], %parallel_loop3A_335 {add = true} : memref<10240xf32, #tpu.memory_space<vmem>>[vector<16xi32>], vector<16xf32>,
      %parallel_loop3A_336 = arith.index_cast %parallel_loop3A_293 : i32 to index
      %parallel_loop3A_337 = arith.constant 64 : index
      %parallel_loop3A_338 = tpu.vector_load %arg10[%parallel_loop3A_336, %parallel_loop3A_337] {strides = array<i32>} : memref<125x128xf32, #tpu.memory_space<vmem>>, vector<16xf32>,
      tpu.vector_store_idx %arg12[%parallel_loop3A_332], %parallel_loop3A_338 {add = true} : memref<10240xf32, #tpu.memory_space<vmem>>[vector<16xi32>], vector<16xf32>,
      %parallel_loop3A_339 = arith.index_cast %parallel_loop3A_293 : i32 to index
      %parallel_loop3A_340 = arith.constant 80 : index
      %parallel_loop3A_341 = tpu.vector_load %arg6[%parallel_loop3A_339, %parallel_loop3A_340] {strides = array<i32>} : memref<125x128xi32, #tpu.memory_space<vmem>>, vector<16xi32>,
      %parallel_loop3A_342 = arith.index_cast %parallel_loop3A_293 : i32 to index
      %parallel_loop3A_343 = arith.constant 80 : index
      %parallel_loop3A_344 = tpu.vector_load %arg8[%parallel_loop3A_342, %parallel_loop3A_343] {strides = array<i32>} : memref<125x128xf32, #tpu.memory_space<vmem>>, vector<16xf32>,
      tpu.vector_store_idx %arg11[%parallel_loop3A_341], %parallel_loop3A_344 {add = true} : memref<10240xf32, #tpu.memory_space<vmem>>[vector<16xi32>], vector<16xf32>,
      %parallel_loop3A_345 = arith.index_cast %parallel_loop3A_293 : i32 to index
      %parallel_loop3A_346 = arith.constant 80 : index
      %parallel_loop3A_347 = tpu.vector_load %arg10[%parallel_loop3A_345, %parallel_loop3A_346] {strides = array<i32>} : memref<125x128xf32, #tpu.memory_space<vmem>>, vector<16xf32>,
      tpu.vector_store_idx %arg12[%parallel_loop3A_341], %parallel_loop3A_347 {add = true} : memref<10240xf32, #tpu.memory_space<vmem>>[vector<16xi32>], vector<16xf32>,
      %parallel_loop3A_348 = arith.index_cast %parallel_loop3A_293 : i32 to index
      %parallel_loop3A_349 = arith.constant 96 : index
      %parallel_loop3A_350 = tpu.vector_load %arg6[%parallel_loop3A_348, %parallel_loop3A_349] {strides = array<i32>} : memref<125x128xi32, #tpu.memory_space<vmem>>, vector<16xi32>,
      %parallel_loop3A_351 = arith.index_cast %parallel_loop3A_293 : i32 to index
      %parallel_loop3A_352 = arith.constant 96 : index
      %parallel_loop3A_353 = tpu.vector_load %arg8[%parallel_loop3A_351, %parallel_loop3A_352] {strides = array<i32>} : memref<125x128xf32, #tpu.memory_space<vmem>>, vector<16xf32>,
      tpu.vector_store_idx %arg11[%parallel_loop3A_350], %parallel_loop3A_353 {add = true} : memref<10240xf32, #tpu.memory_space<vmem>>[vector<16xi32>], vector<16xf32>,
      %parallel_loop3A_354 = arith.index_cast %parallel_loop3A_293 : i32 to index
      %parallel_loop3A_355 = arith.constant 96 : index
      %parallel_loop3A_356 = tpu.vector_load %arg10[%parallel_loop3A_354, %parallel_loop3A_355] {strides = array<i32>} : memref<125x128xf32, #tpu.memory_space<vmem>>, vector<16xf32>,
      tpu.vector_store_idx %arg12[%parallel_loop3A_350], %parallel_loop3A_356 {add = true} : memref<10240xf32, #tpu.memory_space<vmem>>[vector<16xi32>], vector<16xf32>,
      %parallel_loop3A_357 = arith.index_cast %parallel_loop3A_293 : i32 to index
      %parallel_loop3A_358 = arith.constant 112 : index
      %parallel_loop3A_359 = tpu.vector_load %arg6[%parallel_loop3A_357, %parallel_loop3A_358] {strides = array<i32>} : memref<125x128xi32, #tpu.memory_space<vmem>>, vector<16xi32>,
      %parallel_loop3A_360 = arith.index_cast %parallel_loop3A_293 : i32 to index
      %parallel_loop3A_361 = arith.constant 112 : index
      %parallel_loop3A_362 = tpu.vector_load %arg8[%parallel_loop3A_360, %parallel_loop3A_361] {strides = array<i32>} : memref<125x128xf32, #tpu.memory_space<vmem>>, vector<16xf32>,
      tpu.vector_store_idx %arg11[%parallel_loop3A_359], %parallel_loop3A_362 {add = true} : memref<10240xf32, #tpu.memory_space<vmem>>[vector<16xi32>], vector<16xf32>,
      %parallel_loop3A_363 = arith.index_cast %parallel_loop3A_293 : i32 to index
      %parallel_loop3A_364 = arith.constant 112 : index
      %parallel_loop3A_365 = tpu.vector_load %arg10[%parallel_loop3A_363, %parallel_loop3A_364] {strides = array<i32>} : memref<125x128xf32, #tpu.memory_space<vmem>>, vector<16xf32>,
      tpu.vector_store_idx %arg12[%parallel_loop3A_359], %parallel_loop3A_365 {add = true} : memref<10240xf32, #tpu.memory_space<vmem>>[vector<16xi32>], vector<16xf32>,
    } {sc.loop_unroll_factor = 2 : i64, sc.parallel_access}
    %add3A_165 = arith.constant 375 : i32
    %add3A_166 = arith.addi %mul3A_32, %add3A_165 : i32
    %dma_start3A_167 = arith.constant 0 : i32
    %dma_start3A_168 = arith.constant 0 : i32
    %dma_start3A_169 = tpu.memref_slice %arg2[%add3A_166, %dma_start3A_167, %dma_start3A_168] : memref<2500x2x128xi32, #tpu.memory_space<hbm>> -> memref<125x1x128xi32, #tpu.memory_space<hbm>>
    %dma_start3A_170 = tpu.memref_squeeze %dma_start3A_169 : memref<125x1x128xi32, #tpu.memory_space<hbm>> -> memref<125x128xi32, #tpu.memory_space<hbm>>
    %dma_start3A_171 = arith.constant 0 : i32
    %dma_start3A_172 = tpu.memref_slice %arg2[%add3A_166, %dma_start3A_167, %dma_start3A_171] : memref<2500x2x128xi32, #tpu.memory_space<hbm>> -> memref<125x1x128xi32, #tpu.memory_space<hbm>>
    %dma_start3A_173 = tpu.memref_squeeze %dma_start3A_172 : memref<125x1x128xi32, #tpu.memory_space<hbm>> -> memref<125x128xi32, #tpu.memory_space<hbm>>
    tpu.enqueue_dma source(%dma_start3A_173 : memref<125x128xi32, #tpu.memory_space<hbm>>) target(%arg6 : memref<125x128xi32, #tpu.memory_space<vmem>>) target_semaphore(%arg14 : memref<!tpu.dma_semaphore, #tpu.memory_space<semaphore_mem>>)
    %add3A_174 = arith.constant 375 : i32
    %add3A_175 = arith.addi %mul3A_32, %add3A_174 : i32
    %dma_start3A_176 = arith.constant 0 : i32
    %dma_start3A_177 = arith.constant 0 : i32
    %dma_start3A_178 = tpu.memref_slice %arg3[%dma_start3A_176, %add3A_175, %select_n3A_28, %dma_start3A_177] : memref<2x2500x8x128xf32, #tpu.memory_space<hbm>> -> memref<1x125x1x128xf32, #tpu.memory_space<hbm>>
    %dma_start3A_179 = tpu.memref_squeeze %dma_start3A_178 : memref<1x125x1x128xf32, #tpu.memory_space<hbm>> -> memref<125x128xf32, #tpu.memory_space<hbm>>
    %dma_start3A_180 = arith.constant 0 : i32
    %dma_start3A_181 = tpu.memref_slice %arg3[%dma_start3A_176, %add3A_175, %select_n3A_28, %dma_start3A_180] : memref<2x2500x8x128xf32, #tpu.memory_space<hbm>> -> memref<1x125x1x128xf32, #tpu.memory_space<hbm>>
    %dma_start3A_182 = tpu.memref_squeeze %dma_start3A_181 : memref<1x125x1x128xf32, #tpu.memory_space<hbm>> -> memref<125x128xf32, #tpu.memory_space<hbm>>
    tpu.enqueue_dma source(%dma_start3A_182 : memref<125x128xf32, #tpu.memory_space<hbm>>) target(%arg8 : memref<125x128xf32, #tpu.memory_space<vmem>>) target_semaphore(%arg14 : memref<!tpu.dma_semaphore, #tpu.memory_space<semaphore_mem>>)
    %add3A_183 = arith.constant 375 : i32
    %add3A_184 = arith.addi %mul3A_32, %add3A_183 : i32
    %dma_start3A_185 = arith.constant 1 : i32
    %dma_start3A_186 = arith.constant 0 : i32
    %dma_start3A_187 = tpu.memref_slice %arg3[%dma_start3A_185, %add3A_184, %select_n3A_28, %dma_start3A_186] : memref<2x2500x8x128xf32, #tpu.memory_space<hbm>> -> memref<1x125x1x128xf32, #tpu.memory_space<hbm>>
    %dma_start3A_188 = tpu.memref_squeeze %dma_start3A_187 : memref<1x125x1x128xf32, #tpu.memory_space<hbm>> -> memref<125x128xf32, #tpu.memory_space<hbm>>
    %dma_start3A_189 = arith.constant 0 : i32
    %dma_start3A_190 = tpu.memref_slice %arg3[%dma_start3A_185, %add3A_184, %select_n3A_28, %dma_start3A_189] : memref<2x2500x8x128xf32, #tpu.memory_space<hbm>> -> memref<1x125x1x128xf32, #tpu.memory_space<hbm>>
    %dma_start3A_191 = tpu.memref_squeeze %dma_start3A_190 : memref<1x125x1x128xf32, #tpu.memory_space<hbm>> -> memref<125x128xf32, #tpu.memory_space<hbm>>
    tpu.enqueue_dma source(%dma_start3A_191 : memref<125x128xf32, #tpu.memory_space<hbm>>) target(%arg10 : memref<125x128xf32, #tpu.memory_space<vmem>>) target_semaphore(%arg14 : memref<!tpu.dma_semaphore, #tpu.memory_space<semaphore_mem>>)
    %dma_wait3A_192 = arith.constant 0 : i32
    %dma_wait3A_193 = arith.constant 0 : i32
    %dma_wait3A_194 = tpu.memref_slice %arg2[%add3A_115, %dma_wait3A_192, %dma_wait3A_193] : memref<2500x2x128xi32, #tpu.memory_space<hbm>> -> memref<125x1x128xi32, #tpu.memory_space<hbm>>
    %dma_wait3A_195 = tpu.memref_squeeze %dma_wait3A_194 : memref<125x1x128xi32, #tpu.memory_space<hbm>> -> memref<125x128xi32, #tpu.memory_space<hbm>>
    %dma_wait3A_196 = arith.constant 0 : i32
    %dma_wait3A_197 = tpu.memref_slice %arg2[%add3A_115, %dma_wait3A_192, %dma_wait3A_196] : memref<2500x2x128xi32, #tpu.memory_space<hbm>> -> memref<125x1x128xi32, #tpu.memory_space<hbm>>
    %dma_wait3A_198 = tpu.memref_squeeze %dma_wait3A_197 : memref<125x1x128xi32, #tpu.memory_space<hbm>> -> memref<125x128xi32, #tpu.memory_space<hbm>>
    tpu.wait_dma2 semaphore(%arg13 : memref<!tpu.dma_semaphore, #tpu.memory_space<semaphore_mem>>) src(%dma_wait3A_198 : memref<125x128xi32, #tpu.memory_space<hbm>>) dst(%arg5 : memref<125x128xi32, #tpu.memory_space<vmem>>)
    %dma_wait3A_199 = arith.constant 0 : i32
    %dma_wait3A_200 = arith.constant 0 : i32
    %dma_wait3A_201 = tpu.memref_slice %arg3[%dma_wait3A_199, %add3A_124, %select_n3A_28, %dma_wait3A_200] : memref<2x2500x8x128xf32, #tpu.memory_space<hbm>> -> memref<1x125x1x128xf32, #tpu.memory_space<hbm>>
    %dma_wait3A_202 = tpu.memref_squeeze %dma_wait3A_201 : memref<1x125x1x128xf32, #tpu.memory_space<hbm>> -> memref<125x128xf32, #tpu.memory_space<hbm>>
    %dma_wait3A_203 = arith.constant 0 : i32
    %dma_wait3A_204 = tpu.memref_slice %arg3[%dma_wait3A_199, %add3A_124, %select_n3A_28, %dma_wait3A_203] : memref<2x2500x8x128xf32, #tpu.memory_space<hbm>> -> memref<1x125x1x128xf32, #tpu.memory_space<hbm>>
    %dma_wait3A_205 = tpu.memref_squeeze %dma_wait3A_204 : memref<1x125x1x128xf32, #tpu.memory_space<hbm>> -> memref<125x128xf32, #tpu.memory_space<hbm>>
    tpu.wait_dma2 semaphore(%arg13 : memref<!tpu.dma_semaphore, #tpu.memory_space<semaphore_mem>>) src(%dma_wait3A_205 : memref<125x128xf32, #tpu.memory_space<hbm>>) dst(%arg7 : memref<125x128xf32, #tpu.memory_space<vmem>>)
    %dma_wait3A_206 = arith.constant 1 : i32
    %dma_wait3A_207 = arith.constant 0 : i32
    %dma_wait3A_208 = tpu.memref_slice %arg3[%dma_wait3A_206, %add3A_133, %select_n3A_28, %dma_wait3A_207] : memref<2x2500x8x128xf32, #tpu.memory_space<hbm>> -> memref<1x125x1x128xf32, #tpu.memory_space<hbm>>
    %dma_wait3A_209 = tpu.memref_squeeze %dma_wait3A_208 : memref<1x125x1x128xf32, #tpu.memory_space<hbm>> -> memref<125x128xf32, #tpu.memory_space<hbm>>
    %dma_wait3A_210 = arith.constant 0 : i32
    %dma_wait3A_211 = tpu.memref_slice %arg3[%dma_wait3A_206, %add3A_133, %select_n3A_28, %dma_wait3A_210] : memref<2x2500x8x128xf32, #tpu.memory_space<hbm>> -> memref<1x125x1x128xf32, #tpu.memory_space<hbm>>
    %dma_wait3A_212 = tpu.memref_squeeze %dma_wait3A_211 : memref<1x125x1x128xf32, #tpu.memory_space<hbm>> -> memref<125x128xf32, #tpu.memory_space<hbm>>
    tpu.wait_dma2 semaphore(%arg13 : memref<!tpu.dma_semaphore, #tpu.memory_space<semaphore_mem>>) src(%dma_wait3A_212 : memref<125x128xf32, #tpu.memory_space<hbm>>) dst(%arg9 : memref<125x128xf32, #tpu.memory_space<vmem>>)
    %parallel_loop3A_213 = arith.constant 0 : i32
    %parallel_loop3A_214 = arith.constant 125 : i32
    %parallel_loop3A_215 = arith.constant 1 : i32
    scf.for %parallel_loop3A_293 = %parallel_loop3A_213 to %parallel_loop3A_214 step %parallel_loop3A_215  : i32 {
      %parallel_loop3A_294 = arith.index_cast %parallel_loop3A_293 : i32 to index
      %parallel_loop3A_295 = arith.constant 0 : index
      %parallel_loop3A_296 = tpu.vector_load %arg5[%parallel_loop3A_294, %parallel_loop3A_295] {strides = array<i32>} : memref<125x128xi32, #tpu.memory_space<vmem>>, vector<16xi32>,
      %parallel_loop3A_297 = arith.index_cast %parallel_loop3A_293 : i32 to index
      %parallel_loop3A_298 = arith.constant 0 : index
      %parallel_loop3A_299 = tpu.vector_load %arg7[%parallel_loop3A_297, %parallel_loop3A_298] {strides = array<i32>} : memref<125x128xf32, #tpu.memory_space<vmem>>, vector<16xf32>,
      tpu.vector_store_idx %arg11[%parallel_loop3A_296], %parallel_loop3A_299 {add = true} : memref<10240xf32, #tpu.memory_space<vmem>>[vector<16xi32>], vector<16xf32>,
      %parallel_loop3A_300 = arith.index_cast %parallel_loop3A_293 : i32 to index
      %parallel_loop3A_301 = arith.constant 0 : index
      %parallel_loop3A_302 = tpu.vector_load %arg9[%parallel_loop3A_300, %parallel_loop3A_301] {strides = array<i32>} : memref<125x128xf32, #tpu.memory_space<vmem>>, vector<16xf32>,
      tpu.vector_store_idx %arg12[%parallel_loop3A_296], %parallel_loop3A_302 {add = true} : memref<10240xf32, #tpu.memory_space<vmem>>[vector<16xi32>], vector<16xf32>,
      %parallel_loop3A_303 = arith.index_cast %parallel_loop3A_293 : i32 to index
      %parallel_loop3A_304 = arith.constant 16 : index
      %parallel_loop3A_305 = tpu.vector_load %arg5[%parallel_loop3A_303, %parallel_loop3A_304] {strides = array<i32>} : memref<125x128xi32, #tpu.memory_space<vmem>>, vector<16xi32>,
      %parallel_loop3A_306 = arith.index_cast %parallel_loop3A_293 : i32 to index
      %parallel_loop3A_307 = arith.constant 16 : index
      %parallel_loop3A_308 = tpu.vector_load %arg7[%parallel_loop3A_306, %parallel_loop3A_307] {strides = array<i32>} : memref<125x128xf32, #tpu.memory_space<vmem>>, vector<16xf32>,
      tpu.vector_store_idx %arg11[%parallel_loop3A_305], %parallel_loop3A_308 {add = true} : memref<10240xf32, #tpu.memory_space<vmem>>[vector<16xi32>], vector<16xf32>,
      %parallel_loop3A_309 = arith.index_cast %parallel_loop3A_293 : i32 to index
      %parallel_loop3A_310 = arith.constant 16 : index
      %parallel_loop3A_311 = tpu.vector_load %arg9[%parallel_loop3A_309, %parallel_loop3A_310] {strides = array<i32>} : memref<125x128xf32, #tpu.memory_space<vmem>>, vector<16xf32>,
      tpu.vector_store_idx %arg12[%parallel_loop3A_305], %parallel_loop3A_311 {add = true} : memref<10240xf32, #tpu.memory_space<vmem>>[vector<16xi32>], vector<16xf32>,
      %parallel_loop3A_312 = arith.index_cast %parallel_loop3A_293 : i32 to index
      %parallel_loop3A_313 = arith.constant 32 : index
      %parallel_loop3A_314 = tpu.vector_load %arg5[%parallel_loop3A_312, %parallel_loop3A_313] {strides = array<i32>} : memref<125x128xi32, #tpu.memory_space<vmem>>, vector<16xi32>,
      %parallel_loop3A_315 = arith.index_cast %parallel_loop3A_293 : i32 to index
      %parallel_loop3A_316 = arith.constant 32 : index
      %parallel_loop3A_317 = tpu.vector_load %arg7[%parallel_loop3A_315, %parallel_loop3A_316] {strides = array<i32>} : memref<125x128xf32, #tpu.memory_space<vmem>>, vector<16xf32>,
      tpu.vector_store_idx %arg11[%parallel_loop3A_314], %parallel_loop3A_317 {add = true} : memref<10240xf32, #tpu.memory_space<vmem>>[vector<16xi32>], vector<16xf32>,
      %parallel_loop3A_318 = arith.index_cast %parallel_loop3A_293 : i32 to index
      %parallel_loop3A_319 = arith.constant 32 : index
      %parallel_loop3A_320 = tpu.vector_load %arg9[%parallel_loop3A_318, %parallel_loop3A_319] {strides = array<i32>} : memref<125x128xf32, #tpu.memory_space<vmem>>, vector<16xf32>,
      tpu.vector_store_idx %arg12[%parallel_loop3A_314], %parallel_loop3A_320 {add = true} : memref<10240xf32, #tpu.memory_space<vmem>>[vector<16xi32>], vector<16xf32>,
      %parallel_loop3A_321 = arith.index_cast %parallel_loop3A_293 : i32 to index
      %parallel_loop3A_322 = arith.constant 48 : index
      %parallel_loop3A_323 = tpu.vector_load %arg5[%parallel_loop3A_321, %parallel_loop3A_322] {strides = array<i32>} : memref<125x128xi32, #tpu.memory_space<vmem>>, vector<16xi32>,
      %parallel_loop3A_324 = arith.index_cast %parallel_loop3A_293 : i32 to index
      %parallel_loop3A_325 = arith.constant 48 : index
      %parallel_loop3A_326 = tpu.vector_load %arg7[%parallel_loop3A_324, %parallel_loop3A_325] {strides = array<i32>} : memref<125x128xf32, #tpu.memory_space<vmem>>, vector<16xf32>,
      tpu.vector_store_idx %arg11[%parallel_loop3A_323], %parallel_loop3A_326 {add = true} : memref<10240xf32, #tpu.memory_space<vmem>>[vector<16xi32>], vector<16xf32>,
      %parallel_loop3A_327 = arith.index_cast %parallel_loop3A_293 : i32 to index
      %parallel_loop3A_328 = arith.constant 48 : index
      %parallel_loop3A_329 = tpu.vector_load %arg9[%parallel_loop3A_327, %parallel_loop3A_328] {strides = array<i32>} : memref<125x128xf32, #tpu.memory_space<vmem>>, vector<16xf32>,
      tpu.vector_store_idx %arg12[%parallel_loop3A_323], %parallel_loop3A_329 {add = true} : memref<10240xf32, #tpu.memory_space<vmem>>[vector<16xi32>], vector<16xf32>,
      %parallel_loop3A_330 = arith.index_cast %parallel_loop3A_293 : i32 to index
      %parallel_loop3A_331 = arith.constant 64 : index
      %parallel_loop3A_332 = tpu.vector_load %arg5[%parallel_loop3A_330, %parallel_loop3A_331] {strides = array<i32>} : memref<125x128xi32, #tpu.memory_space<vmem>>, vector<16xi32>,
      %parallel_loop3A_333 = arith.index_cast %parallel_loop3A_293 : i32 to index
      %parallel_loop3A_334 = arith.constant 64 : index
      %parallel_loop3A_335 = tpu.vector_load %arg7[%parallel_loop3A_333, %parallel_loop3A_334] {strides = array<i32>} : memref<125x128xf32, #tpu.memory_space<vmem>>, vector<16xf32>,
      tpu.vector_store_idx %arg11[%parallel_loop3A_332], %parallel_loop3A_335 {add = true} : memref<10240xf32, #tpu.memory_space<vmem>>[vector<16xi32>], vector<16xf32>,
      %parallel_loop3A_336 = arith.index_cast %parallel_loop3A_293 : i32 to index
      %parallel_loop3A_337 = arith.constant 64 : index
      %parallel_loop3A_338 = tpu.vector_load %arg9[%parallel_loop3A_336, %parallel_loop3A_337] {strides = array<i32>} : memref<125x128xf32, #tpu.memory_space<vmem>>, vector<16xf32>,
      tpu.vector_store_idx %arg12[%parallel_loop3A_332], %parallel_loop3A_338 {add = true} : memref<10240xf32, #tpu.memory_space<vmem>>[vector<16xi32>], vector<16xf32>,
      %parallel_loop3A_339 = arith.index_cast %parallel_loop3A_293 : i32 to index
      %parallel_loop3A_340 = arith.constant 80 : index
      %parallel_loop3A_341 = tpu.vector_load %arg5[%parallel_loop3A_339, %parallel_loop3A_340] {strides = array<i32>} : memref<125x128xi32, #tpu.memory_space<vmem>>, vector<16xi32>,
      %parallel_loop3A_342 = arith.index_cast %parallel_loop3A_293 : i32 to index
      %parallel_loop3A_343 = arith.constant 80 : index
      %parallel_loop3A_344 = tpu.vector_load %arg7[%parallel_loop3A_342, %parallel_loop3A_343] {strides = array<i32>} : memref<125x128xf32, #tpu.memory_space<vmem>>, vector<16xf32>,
      tpu.vector_store_idx %arg11[%parallel_loop3A_341], %parallel_loop3A_344 {add = true} : memref<10240xf32, #tpu.memory_space<vmem>>[vector<16xi32>], vector<16xf32>,
      %parallel_loop3A_345 = arith.index_cast %parallel_loop3A_293 : i32 to index
      %parallel_loop3A_346 = arith.constant 80 : index
      %parallel_loop3A_347 = tpu.vector_load %arg9[%parallel_loop3A_345, %parallel_loop3A_346] {strides = array<i32>} : memref<125x128xf32, #tpu.memory_space<vmem>>, vector<16xf32>,
      tpu.vector_store_idx %arg12[%parallel_loop3A_341], %parallel_loop3A_347 {add = true} : memref<10240xf32, #tpu.memory_space<vmem>>[vector<16xi32>], vector<16xf32>,
      %parallel_loop3A_348 = arith.index_cast %parallel_loop3A_293 : i32 to index
      %parallel_loop3A_349 = arith.constant 96 : index
      %parallel_loop3A_350 = tpu.vector_load %arg5[%parallel_loop3A_348, %parallel_loop3A_349] {strides = array<i32>} : memref<125x128xi32, #tpu.memory_space<vmem>>, vector<16xi32>,
      %parallel_loop3A_351 = arith.index_cast %parallel_loop3A_293 : i32 to index
      %parallel_loop3A_352 = arith.constant 96 : index
      %parallel_loop3A_353 = tpu.vector_load %arg7[%parallel_loop3A_351, %parallel_loop3A_352] {strides = array<i32>} : memref<125x128xf32, #tpu.memory_space<vmem>>, vector<16xf32>,
      tpu.vector_store_idx %arg11[%parallel_loop3A_350], %parallel_loop3A_353 {add = true} : memref<10240xf32, #tpu.memory_space<vmem>>[vector<16xi32>], vector<16xf32>,
      %parallel_loop3A_354 = arith.index_cast %parallel_loop3A_293 : i32 to index
      %parallel_loop3A_355 = arith.constant 96 : index
      %parallel_loop3A_356 = tpu.vector_load %arg9[%parallel_loop3A_354, %parallel_loop3A_355] {strides = array<i32>} : memref<125x128xf32, #tpu.memory_space<vmem>>, vector<16xf32>,
      tpu.vector_store_idx %arg12[%parallel_loop3A_350], %parallel_loop3A_356 {add = true} : memref<10240xf32, #tpu.memory_space<vmem>>[vector<16xi32>], vector<16xf32>,
      %parallel_loop3A_357 = arith.index_cast %parallel_loop3A_293 : i32 to index
      %parallel_loop3A_358 = arith.constant 112 : index
      %parallel_loop3A_359 = tpu.vector_load %arg5[%parallel_loop3A_357, %parallel_loop3A_358] {strides = array<i32>} : memref<125x128xi32, #tpu.memory_space<vmem>>, vector<16xi32>,
      %parallel_loop3A_360 = arith.index_cast %parallel_loop3A_293 : i32 to index
      %parallel_loop3A_361 = arith.constant 112 : index
      %parallel_loop3A_362 = tpu.vector_load %arg7[%parallel_loop3A_360, %parallel_loop3A_361] {strides = array<i32>} : memref<125x128xf32, #tpu.memory_space<vmem>>, vector<16xf32>,
      tpu.vector_store_idx %arg11[%parallel_loop3A_359], %parallel_loop3A_362 {add = true} : memref<10240xf32, #tpu.memory_space<vmem>>[vector<16xi32>], vector<16xf32>,
      %parallel_loop3A_363 = arith.index_cast %parallel_loop3A_293 : i32 to index
      %parallel_loop3A_364 = arith.constant 112 : index
      %parallel_loop3A_365 = tpu.vector_load %arg9[%parallel_loop3A_363, %parallel_loop3A_364] {strides = array<i32>} : memref<125x128xf32, #tpu.memory_space<vmem>>, vector<16xf32>,
      tpu.vector_store_idx %arg12[%parallel_loop3A_359], %parallel_loop3A_365 {add = true} : memref<10240xf32, #tpu.memory_space<vmem>>[vector<16xi32>], vector<16xf32>,
    } {sc.loop_unroll_factor = 2 : i64, sc.parallel_access}
    %add3A_216 = arith.constant 500 : i32
    %add3A_217 = arith.addi %mul3A_32, %add3A_216 : i32
    %dma_start3A_218 = arith.constant 0 : i32
    %dma_start3A_219 = arith.constant 0 : i32
    %dma_start3A_220 = tpu.memref_slice %arg2[%add3A_217, %dma_start3A_218, %dma_start3A_219] : memref<2500x2x128xi32, #tpu.memory_space<hbm>> -> memref<125x1x128xi32, #tpu.memory_space<hbm>>
    %dma_start3A_221 = tpu.memref_squeeze %dma_start3A_220 : memref<125x1x128xi32, #tpu.memory_space<hbm>> -> memref<125x128xi32, #tpu.memory_space<hbm>>
    %dma_start3A_222 = arith.constant 0 : i32
    %dma_start3A_223 = tpu.memref_slice %arg2[%add3A_217, %dma_start3A_218, %dma_start3A_222] : memref<2500x2x128xi32, #tpu.memory_space<hbm>> -> memref<125x1x128xi32, #tpu.memory_space<hbm>>
    %dma_start3A_224 = tpu.memref_squeeze %dma_start3A_223 : memref<125x1x128xi32, #tpu.memory_space<hbm>> -> memref<125x128xi32, #tpu.memory_space<hbm>>
    tpu.enqueue_dma source(%dma_start3A_224 : memref<125x128xi32, #tpu.memory_space<hbm>>) target(%arg5 : memref<125x128xi32, #tpu.memory_space<vmem>>) target_semaphore(%arg13 : memref<!tpu.dma_semaphore, #tpu.memory_space<semaphore_mem>>)
    %add3A_225 = arith.constant 500 : i32
    %add3A_226 = arith.addi %mul3A_32, %add3A_225 : i32
    %dma_start3A_227 = arith.constant 0 : i32
    %dma_start3A_228 = arith.constant 0 : i32
    %dma_start3A_229 = tpu.memref_slice %arg3[%dma_start3A_227, %add3A_226, %select_n3A_28, %dma_start3A_228] : memref<2x2500x8x128xf32, #tpu.memory_space<hbm>> -> memref<1x125x1x128xf32, #tpu.memory_space<hbm>>
    %dma_start3A_230 = tpu.memref_squeeze %dma_start3A_229 : memref<1x125x1x128xf32, #tpu.memory_space<hbm>> -> memref<125x128xf32, #tpu.memory_space<hbm>>
    %dma_start3A_231 = arith.constant 0 : i32
    %dma_start3A_232 = tpu.memref_slice %arg3[%dma_start3A_227, %add3A_226, %select_n3A_28, %dma_start3A_231] : memref<2x2500x8x128xf32, #tpu.memory_space<hbm>> -> memref<1x125x1x128xf32, #tpu.memory_space<hbm>>
    %dma_start3A_233 = tpu.memref_squeeze %dma_start3A_232 : memref<1x125x1x128xf32, #tpu.memory_space<hbm>> -> memref<125x128xf32, #tpu.memory_space<hbm>>
    tpu.enqueue_dma source(%dma_start3A_233 : memref<125x128xf32, #tpu.memory_space<hbm>>) target(%arg7 : memref<125x128xf32, #tpu.memory_space<vmem>>) target_semaphore(%arg13 : memref<!tpu.dma_semaphore, #tpu.memory_space<semaphore_mem>>)
    %add3A_234 = arith.constant 500 : i32
    %add3A_235 = arith.addi %mul3A_32, %add3A_234 : i32
    %dma_start3A_236 = arith.constant 1 : i32
    %dma_start3A_237 = arith.constant 0 : i32
    %dma_start3A_238 = tpu.memref_slice %arg3[%dma_start3A_236, %add3A_235, %select_n3A_28, %dma_start3A_237] : memref<2x2500x8x128xf32, #tpu.memory_space<hbm>> -> memref<1x125x1x128xf32, #tpu.memory_space<hbm>>
    %dma_start3A_239 = tpu.memref_squeeze %dma_start3A_238 : memref<1x125x1x128xf32, #tpu.memory_space<hbm>> -> memref<125x128xf32, #tpu.memory_space<hbm>>
    %dma_start3A_240 = arith.constant 0 : i32
    %dma_start3A_241 = tpu.memref_slice %arg3[%dma_start3A_236, %add3A_235, %select_n3A_28, %dma_start3A_240] : memref<2x2500x8x128xf32, #tpu.memory_space<hbm>> -> memref<1x125x1x128xf32, #tpu.memory_space<hbm>>
    %dma_start3A_242 = tpu.memref_squeeze %dma_start3A_241 : memref<1x125x1x128xf32, #tpu.memory_space<hbm>> -> memref<125x128xf32, #tpu.memory_space<hbm>>
    tpu.enqueue_dma source(%dma_start3A_242 : memref<125x128xf32, #tpu.memory_space<hbm>>) target(%arg9 : memref<125x128xf32, #tpu.memory_space<vmem>>) target_semaphore(%arg13 : memref<!tpu.dma_semaphore, #tpu.memory_space<semaphore_mem>>)
    %dma_wait3A_243 = arith.constant 0 : i32
    %dma_wait3A_244 = arith.constant 0 : i32
    %dma_wait3A_245 = tpu.memref_slice %arg2[%add3A_166, %dma_wait3A_243, %dma_wait3A_244] : memref<2500x2x128xi32, #tpu.memory_space<hbm>> -> memref<125x1x128xi32, #tpu.memory_space<hbm>>
    %dma_wait3A_246 = tpu.memref_squeeze %dma_wait3A_245 : memref<125x1x128xi32, #tpu.memory_space<hbm>> -> memref<125x128xi32, #tpu.memory_space<hbm>>
    %dma_wait3A_247 = arith.constant 0 : i32
    %dma_wait3A_248 = tpu.memref_slice %arg2[%add3A_166, %dma_wait3A_243, %dma_wait3A_247] : memref<2500x2x128xi32, #tpu.memory_space<hbm>> -> memref<125x1x128xi32, #tpu.memory_space<hbm>>
    %dma_wait3A_249 = tpu.memref_squeeze %dma_wait3A_248 : memref<125x1x128xi32, #tpu.memory_space<hbm>> -> memref<125x128xi32, #tpu.memory_space<hbm>>
    tpu.wait_dma2 semaphore(%arg14 : memref<!tpu.dma_semaphore, #tpu.memory_space<semaphore_mem>>) src(%dma_wait3A_249 : memref<125x128xi32, #tpu.memory_space<hbm>>) dst(%arg6 : memref<125x128xi32, #tpu.memory_space<vmem>>)
    %dma_wait3A_250 = arith.constant 0 : i32
    %dma_wait3A_251 = arith.constant 0 : i32
    %dma_wait3A_252 = tpu.memref_slice %arg3[%dma_wait3A_250, %add3A_175, %select_n3A_28, %dma_wait3A_251] : memref<2x2500x8x128xf32, #tpu.memory_space<hbm>> -> memref<1x125x1x128xf32, #tpu.memory_space<hbm>>
    %dma_wait3A_253 = tpu.memref_squeeze %dma_wait3A_252 : memref<1x125x1x128xf32, #tpu.memory_space<hbm>> -> memref<125x128xf32, #tpu.memory_space<hbm>>
    %dma_wait3A_254 = arith.constant 0 : i32
    %dma_wait3A_255 = tpu.memref_slice %arg3[%dma_wait3A_250, %add3A_175, %select_n3A_28, %dma_wait3A_254] : memref<2x2500x8x128xf32, #tpu.memory_space<hbm>> -> memref<1x125x1x128xf32, #tpu.memory_space<hbm>>
    %dma_wait3A_256 = tpu.memref_squeeze %dma_wait3A_255 : memref<1x125x1x128xf32, #tpu.memory_space<hbm>> -> memref<125x128xf32, #tpu.memory_space<hbm>>
    tpu.wait_dma2 semaphore(%arg14 : memref<!tpu.dma_semaphore, #tpu.memory_space<semaphore_mem>>) src(%dma_wait3A_256 : memref<125x128xf32, #tpu.memory_space<hbm>>) dst(%arg8 : memref<125x128xf32, #tpu.memory_space<vmem>>)
    %dma_wait3A_257 = arith.constant 1 : i32
    %dma_wait3A_258 = arith.constant 0 : i32
    %dma_wait3A_259 = tpu.memref_slice %arg3[%dma_wait3A_257, %add3A_184, %select_n3A_28, %dma_wait3A_258] : memref<2x2500x8x128xf32, #tpu.memory_space<hbm>> -> memref<1x125x1x128xf32, #tpu.memory_space<hbm>>
    %dma_wait3A_260 = tpu.memref_squeeze %dma_wait3A_259 : memref<1x125x1x128xf32, #tpu.memory_space<hbm>> -> memref<125x128xf32, #tpu.memory_space<hbm>>
    %dma_wait3A_261 = arith.constant 0 : i32
    %dma_wait3A_262 = tpu.memref_slice %arg3[%dma_wait3A_257, %add3A_184, %select_n3A_28, %dma_wait3A_261] : memref<2x2500x8x128xf32, #tpu.memory_space<hbm>> -> memref<1x125x1x128xf32, #tpu.memory_space<hbm>>
    %dma_wait3A_263 = tpu.memref_squeeze %dma_wait3A_262 : memref<1x125x1x128xf32, #tpu.memory_space<hbm>> -> memref<125x128xf32, #tpu.memory_space<hbm>>
    tpu.wait_dma2 semaphore(%arg14 : memref<!tpu.dma_semaphore, #tpu.memory_space<semaphore_mem>>) src(%dma_wait3A_263 : memref<125x128xf32, #tpu.memory_space<hbm>>) dst(%arg10 : memref<125x128xf32, #tpu.memory_space<vmem>>)
    %parallel_loop3A_264 = arith.constant 0 : i32
    %parallel_loop3A_265 = arith.constant 125 : i32
    %parallel_loop3A_266 = arith.constant 1 : i32
    scf.for %parallel_loop3A_293 = %parallel_loop3A_264 to %parallel_loop3A_265 step %parallel_loop3A_266  : i32 {
      %parallel_loop3A_294 = arith.index_cast %parallel_loop3A_293 : i32 to index
      %parallel_loop3A_295 = arith.constant 0 : index
      %parallel_loop3A_296 = tpu.vector_load %arg6[%parallel_loop3A_294, %parallel_loop3A_295] {strides = array<i32>} : memref<125x128xi32, #tpu.memory_space<vmem>>, vector<16xi32>,
      %parallel_loop3A_297 = arith.index_cast %parallel_loop3A_293 : i32 to index
      %parallel_loop3A_298 = arith.constant 0 : index
      %parallel_loop3A_299 = tpu.vector_load %arg8[%parallel_loop3A_297, %parallel_loop3A_298] {strides = array<i32>} : memref<125x128xf32, #tpu.memory_space<vmem>>, vector<16xf32>,
      tpu.vector_store_idx %arg11[%parallel_loop3A_296], %parallel_loop3A_299 {add = true} : memref<10240xf32, #tpu.memory_space<vmem>>[vector<16xi32>], vector<16xf32>,
      %parallel_loop3A_300 = arith.index_cast %parallel_loop3A_293 : i32 to index
      %parallel_loop3A_301 = arith.constant 0 : index
      %parallel_loop3A_302 = tpu.vector_load %arg10[%parallel_loop3A_300, %parallel_loop3A_301] {strides = array<i32>} : memref<125x128xf32, #tpu.memory_space<vmem>>, vector<16xf32>,
      tpu.vector_store_idx %arg12[%parallel_loop3A_296], %parallel_loop3A_302 {add = true} : memref<10240xf32, #tpu.memory_space<vmem>>[vector<16xi32>], vector<16xf32>,
      %parallel_loop3A_303 = arith.index_cast %parallel_loop3A_293 : i32 to index
      %parallel_loop3A_304 = arith.constant 16 : index
      %parallel_loop3A_305 = tpu.vector_load %arg6[%parallel_loop3A_303, %parallel_loop3A_304] {strides = array<i32>} : memref<125x128xi32, #tpu.memory_space<vmem>>, vector<16xi32>,
      %parallel_loop3A_306 = arith.index_cast %parallel_loop3A_293 : i32 to index
      %parallel_loop3A_307 = arith.constant 16 : index
      %parallel_loop3A_308 = tpu.vector_load %arg8[%parallel_loop3A_306, %parallel_loop3A_307] {strides = array<i32>} : memref<125x128xf32, #tpu.memory_space<vmem>>, vector<16xf32>,
      tpu.vector_store_idx %arg11[%parallel_loop3A_305], %parallel_loop3A_308 {add = true} : memref<10240xf32, #tpu.memory_space<vmem>>[vector<16xi32>], vector<16xf32>,
      %parallel_loop3A_309 = arith.index_cast %parallel_loop3A_293 : i32 to index
      %parallel_loop3A_310 = arith.constant 16 : index
      %parallel_loop3A_311 = tpu.vector_load %arg10[%parallel_loop3A_309, %parallel_loop3A_310] {strides = array<i32>} : memref<125x128xf32, #tpu.memory_space<vmem>>, vector<16xf32>,
      tpu.vector_store_idx %arg12[%parallel_loop3A_305], %parallel_loop3A_311 {add = true} : memref<10240xf32, #tpu.memory_space<vmem>>[vector<16xi32>], vector<16xf32>,
      %parallel_loop3A_312 = arith.index_cast %parallel_loop3A_293 : i32 to index
      %parallel_loop3A_313 = arith.constant 32 : index
      %parallel_loop3A_314 = tpu.vector_load %arg6[%parallel_loop3A_312, %parallel_loop3A_313] {strides = array<i32>} : memref<125x128xi32, #tpu.memory_space<vmem>>, vector<16xi32>,
      %parallel_loop3A_315 = arith.index_cast %parallel_loop3A_293 : i32 to index
      %parallel_loop3A_316 = arith.constant 32 : index
      %parallel_loop3A_317 = tpu.vector_load %arg8[%parallel_loop3A_315, %parallel_loop3A_316] {strides = array<i32>} : memref<125x128xf32, #tpu.memory_space<vmem>>, vector<16xf32>,
      tpu.vector_store_idx %arg11[%parallel_loop3A_314], %parallel_loop3A_317 {add = true} : memref<10240xf32, #tpu.memory_space<vmem>>[vector<16xi32>], vector<16xf32>,
      %parallel_loop3A_318 = arith.index_cast %parallel_loop3A_293 : i32 to index
      %parallel_loop3A_319 = arith.constant 32 : index
      %parallel_loop3A_320 = tpu.vector_load %arg10[%parallel_loop3A_318, %parallel_loop3A_319] {strides = array<i32>} : memref<125x128xf32, #tpu.memory_space<vmem>>, vector<16xf32>,
      tpu.vector_store_idx %arg12[%parallel_loop3A_314], %parallel_loop3A_320 {add = true} : memref<10240xf32, #tpu.memory_space<vmem>>[vector<16xi32>], vector<16xf32>,
      %parallel_loop3A_321 = arith.index_cast %parallel_loop3A_293 : i32 to index
      %parallel_loop3A_322 = arith.constant 48 : index
      %parallel_loop3A_323 = tpu.vector_load %arg6[%parallel_loop3A_321, %parallel_loop3A_322] {strides = array<i32>} : memref<125x128xi32, #tpu.memory_space<vmem>>, vector<16xi32>,
      %parallel_loop3A_324 = arith.index_cast %parallel_loop3A_293 : i32 to index
      %parallel_loop3A_325 = arith.constant 48 : index
      %parallel_loop3A_326 = tpu.vector_load %arg8[%parallel_loop3A_324, %parallel_loop3A_325] {strides = array<i32>} : memref<125x128xf32, #tpu.memory_space<vmem>>, vector<16xf32>,
      tpu.vector_store_idx %arg11[%parallel_loop3A_323], %parallel_loop3A_326 {add = true} : memref<10240xf32, #tpu.memory_space<vmem>>[vector<16xi32>], vector<16xf32>,
      %parallel_loop3A_327 = arith.index_cast %parallel_loop3A_293 : i32 to index
      %parallel_loop3A_328 = arith.constant 48 : index
      %parallel_loop3A_329 = tpu.vector_load %arg10[%parallel_loop3A_327, %parallel_loop3A_328] {strides = array<i32>} : memref<125x128xf32, #tpu.memory_space<vmem>>, vector<16xf32>,
      tpu.vector_store_idx %arg12[%parallel_loop3A_323], %parallel_loop3A_329 {add = true} : memref<10240xf32, #tpu.memory_space<vmem>>[vector<16xi32>], vector<16xf32>,
      %parallel_loop3A_330 = arith.index_cast %parallel_loop3A_293 : i32 to index
      %parallel_loop3A_331 = arith.constant 64 : index
      %parallel_loop3A_332 = tpu.vector_load %arg6[%parallel_loop3A_330, %parallel_loop3A_331] {strides = array<i32>} : memref<125x128xi32, #tpu.memory_space<vmem>>, vector<16xi32>,
      %parallel_loop3A_333 = arith.index_cast %parallel_loop3A_293 : i32 to index
      %parallel_loop3A_334 = arith.constant 64 : index
      %parallel_loop3A_335 = tpu.vector_load %arg8[%parallel_loop3A_333, %parallel_loop3A_334] {strides = array<i32>} : memref<125x128xf32, #tpu.memory_space<vmem>>, vector<16xf32>,
      tpu.vector_store_idx %arg11[%parallel_loop3A_332], %parallel_loop3A_335 {add = true} : memref<10240xf32, #tpu.memory_space<vmem>>[vector<16xi32>], vector<16xf32>,
      %parallel_loop3A_336 = arith.index_cast %parallel_loop3A_293 : i32 to index
      %parallel_loop3A_337 = arith.constant 64 : index
      %parallel_loop3A_338 = tpu.vector_load %arg10[%parallel_loop3A_336, %parallel_loop3A_337] {strides = array<i32>} : memref<125x128xf32, #tpu.memory_space<vmem>>, vector<16xf32>,
      tpu.vector_store_idx %arg12[%parallel_loop3A_332], %parallel_loop3A_338 {add = true} : memref<10240xf32, #tpu.memory_space<vmem>>[vector<16xi32>], vector<16xf32>,
      %parallel_loop3A_339 = arith.index_cast %parallel_loop3A_293 : i32 to index
      %parallel_loop3A_340 = arith.constant 80 : index
      %parallel_loop3A_341 = tpu.vector_load %arg6[%parallel_loop3A_339, %parallel_loop3A_340] {strides = array<i32>} : memref<125x128xi32, #tpu.memory_space<vmem>>, vector<16xi32>,
      %parallel_loop3A_342 = arith.index_cast %parallel_loop3A_293 : i32 to index
      %parallel_loop3A_343 = arith.constant 80 : index
      %parallel_loop3A_344 = tpu.vector_load %arg8[%parallel_loop3A_342, %parallel_loop3A_343] {strides = array<i32>} : memref<125x128xf32, #tpu.memory_space<vmem>>, vector<16xf32>,
      tpu.vector_store_idx %arg11[%parallel_loop3A_341], %parallel_loop3A_344 {add = true} : memref<10240xf32, #tpu.memory_space<vmem>>[vector<16xi32>], vector<16xf32>,
      %parallel_loop3A_345 = arith.index_cast %parallel_loop3A_293 : i32 to index
      %parallel_loop3A_346 = arith.constant 80 : index
      %parallel_loop3A_347 = tpu.vector_load %arg10[%parallel_loop3A_345, %parallel_loop3A_346] {strides = array<i32>} : memref<125x128xf32, #tpu.memory_space<vmem>>, vector<16xf32>,
      tpu.vector_store_idx %arg12[%parallel_loop3A_341], %parallel_loop3A_347 {add = true} : memref<10240xf32, #tpu.memory_space<vmem>>[vector<16xi32>], vector<16xf32>,
      %parallel_loop3A_348 = arith.index_cast %parallel_loop3A_293 : i32 to index
      %parallel_loop3A_349 = arith.constant 96 : index
      %parallel_loop3A_350 = tpu.vector_load %arg6[%parallel_loop3A_348, %parallel_loop3A_349] {strides = array<i32>} : memref<125x128xi32, #tpu.memory_space<vmem>>, vector<16xi32>,
      %parallel_loop3A_351 = arith.index_cast %parallel_loop3A_293 : i32 to index
      %parallel_loop3A_352 = arith.constant 96 : index
      %parallel_loop3A_353 = tpu.vector_load %arg8[%parallel_loop3A_351, %parallel_loop3A_352] {strides = array<i32>} : memref<125x128xf32, #tpu.memory_space<vmem>>, vector<16xf32>,
      tpu.vector_store_idx %arg11[%parallel_loop3A_350], %parallel_loop3A_353 {add = true} : memref<10240xf32, #tpu.memory_space<vmem>>[vector<16xi32>], vector<16xf32>,
      %parallel_loop3A_354 = arith.index_cast %parallel_loop3A_293 : i32 to index
      %parallel_loop3A_355 = arith.constant 96 : index
      %parallel_loop3A_356 = tpu.vector_load %arg10[%parallel_loop3A_354, %parallel_loop3A_355] {strides = array<i32>} : memref<125x128xf32, #tpu.memory_space<vmem>>, vector<16xf32>,
      tpu.vector_store_idx %arg12[%parallel_loop3A_350], %parallel_loop3A_356 {add = true} : memref<10240xf32, #tpu.memory_space<vmem>>[vector<16xi32>], vector<16xf32>,
      %parallel_loop3A_357 = arith.index_cast %parallel_loop3A_293 : i32 to index
      %parallel_loop3A_358 = arith.constant 112 : index
      %parallel_loop3A_359 = tpu.vector_load %arg6[%parallel_loop3A_357, %parallel_loop3A_358] {strides = array<i32>} : memref<125x128xi32, #tpu.memory_space<vmem>>, vector<16xi32>,
      %parallel_loop3A_360 = arith.index_cast %parallel_loop3A_293 : i32 to index
      %parallel_loop3A_361 = arith.constant 112 : index
      %parallel_loop3A_362 = tpu.vector_load %arg8[%parallel_loop3A_360, %parallel_loop3A_361] {strides = array<i32>} : memref<125x128xf32, #tpu.memory_space<vmem>>, vector<16xf32>,
      tpu.vector_store_idx %arg11[%parallel_loop3A_359], %parallel_loop3A_362 {add = true} : memref<10240xf32, #tpu.memory_space<vmem>>[vector<16xi32>], vector<16xf32>,
      %parallel_loop3A_363 = arith.index_cast %parallel_loop3A_293 : i32 to index
      %parallel_loop3A_364 = arith.constant 112 : index
      %parallel_loop3A_365 = tpu.vector_load %arg10[%parallel_loop3A_363, %parallel_loop3A_364] {strides = array<i32>} : memref<125x128xf32, #tpu.memory_space<vmem>>, vector<16xf32>,
      tpu.vector_store_idx %arg12[%parallel_loop3A_359], %parallel_loop3A_365 {add = true} : memref<10240xf32, #tpu.memory_space<vmem>>[vector<16xi32>], vector<16xf32>,
    } {sc.loop_unroll_factor = 2 : i64, sc.parallel_access}
    %dma_wait3A_267 = arith.constant 0 : i32
    %dma_wait3A_268 = arith.constant 0 : i32
    %dma_wait3A_269 = tpu.memref_slice %arg2[%add3A_217, %dma_wait3A_267, %dma_wait3A_268] : memref<2500x2x128xi32, #tpu.memory_space<hbm>> -> memref<125x1x128xi32, #tpu.memory_space<hbm>>
    %dma_wait3A_270 = tpu.memref_squeeze %dma_wait3A_269 : memref<125x1x128xi32, #tpu.memory_space<hbm>> -> memref<125x128xi32, #tpu.memory_space<hbm>>
    %dma_wait3A_271 = arith.constant 0 : i32
    %dma_wait3A_272 = tpu.memref_slice %arg2[%add3A_217, %dma_wait3A_267, %dma_wait3A_271] : memref<2500x2x128xi32, #tpu.memory_space<hbm>> -> memref<125x1x128xi32, #tpu.memory_space<hbm>>
    %dma_wait3A_273 = tpu.memref_squeeze %dma_wait3A_272 : memref<125x1x128xi32, #tpu.memory_space<hbm>> -> memref<125x128xi32, #tpu.memory_space<hbm>>
    tpu.wait_dma2 semaphore(%arg13 : memref<!tpu.dma_semaphore, #tpu.memory_space<semaphore_mem>>) src(%dma_wait3A_273 : memref<125x128xi32, #tpu.memory_space<hbm>>) dst(%arg5 : memref<125x128xi32, #tpu.memory_space<vmem>>)
    %dma_wait3A_274 = arith.constant 0 : i32
    %dma_wait3A_275 = arith.constant 0 : i32
    %dma_wait3A_276 = tpu.memref_slice %arg3[%dma_wait3A_274, %add3A_226, %select_n3A_28, %dma_wait3A_275] : memref<2x2500x8x128xf32, #tpu.memory_space<hbm>> -> memref<1x125x1x128xf32, #tpu.memory_space<hbm>>
    %dma_wait3A_277 = tpu.memref_squeeze %dma_wait3A_276 : memref<1x125x1x128xf32, #tpu.memory_space<hbm>> -> memref<125x128xf32, #tpu.memory_space<hbm>>
    %dma_wait3A_278 = arith.constant 0 : i32
    %dma_wait3A_279 = tpu.memref_slice %arg3[%dma_wait3A_274, %add3A_226, %select_n3A_28, %dma_wait3A_278] : memref<2x2500x8x128xf32, #tpu.memory_space<hbm>> -> memref<1x125x1x128xf32, #tpu.memory_space<hbm>>
    %dma_wait3A_280 = tpu.memref_squeeze %dma_wait3A_279 : memref<1x125x1x128xf32, #tpu.memory_space<hbm>> -> memref<125x128xf32, #tpu.memory_space<hbm>>
    tpu.wait_dma2 semaphore(%arg13 : memref<!tpu.dma_semaphore, #tpu.memory_space<semaphore_mem>>) src(%dma_wait3A_280 : memref<125x128xf32, #tpu.memory_space<hbm>>) dst(%arg7 : memref<125x128xf32, #tpu.memory_space<vmem>>)
    %dma_wait3A_281 = arith.constant 1 : i32
    %dma_wait3A_282 = arith.constant 0 : i32
    %dma_wait3A_283 = tpu.memref_slice %arg3[%dma_wait3A_281, %add3A_235, %select_n3A_28, %dma_wait3A_282] : memref<2x2500x8x128xf32, #tpu.memory_space<hbm>> -> memref<1x125x1x128xf32, #tpu.memory_space<hbm>>
    %dma_wait3A_284 = tpu.memref_squeeze %dma_wait3A_283 : memref<1x125x1x128xf32, #tpu.memory_space<hbm>> -> memref<125x128xf32, #tpu.memory_space<hbm>>
    %dma_wait3A_285 = arith.constant 0 : i32
    %dma_wait3A_286 = tpu.memref_slice %arg3[%dma_wait3A_281, %add3A_235, %select_n3A_28, %dma_wait3A_285] : memref<2x2500x8x128xf32, #tpu.memory_space<hbm>> -> memref<1x125x1x128xf32, #tpu.memory_space<hbm>>
    %dma_wait3A_287 = tpu.memref_squeeze %dma_wait3A_286 : memref<1x125x1x128xf32, #tpu.memory_space<hbm>> -> memref<125x128xf32, #tpu.memory_space<hbm>>
    tpu.wait_dma2 semaphore(%arg13 : memref<!tpu.dma_semaphore, #tpu.memory_space<semaphore_mem>>) src(%dma_wait3A_287 : memref<125x128xf32, #tpu.memory_space<hbm>>) dst(%arg9 : memref<125x128xf32, #tpu.memory_space<vmem>>)
    %parallel_loop3A_288 = arith.constant 0 : i32
    %parallel_loop3A_289 = arith.constant 125 : i32
    %parallel_loop3A_290 = arith.constant 1 : i32
    scf.for %parallel_loop3A_293 = %parallel_loop3A_288 to %parallel_loop3A_289 step %parallel_loop3A_290  : i32 {
      %parallel_loop3A_294 = arith.index_cast %parallel_loop3A_293 : i32 to index
      %parallel_loop3A_295 = arith.constant 0 : index
      %parallel_loop3A_296 = tpu.vector_load %arg5[%parallel_loop3A_294, %parallel_loop3A_295] {strides = array<i32>} : memref<125x128xi32, #tpu.memory_space<vmem>>, vector<16xi32>,
      %parallel_loop3A_297 = arith.index_cast %parallel_loop3A_293 : i32 to index
      %parallel_loop3A_298 = arith.constant 0 : index
      %parallel_loop3A_299 = tpu.vector_load %arg7[%parallel_loop3A_297, %parallel_loop3A_298] {strides = array<i32>} : memref<125x128xf32, #tpu.memory_space<vmem>>, vector<16xf32>,
      tpu.vector_store_idx %arg11[%parallel_loop3A_296], %parallel_loop3A_299 {add = true} : memref<10240xf32, #tpu.memory_space<vmem>>[vector<16xi32>], vector<16xf32>,
      %parallel_loop3A_300 = arith.index_cast %parallel_loop3A_293 : i32 to index
      %parallel_loop3A_301 = arith.constant 0 : index
      %parallel_loop3A_302 = tpu.vector_load %arg9[%parallel_loop3A_300, %parallel_loop3A_301] {strides = array<i32>} : memref<125x128xf32, #tpu.memory_space<vmem>>, vector<16xf32>,
      tpu.vector_store_idx %arg12[%parallel_loop3A_296], %parallel_loop3A_302 {add = true} : memref<10240xf32, #tpu.memory_space<vmem>>[vector<16xi32>], vector<16xf32>,
      %parallel_loop3A_303 = arith.index_cast %parallel_loop3A_293 : i32 to index
      %parallel_loop3A_304 = arith.constant 16 : index
      %parallel_loop3A_305 = tpu.vector_load %arg5[%parallel_loop3A_303, %parallel_loop3A_304] {strides = array<i32>} : memref<125x128xi32, #tpu.memory_space<vmem>>, vector<16xi32>,
      %parallel_loop3A_306 = arith.index_cast %parallel_loop3A_293 : i32 to index
      %parallel_loop3A_307 = arith.constant 16 : index
      %parallel_loop3A_308 = tpu.vector_load %arg7[%parallel_loop3A_306, %parallel_loop3A_307] {strides = array<i32>} : memref<125x128xf32, #tpu.memory_space<vmem>>, vector<16xf32>,
      tpu.vector_store_idx %arg11[%parallel_loop3A_305], %parallel_loop3A_308 {add = true} : memref<10240xf32, #tpu.memory_space<vmem>>[vector<16xi32>], vector<16xf32>,
      %parallel_loop3A_309 = arith.index_cast %parallel_loop3A_293 : i32 to index
      %parallel_loop3A_310 = arith.constant 16 : index
      %parallel_loop3A_311 = tpu.vector_load %arg9[%parallel_loop3A_309, %parallel_loop3A_310] {strides = array<i32>} : memref<125x128xf32, #tpu.memory_space<vmem>>, vector<16xf32>,
      tpu.vector_store_idx %arg12[%parallel_loop3A_305], %parallel_loop3A_311 {add = true} : memref<10240xf32, #tpu.memory_space<vmem>>[vector<16xi32>], vector<16xf32>,
      %parallel_loop3A_312 = arith.index_cast %parallel_loop3A_293 : i32 to index
      %parallel_loop3A_313 = arith.constant 32 : index
      %parallel_loop3A_314 = tpu.vector_load %arg5[%parallel_loop3A_312, %parallel_loop3A_313] {strides = array<i32>} : memref<125x128xi32, #tpu.memory_space<vmem>>, vector<16xi32>,
      %parallel_loop3A_315 = arith.index_cast %parallel_loop3A_293 : i32 to index
      %parallel_loop3A_316 = arith.constant 32 : index
      %parallel_loop3A_317 = tpu.vector_load %arg7[%parallel_loop3A_315, %parallel_loop3A_316] {strides = array<i32>} : memref<125x128xf32, #tpu.memory_space<vmem>>, vector<16xf32>,
      tpu.vector_store_idx %arg11[%parallel_loop3A_314], %parallel_loop3A_317 {add = true} : memref<10240xf32, #tpu.memory_space<vmem>>[vector<16xi32>], vector<16xf32>,
      %parallel_loop3A_318 = arith.index_cast %parallel_loop3A_293 : i32 to index
      %parallel_loop3A_319 = arith.constant 32 : index
      %parallel_loop3A_320 = tpu.vector_load %arg9[%parallel_loop3A_318, %parallel_loop3A_319] {strides = array<i32>} : memref<125x128xf32, #tpu.memory_space<vmem>>, vector<16xf32>,
      tpu.vector_store_idx %arg12[%parallel_loop3A_314], %parallel_loop3A_320 {add = true} : memref<10240xf32, #tpu.memory_space<vmem>>[vector<16xi32>], vector<16xf32>,
      %parallel_loop3A_321 = arith.index_cast %parallel_loop3A_293 : i32 to index
      %parallel_loop3A_322 = arith.constant 48 : index
      %parallel_loop3A_323 = tpu.vector_load %arg5[%parallel_loop3A_321, %parallel_loop3A_322] {strides = array<i32>} : memref<125x128xi32, #tpu.memory_space<vmem>>, vector<16xi32>,
      %parallel_loop3A_324 = arith.index_cast %parallel_loop3A_293 : i32 to index
      %parallel_loop3A_325 = arith.constant 48 : index
      %parallel_loop3A_326 = tpu.vector_load %arg7[%parallel_loop3A_324, %parallel_loop3A_325] {strides = array<i32>} : memref<125x128xf32, #tpu.memory_space<vmem>>, vector<16xf32>,
      tpu.vector_store_idx %arg11[%parallel_loop3A_323], %parallel_loop3A_326 {add = true} : memref<10240xf32, #tpu.memory_space<vmem>>[vector<16xi32>], vector<16xf32>,
      %parallel_loop3A_327 = arith.index_cast %parallel_loop3A_293 : i32 to index
      %parallel_loop3A_328 = arith.constant 48 : index
      %parallel_loop3A_329 = tpu.vector_load %arg9[%parallel_loop3A_327, %parallel_loop3A_328] {strides = array<i32>} : memref<125x128xf32, #tpu.memory_space<vmem>>, vector<16xf32>,
      tpu.vector_store_idx %arg12[%parallel_loop3A_323], %parallel_loop3A_329 {add = true} : memref<10240xf32, #tpu.memory_space<vmem>>[vector<16xi32>], vector<16xf32>,
      %parallel_loop3A_330 = arith.index_cast %parallel_loop3A_293 : i32 to index
      %parallel_loop3A_331 = arith.constant 64 : index
      %parallel_loop3A_332 = tpu.vector_load %arg5[%parallel_loop3A_330, %parallel_loop3A_331] {strides = array<i32>} : memref<125x128xi32, #tpu.memory_space<vmem>>, vector<16xi32>,
      %parallel_loop3A_333 = arith.index_cast %parallel_loop3A_293 : i32 to index
      %parallel_loop3A_334 = arith.constant 64 : index
      %parallel_loop3A_335 = tpu.vector_load %arg7[%parallel_loop3A_333, %parallel_loop3A_334] {strides = array<i32>} : memref<125x128xf32, #tpu.memory_space<vmem>>, vector<16xf32>,
      tpu.vector_store_idx %arg11[%parallel_loop3A_332], %parallel_loop3A_335 {add = true} : memref<10240xf32, #tpu.memory_space<vmem>>[vector<16xi32>], vector<16xf32>,
      %parallel_loop3A_336 = arith.index_cast %parallel_loop3A_293 : i32 to index
      %parallel_loop3A_337 = arith.constant 64 : index
      %parallel_loop3A_338 = tpu.vector_load %arg9[%parallel_loop3A_336, %parallel_loop3A_337] {strides = array<i32>} : memref<125x128xf32, #tpu.memory_space<vmem>>, vector<16xf32>,
      tpu.vector_store_idx %arg12[%parallel_loop3A_332], %parallel_loop3A_338 {add = true} : memref<10240xf32, #tpu.memory_space<vmem>>[vector<16xi32>], vector<16xf32>,
      %parallel_loop3A_339 = arith.index_cast %parallel_loop3A_293 : i32 to index
      %parallel_loop3A_340 = arith.constant 80 : index
      %parallel_loop3A_341 = tpu.vector_load %arg5[%parallel_loop3A_339, %parallel_loop3A_340] {strides = array<i32>} : memref<125x128xi32, #tpu.memory_space<vmem>>, vector<16xi32>,
      %parallel_loop3A_342 = arith.index_cast %parallel_loop3A_293 : i32 to index
      %parallel_loop3A_343 = arith.constant 80 : index
      %parallel_loop3A_344 = tpu.vector_load %arg7[%parallel_loop3A_342, %parallel_loop3A_343] {strides = array<i32>} : memref<125x128xf32, #tpu.memory_space<vmem>>, vector<16xf32>,
      tpu.vector_store_idx %arg11[%parallel_loop3A_341], %parallel_loop3A_344 {add = true} : memref<10240xf32, #tpu.memory_space<vmem>>[vector<16xi32>], vector<16xf32>,
      %parallel_loop3A_345 = arith.index_cast %parallel_loop3A_293 : i32 to index
      %parallel_loop3A_346 = arith.constant 80 : index
      %parallel_loop3A_347 = tpu.vector_load %arg9[%parallel_loop3A_345, %parallel_loop3A_346] {strides = array<i32>} : memref<125x128xf32, #tpu.memory_space<vmem>>, vector<16xf32>,
      tpu.vector_store_idx %arg12[%parallel_loop3A_341], %parallel_loop3A_347 {add = true} : memref<10240xf32, #tpu.memory_space<vmem>>[vector<16xi32>], vector<16xf32>,
      %parallel_loop3A_348 = arith.index_cast %parallel_loop3A_293 : i32 to index
      %parallel_loop3A_349 = arith.constant 96 : index
      %parallel_loop3A_350 = tpu.vector_load %arg5[%parallel_loop3A_348, %parallel_loop3A_349] {strides = array<i32>} : memref<125x128xi32, #tpu.memory_space<vmem>>, vector<16xi32>,
      %parallel_loop3A_351 = arith.index_cast %parallel_loop3A_293 : i32 to index
      %parallel_loop3A_352 = arith.constant 96 : index
      %parallel_loop3A_353 = tpu.vector_load %arg7[%parallel_loop3A_351, %parallel_loop3A_352] {strides = array<i32>} : memref<125x128xf32, #tpu.memory_space<vmem>>, vector<16xf32>,
      tpu.vector_store_idx %arg11[%parallel_loop3A_350], %parallel_loop3A_353 {add = true} : memref<10240xf32, #tpu.memory_space<vmem>>[vector<16xi32>], vector<16xf32>,
      %parallel_loop3A_354 = arith.index_cast %parallel_loop3A_293 : i32 to index
      %parallel_loop3A_355 = arith.constant 96 : index
      %parallel_loop3A_356 = tpu.vector_load %arg9[%parallel_loop3A_354, %parallel_loop3A_355] {strides = array<i32>} : memref<125x128xf32, #tpu.memory_space<vmem>>, vector<16xf32>,
      tpu.vector_store_idx %arg12[%parallel_loop3A_350], %parallel_loop3A_356 {add = true} : memref<10240xf32, #tpu.memory_space<vmem>>[vector<16xi32>], vector<16xf32>,
      %parallel_loop3A_357 = arith.index_cast %parallel_loop3A_293 : i32 to index
      %parallel_loop3A_358 = arith.constant 112 : index
      %parallel_loop3A_359 = tpu.vector_load %arg5[%parallel_loop3A_357, %parallel_loop3A_358] {strides = array<i32>} : memref<125x128xi32, #tpu.memory_space<vmem>>, vector<16xi32>,
      %parallel_loop3A_360 = arith.index_cast %parallel_loop3A_293 : i32 to index
      %parallel_loop3A_361 = arith.constant 112 : index
      %parallel_loop3A_362 = tpu.vector_load %arg7[%parallel_loop3A_360, %parallel_loop3A_361] {strides = array<i32>} : memref<125x128xf32, #tpu.memory_space<vmem>>, vector<16xf32>,
      tpu.vector_store_idx %arg11[%parallel_loop3A_359], %parallel_loop3A_362 {add = true} : memref<10240xf32, #tpu.memory_space<vmem>>[vector<16xi32>], vector<16xf32>,
      %parallel_loop3A_363 = arith.index_cast %parallel_loop3A_293 : i32 to index
      %parallel_loop3A_364 = arith.constant 112 : index
      %parallel_loop3A_365 = tpu.vector_load %arg9[%parallel_loop3A_363, %parallel_loop3A_364] {strides = array<i32>} : memref<125x128xf32, #tpu.memory_space<vmem>>, vector<16xf32>,
      tpu.vector_store_idx %arg12[%parallel_loop3A_359], %parallel_loop3A_365 {add = true} : memref<10240xf32, #tpu.memory_space<vmem>>[vector<16xi32>], vector<16xf32>,
    } {sc.loop_unroll_factor = 2 : i64, sc.parallel_access}
    "tpu.region"() ({
      %run_scoped3A = tpu.sem_alloc : memref<!tpu.dma_semaphore, #tpu.memory_space<semaphore_mem>>
      %dma_start3A_293 = arith.constant 0 : i32
      %dma_start3A_294 = tpu.memref_slice %arg4[%arg0, %select_n3A, %select_n3A_28, %dma_start3A_293] : memref<2x2x16x10240xf32, #tpu.memory_space<hbm>> -> memref<1x1x1x10240xf32, #tpu.memory_space<hbm>>
      %dma_start3A_295 = tpu.memref_squeeze %dma_start3A_294 : memref<1x1x1x10240xf32, #tpu.memory_space<hbm>> -> memref<10240xf32, #tpu.memory_space<hbm>>
      %dma_start3A_296 = arith.constant 0 : i32
      %dma_start3A_297 = tpu.memref_slice %arg4[%arg0, %select_n3A, %select_n3A_28, %dma_start3A_296] : memref<2x2x16x10240xf32, #tpu.memory_space<hbm>> -> memref<1x1x1x10240xf32, #tpu.memory_space<hbm>>
      %dma_start3A_298 = tpu.memref_squeeze %dma_start3A_297 : memref<1x1x1x10240xf32, #tpu.memory_space<hbm>> -> memref<10240xf32, #tpu.memory_space<hbm>>
      tpu.enqueue_dma source(%arg11 : memref<10240xf32, #tpu.memory_space<vmem>>) target(%dma_start3A_298 : memref<10240xf32, #tpu.memory_space<hbm>>) target_semaphore(%run_scoped3A : memref<!tpu.dma_semaphore, #tpu.memory_space<semaphore_mem>>)
      %dma_wait3A_299 = arith.constant 0 : i32
      %dma_wait3A_300 = tpu.memref_slice %arg4[%arg0, %select_n3A, %select_n3A_28, %dma_wait3A_299] : memref<2x2x16x10240xf32, #tpu.memory_space<hbm>> -> memref<1x1x1x10240xf32, #tpu.memory_space<hbm>>
      %dma_wait3A_301 = tpu.memref_squeeze %dma_wait3A_300 : memref<1x1x1x10240xf32, #tpu.memory_space<hbm>> -> memref<10240xf32, #tpu.memory_space<hbm>>
      %dma_wait3A_302 = arith.constant 0 : i32
      %dma_wait3A_303 = tpu.memref_slice %arg4[%arg0, %select_n3A, %select_n3A_28, %dma_wait3A_302] : memref<2x2x16x10240xf32, #tpu.memory_space<hbm>> -> memref<1x1x1x10240xf32, #tpu.memory_space<hbm>>
      %dma_wait3A_304 = tpu.memref_squeeze %dma_wait3A_303 : memref<1x1x1x10240xf32, #tpu.memory_space<hbm>> -> memref<10240xf32, #tpu.memory_space<hbm>>
      tpu.wait_dma2 semaphore(%run_scoped3A : memref<!tpu.dma_semaphore, #tpu.memory_space<semaphore_mem>>) src(%arg11 : memref<10240xf32, #tpu.memory_space<vmem>>) dst(%dma_wait3A_304 : memref<10240xf32, #tpu.memory_space<hbm>>)
      tpu.yield
    }) : () -> ()
    %add3A_291 = arith.constant 8 : i32
    %add3A_292 = arith.addi %select_n3A_28, %add3A_291 : i32
    "tpu.region"() ({
      %run_scoped3A = tpu.sem_alloc : memref<!tpu.dma_semaphore, #tpu.memory_space<semaphore_mem>>
      %dma_start3A_293 = arith.constant 0 : i32
      %dma_start3A_294 = tpu.memref_slice %arg4[%arg0, %select_n3A, %add3A_292, %dma_start3A_293] : memref<2x2x16x10240xf32, #tpu.memory_space<hbm>> -> memref<1x1x1x10240xf32, #tpu.memory_space<hbm>>
      %dma_start3A_295 = tpu.memref_squeeze %dma_start3A_294 : memref<1x1x1x10240xf32, #tpu.memory_space<hbm>> -> memref<10240xf32, #tpu.memory_space<hbm>>
      %dma_start3A_296 = arith.constant 0 : i32
      %dma_start3A_297 = tpu.memref_slice %arg4[%arg0, %select_n3A, %add3A_292, %dma_start3A_296] : memref<2x2x16x10240xf32, #tpu.memory_space<hbm>> -> memref<1x1x1x10240xf32, #tpu.memory_space<hbm>>
      %dma_start3A_298 = tpu.memref_squeeze %dma_start3A_297 : memref<1x1x1x10240xf32, #tpu.memory_space<hbm>> -> memref<10240xf32, #tpu.memory_space<hbm>>
      tpu.enqueue_dma source(%arg12 : memref<10240xf32, #tpu.memory_space<vmem>>) target(%dma_start3A_298 : memref<10240xf32, #tpu.memory_space<hbm>>) target_semaphore(%run_scoped3A : memref<!tpu.dma_semaphore, #tpu.memory_space<semaphore_mem>>)
      %dma_wait3A_299 = arith.constant 0 : i32
      %dma_wait3A_300 = tpu.memref_slice %arg4[%arg0, %select_n3A, %add3A_292, %dma_wait3A_299] : memref<2x2x16x10240xf32, #tpu.memory_space<hbm>> -> memref<1x1x1x10240xf32, #tpu.memory_space<hbm>>
      %dma_wait3A_301 = tpu.memref_squeeze %dma_wait3A_300 : memref<1x1x1x10240xf32, #tpu.memory_space<hbm>> -> memref<10240xf32, #tpu.memory_space<hbm>>
      %dma_wait3A_302 = arith.constant 0 : i32
      %dma_wait3A_303 = tpu.memref_slice %arg4[%arg0, %select_n3A, %add3A_292, %dma_wait3A_302] : memref<2x2x16x10240xf32, #tpu.memory_space<hbm>> -> memref<1x1x1x10240xf32, #tpu.memory_space<hbm>>
      %dma_wait3A_304 = tpu.memref_squeeze %dma_wait3A_303 : memref<1x1x1x10240xf32, #tpu.memory_space<hbm>> -> memref<10240xf32, #tpu.memory_space<hbm>>
      tpu.wait_dma2 semaphore(%run_scoped3A : memref<!tpu.dma_semaphore, #tpu.memory_space<semaphore_mem>>) src(%arg12 : memref<10240xf32, #tpu.memory_space<vmem>>) dst(%dma_wait3A_304 : memref<10240xf32, #tpu.memory_space<hbm>>)
      tpu.yield
    }) : () -> ()
    return
  }
}

module attributes {stable_mosaic.version = 14 : i64} {
  func.func @body(%arg0: i32, %arg1: memref<2048x128xf32, #tpu.memory_space<vmem>>, %arg2: memref<128x128xf32, #tpu.memory_space<vmem>>, %arg3: memref<128x1xf32, #tpu.memory_space<vmem>>, %arg4: memref<128x2048xf32, #tpu.memory_space<vmem>>) attributes {dimension_semantics = [#tpu.dimension_semantics<arbitrary>], iteration_bounds = array<i64: 5>, scalar_prefetch = 0 : i64, scratch_operands = 0 : i64, tpu.core_type = #tpu.core_type<tc>, window_params = [{transform_indices = @transform_0, window_bounds = array<i64: 2048, 128>}, {pipeline_mode = #tpu.pipeline_mode<synchronous>, transform_indices = @transform_1, window_bounds = array<i64: 128, 128>}, {pipeline_mode = #tpu.pipeline_mode<synchronous>, transform_indices = @transform_2, window_bounds = array<i64: 128, 1>}, {transform_indices = @transform_3, window_bounds = array<i64: 128, 2048>}]} {
    %get3A = arith.constant 0 : index
    %get3A_0 = arith.constant 0 : index
    %get3A_1 = vector.load %arg2[%get3A, %get3A_0] : memref<128x128xf32, #tpu.memory_space<vmem>>, vector<128x128xf32>
    %get3A_2 = arith.constant 0 : index
    %get3A_3 = arith.constant 0 : index
    %get3A_4 = vector.load %arg1[%get3A_2, %get3A_3] : memref<2048x128xf32, #tpu.memory_space<vmem>>, vector<2048x128xf32>
    %dot_general3A = arith.constant dense<0.000000e+00> : vector<128x2048xf32>
    %dot_general3A_5 = tpu.matmul %get3A_1, %get3A_4, %dot_general3A {dimension_numbers = #tpu.dot_dimension_numbers<[1], [1], [0], [0], [0, 0, 1, 0], [], []>, transpose_lhs_hint = false} : vector<128x128xf32>, vector<2048x128xf32>, vector<128x2048xf32> -> vector<128x2048xf32>
    %get3A_6 = arith.constant 0 : index
    %get3A_7 = arith.constant 0 : index
    %get3A_8 = vector.load %arg3[%get3A_6, %get3A_7] : memref<128x1xf32, #tpu.memory_space<vmem>>, vector<128x1xf32>
    %add3A = vector.broadcast %get3A_8 : vector<128x1xf32> to vector<128x2048xf32>
    %add3A_9 = arith.addf %dot_general3A_5, %add3A : vector<128x2048xf32>
    %max3A = arith.constant 0.000000e+00 : f32
    %max3A_10 = vector.broadcast %max3A : f32 to vector<128x2048xf32>
    %max3A_11 = arith.maximumf %add3A_9, %max3A_10 : vector<128x2048xf32>
    %swap3A = arith.constant 0 : index
    %swap3A_12 = arith.constant 0 : index
    %swap3A_13 = vector.load %arg4[%swap3A, %swap3A_12] : memref<128x2048xf32, #tpu.memory_space<vmem>>, vector<128x2048xf32>
    tpu.vector_store %arg4[%swap3A, %swap3A_12], %max3A_11 {strides = array<i32>} : memref<128x2048xf32, #tpu.memory_space<vmem>>, vector<128x2048xf32>,
    return
  }
  func.func @transform_0(%arg0: i32) -> (i32, i32) {
    %c0_i32 = arith.constant 0 : i32
    %c0_i32_0 = arith.constant 0 : i32
    return %arg0, %c0_i32 : i32, i32
  }
  func.func @transform_1(%arg0: i32) -> (i32, i32) {
    %c0_i32 = arith.constant 0 : i32
    %c0_i32_0 = arith.constant 0 : i32
    %c0_i32_1 = arith.constant 0 : i32
    return %c0_i32, %c0_i32_0 : i32, i32
  }
  func.func @transform_2(%arg0: i32) -> (i32, i32) {
    %c0_i32 = arith.constant 0 : i32
    %c0_i32_0 = arith.constant 0 : i32
    %c0_i32_1 = arith.constant 0 : i32
    return %c0_i32, %c0_i32_0 : i32, i32
  }
  func.func @transform_3(%arg0: i32) -> (i32, i32) {
    %c0_i32 = arith.constant 0 : i32
    %c0_i32_0 = arith.constant 0 : i32
    return %c0_i32, %arg0 : i32, i32
  }
}

module attributes {stable_mosaic.version = 14 : i64} {
  func.func @body(%arg0: i32, %arg1: memref<2x2x16x2048xf32, #tpu.memory_space<vmem>>, %arg2: memref<16x16xf32, #tpu.memory_space<vmem>>, %arg3: memref<16x1xf32, #tpu.memory_space<vmem>>, %arg4: memref<144x10000xf32, #tpu.memory_space<hbm>>, %arg5: memref<16x2048xf32, #tpu.memory_space<vmem>>) attributes {dimension_semantics = [#tpu.dimension_semantics<arbitrary>], iteration_bounds = array<i64: 5>, scalar_prefetch = 0 : i64, scratch_operands = 0 : i64, tpu.core_type = #tpu.core_type<tc>, window_params = [{transform_indices = @transform_0, window_bounds = array<i64: 2, 2, 16, 2048>}, {pipeline_mode = #tpu.pipeline_mode<synchronous>, transform_indices = @transform_1, window_bounds = array<i64: 16, 16>}, {pipeline_mode = #tpu.pipeline_mode<synchronous>, transform_indices = @transform_2, window_bounds = array<i64: 16, 1>}, {}, {transform_indices = @transform_4, window_bounds = array<i64: 16, 2048>}]} {
    %get3A = arith.constant 0 : index
    %get3A_0 = arith.constant 0 : index
    %get3A_1 = arith.constant 0 : index
    %get3A_2 = arith.constant 0 : index
    %get3A_3 = vector.load %arg1[%get3A, %get3A_0, %get3A_1, %get3A_2] : memref<2x2x16x2048xf32, #tpu.memory_space<vmem>>, vector<1x1x16x2048xf32>
    %get3A_4 = vector.shape_cast %get3A_3 : vector<1x1x16x2048xf32> to vector<16x2048xf32>
    %get3A_5 = arith.constant 0 : index
    %get3A_6 = arith.constant 1 : index
    %get3A_7 = arith.constant 0 : index
    %get3A_8 = arith.constant 0 : index
    %get3A_9 = vector.load %arg1[%get3A_5, %get3A_6, %get3A_7, %get3A_8] : memref<2x2x16x2048xf32, #tpu.memory_space<vmem>>, vector<1x1x16x2048xf32>
    %get3A_10 = vector.shape_cast %get3A_9 : vector<1x1x16x2048xf32> to vector<16x2048xf32>
    %add3A = arith.addf %get3A_4, %get3A_10 : vector<16x2048xf32>
    %get3A_11 = arith.constant 1 : index
    %get3A_12 = arith.constant 0 : index
    %get3A_13 = arith.constant 0 : index
    %get3A_14 = arith.constant 0 : index
    %get3A_15 = vector.load %arg1[%get3A_11, %get3A_12, %get3A_13, %get3A_14] : memref<2x2x16x2048xf32, #tpu.memory_space<vmem>>, vector<1x1x16x2048xf32>
    %get3A_16 = vector.shape_cast %get3A_15 : vector<1x1x16x2048xf32> to vector<16x2048xf32>
    %get3A_17 = arith.constant 1 : index
    %get3A_18 = arith.constant 1 : index
    %get3A_19 = arith.constant 0 : index
    %get3A_20 = arith.constant 0 : index
    %get3A_21 = vector.load %arg1[%get3A_17, %get3A_18, %get3A_19, %get3A_20] : memref<2x2x16x2048xf32, #tpu.memory_space<vmem>>, vector<1x1x16x2048xf32>
    %get3A_22 = vector.shape_cast %get3A_21 : vector<1x1x16x2048xf32> to vector<16x2048xf32>
    %add3A_23 = arith.addf %get3A_16, %get3A_22 : vector<16x2048xf32>
    %add3A_24 = arith.addf %add3A, %add3A_23 : vector<16x2048xf32>
    %get3A_25 = arith.constant 0 : index
    %get3A_26 = arith.constant 0 : index
    %get3A_27 = vector.load %arg2[%get3A_25, %get3A_26] : memref<16x16xf32, #tpu.memory_space<vmem>>, vector<16x16xf32>
    %dot_general3A = arith.constant dense<0.000000e+00> : vector<16x2048xf32>
    %dot_general3A_28 = tpu.matmul %get3A_27, %add3A_24, %dot_general3A {dimension_numbers = #tpu.dot_dimension_numbers<[1], [0], [0], [1], [0, 0, 1, 1], [], []>, transpose_lhs_hint = false} : vector<16x16xf32>, vector<16x2048xf32>, vector<16x2048xf32> -> vector<16x2048xf32>
    %get3A_29 = arith.constant 0 : index
    %get3A_30 = arith.constant 0 : index
    %get3A_31 = vector.load %arg3[%get3A_29, %get3A_30] : memref<16x1xf32, #tpu.memory_space<vmem>>, vector<16x1xf32>
    %add3A_32 = vector.broadcast %get3A_31 : vector<16x1xf32> to vector<16x2048xf32>
    %add3A_33 = arith.addf %dot_general3A_28, %add3A_32 : vector<16x2048xf32>
    %max3A = arith.constant 0.000000e+00 : f32
    %max3A_34 = vector.broadcast %max3A : f32 to vector<16x2048xf32>
    %max3A_35 = arith.maximumf %add3A_33, %max3A_34 : vector<16x2048xf32>
    %swap3A = arith.constant 0 : index
    %swap3A_36 = arith.constant 0 : index
    %swap3A_37 = vector.load %arg5[%swap3A, %swap3A_36] : memref<16x2048xf32, #tpu.memory_space<vmem>>, vector<16x2048xf32>
    tpu.vector_store %arg5[%swap3A, %swap3A_36], %max3A_35 {strides = array<i32>} : memref<16x2048xf32, #tpu.memory_space<vmem>>, vector<16x2048xf32>,
    return
  }
  func.func @transform_0(%arg0: i32) -> (i32, i32, i32, i32) {
    %c0_i32 = arith.constant 0 : i32
    %c0_i32_0 = arith.constant 0 : i32
    %c0_i32_1 = arith.constant 0 : i32
    %c0_i32_2 = arith.constant 0 : i32
    return %c0_i32, %c0_i32_0, %c0_i32_1, %arg0 : i32, i32, i32, i32
  }
  func.func @transform_1(%arg0: i32) -> (i32, i32) {
    %c0_i32 = arith.constant 0 : i32
    %c0_i32_0 = arith.constant 0 : i32
    %c0_i32_1 = arith.constant 0 : i32
    return %c0_i32, %c0_i32_0 : i32, i32
  }
  func.func @transform_2(%arg0: i32) -> (i32, i32) {
    %c0_i32 = arith.constant 0 : i32
    %c0_i32_0 = arith.constant 0 : i32
    %c0_i32_1 = arith.constant 0 : i32
    return %c0_i32, %c0_i32_0 : i32, i32
  }
  func.func @transform_4(%arg0: i32) -> (i32, i32) {
    %c8_i32 = arith.constant 8 : i32
    %c0_i32 = arith.constant 0 : i32
    return %c8_i32, %arg0 : i32, i32
  }
}

</mosaic_0001>

<sc_bundles>
// kernel: kernel.5.cloned.1.call-start
scs
__scs_entry_jumppad:
0x0: {  	(pc) =	sbr.rel $0x88, $3  }
0x1: {  	(tag) =	ssettag $0x0;
	lr =	simm.s32 $0x1  }
0x2: {  	[smem:$0x3F9A] =	sst lr;
	_ =	strace $0xD0000000  }
0x3: {  	_ = 	snop  }
0x4: {  	_ = 	snop  }
0x5: {  	_ = 	snop  }
0x6: {  	_ = 	snop  }
0x7: {  	_ = 	snop  }
__scs_overlays_trampoline_lowered:
0x8: {  	[smem:$0x3FA9] =	sst s0  }
0x9: {  	[smem:$0x3FAA] =	sst s1  }
0xa: {  	[smem:$0x3FAB] =	sst s2  }
0xb: {  	[smem:$0x3FAC] =	sst s3  }
0xc: {  	[smem:$0x3FAD] =	sst s4  }
0xd: {  	[smem:$0x3FAE] =	sst s5  }
0xe: {  	[smem:$0x3FAF] =	sst s6  }
0xf: {  	[smem:$0x3FB0] =	sst s7  }
0x10: {  	[smem:$0x3FB1] =	sst s8  }
0x11: {  	[smem:$0x3FB2] =	sst s9;
	s0 =	simm.s32 @!p0 $0x0  }
0x12: {  	s1 =	sld [smem:$0x3F98];
	s0 =	simm.s32 @p0 $0x1  }
0x13: {  	[smem:$0x3FB3] =	sst s0;
	s0 =	simm.s32 @!p1 $0x0  }
0x14: {  	s2 =	sld [smem:$0x3F97];
	s0 =	simm.s32 @p1 $0x1  }
0x15: {  	[smem:$0x3FB4] =	sst s0;
	s0 =	simm.s32 @!p2 $0x0  }
0x16: {  	s3 =	sld [smem:$0x3FDB];
	s0 =	simm.s32 @p2 $0x1  }
0x17: {  	s4 =	simm.s32 $0x1BF5;
	[smem:$0x3FB6] =	sst s0  }
0x18: {  	s0 =	sld [smem:$0x3F99];
	_ =	swait.ge [sflag:s4], $0x0  }
0x19: {  	s7 =	sld [smem:$0x3F9A]  }
0x1a: {  	s8 =	sadd.s32 $0xFFFFE003, lr  }
0x1b: {  	s9 =	sadd.s32 $0xFFFFFEF7, lr;
	s5 =	simm.s32 $0xFFFFFFFF;
	p2 =	slt.u32 s8, $0xFFFFF086  }
0x1c: {  	p1 =	slt.u32 s9, $0xF7A;
	s5 =	simm.s32 @!p2 $0x0  }
0x1d: {  	s5 =	simm.s32 @p1 $0x1;
	p0 =	seq.s32 s7, s2  }
0x1e: {  	s7 =	smul.u32 @!p0 $0xF7A, s2;
	p2 =	seq.s32 @!p0 s5, $0x0  }
0x1f: {  	s9 =	smul.u32 $0xF7A, s1;
	s8 =	simm.s32 @!p0 $0x1BF5;
	p2 =	por !p2, p0  }
0x20: {  	[sflag:s8] =	ssyncset.s32 @!p0 $0xFFFFF086;
	s6 =	sadd.s32 @!p0 s3, s7;
	s7 =	simm.s32 @!p0 $0x108  }
0x21: {  	s3 =	sadd.s32 s3, s9;
	s6 =	sadd.s32 @!p0 $0x88, s6;
	s7 =	simm.s32 @p2 $0x1082  }
0x22: {  	[simem:s7], [sflag:s8] =	dma.local @!p0 [hbm:s6], $0xF7A  }
0x23: {  	s9 =	sor.u32 $0xD0000000, s2;
	s6 =	simm.s32 $0x108;
	_ =	swait.ge @!p0 [sflag:s8], $0x0  }
0x24: {  	s3 =	sadd.s32 $0x88, s3;
	s6 =	simm.s32 @!p1 $0x1082;
	[sflag:s4] =	ssyncset.s32 $0xFFFFF086  }
0x25: {  	[simem:s6], [sflag:s4] =	dma.local [hbm:s3], $0xF7A  }
0x26: {  	[smem:$0x3F9A] =	sst s1;
	(tag) =	ssettag s2;
	_ =	strace s9  }
0x27: {  	s1 =	sld [smem:$0x3FAA]  }
0x28: {  	s2 =	sld [smem:$0x3FAB]  }
0x29: {  	s4 =	sld [smem:$0x3FAD]  }
0x2a: {  	p0 =	seq.s32 s5, $0x0;
	s5 =	sld [smem:$0x3FAE]  }
0x2b: {  	s6 =	sld [smem:$0x3FAF]  }
0x2c: {  	s7 =	sld [smem:$0x3FB0]  }
0x2d: {  	s3 =	simm.s32 $0x108;
	s8 =	sld [smem:$0x3FB1]  }
0x2e: {  	s3 =	simm.s32 @!p0 $0x1082;
	s9 =	sld [smem:$0x3FB2]  }
0x2f: {  	lr =	sadd.s32 s0, s3;
	s0 =	sld [smem:$0x3FA9]  }
0x30: {  	s3 =	sld [smem:$0x3FAC]  }
0x31: {  	[smem:$0x3FB5] =	sst s10  }
0x32: {  	s10 =	sld [smem:$0x3FB3];
	_ =	sdelay $0x3  }
0x33: {  	p0 =	seq.s32 s10, $0x1;
	s10 =	sld [smem:$0x3FB5];
	_ =	sdelay $0x3  }
0x34: {  	[smem:$0x3FB5] =	sst s10  }
0x35: {  	s10 =	sld [smem:$0x3FB4];
	_ =	sdelay $0x3  }
0x36: {  	p1 =	seq.s32 s10, $0x1;
	s10 =	sld [smem:$0x3FB5];
	_ =	sdelay $0x3  }
0x37: {  	[smem:$0x3FB5] =	sst s10  }
0x38: {  	s10 =	sld [smem:$0x3FB6]  }
0x39: {  	_ = 	snop;
	(pc) =	sbr.ind lr, $3  }
0x3a: {  	_ = 	snop  }
0x3b: {  	_ = 	snop  }
0x3c: {  	p2 =	seq.s32 s10, $0x1;
	s10 =	sld [smem:$0x3FB5]  }
0x3d: {  	_ =	shalt  }
0x3e: {  	_ =	shalt  }
0x3f: {  	_ =	shalt  }
0x40: {  	_ =	shalt  }
0x41: {  	_ =	shalt  }
0x42: {  	_ =	shalt  }
0x43: {  	_ =	shalt  }
0x44: {  	_ =	shalt  }
0x45: {  	_ =	shalt  }
0x46: {  	_ =	shalt  }
0x47: {  	_ =	shalt  }
0x48: {  	_ =	shalt  }
0x49: {  	_ =	shalt  }
0x4a: {  	_ =	shalt  }
0x4b: {  	_ =	shalt  }
0x4c: {  	_ =	shalt  }
0x4d: {  	_ =	shalt  }
0x4e: {  	_ =	shalt  }
0x4f: {  	_ =	shalt  }
0x50: {  	_ =	shalt  }
0x51: {  	_ =	shalt  }
0x52: {  	_ =	shalt  }
0x53: {  	_ =	shalt  }
0x54: {  	_ =	shalt  }
0x55: {  	_ =	shalt  }
0x56: {  	_ =	shalt  }
0x57: {  	_ =	shalt  }
0x58: {  	_ =	shalt  }
0x59: {  	_ =	shalt  }
0x5a: {  	_ =	shalt  }
0x5b: {  	_ =	shalt  }
0x5c: {  	_ =	shalt  }
0x5d: {  	_ =	shalt  }
0x5e: {  	_ =	shalt  }
0x5f: {  	_ =	shalt  }
0x60: {  	_ =	shalt  }
0x61: {  	_ =	shalt  }
0x62: {  	_ =	shalt  }
0x63: {  	_ =	shalt  }
0x64: {  	_ =	shalt  }
0x65: {  	_ =	shalt  }
0x66: {  	_ =	shalt  }
0x67: {  	_ =	shalt  }
0x68: {  	_ =	shalt  }
0x69: {  	_ =	shalt  }
0x6a: {  	_ =	shalt  }
0x6b: {  	_ =	shalt  }
0x6c: {  	_ =	shalt  }
0x6d: {  	_ =	shalt  }
0x6e: {  	_ =	shalt  }
0x6f: {  	_ =	shalt  }
0x70: {  	_ =	shalt  }
0x71: {  	_ =	shalt  }
0x72: {  	_ =	shalt  }
0x73: {  	_ =	shalt  }
0x74: {  	_ =	shalt  }
0x75: {  	_ =	shalt  }
0x76: {  	_ =	shalt  }
0x77: {  	_ =	shalt  }
0x78: {  	_ =	shalt  }
0x79: {  	_ =	shalt  }
0x7a: {  	_ =	shalt  }
0x7b: {  	_ =	shalt  }
0x7c: {  	_ =	shalt  }
0x7d: {  	_ =	shalt  }
0x7e: {  	_ =	shalt  }
0x7f: {  	_ =	shalt  }
0x80: {  	_ =	shalt  }
0x81: {  	_ =	shalt  }
0x82: {  	_ =	shalt  }
0x83: {  	_ =	shalt  }
0x84: {  	_ =	shalt  }
0x85: {  	_ =	shalt  }
0x86: {  	_ =	shalt  }
0x87: {  	_ =	shalt  }
.Lfunc_end0:
.L_simem_size_0:
called_computation_lowered:
.L_overlay_start_0:
0x88: {  	s2 =	sld [smem:$0x3FD9]  }
0x89: {  	s3 =	sld [smem:$0x3FFE];
	_ =	sdelay $0x1  }
0x8a: {  	s1 =	srdreg.scid  }
0x8b: {  	s0 =	sand.u32 $0x1, s1  }
0x8c: {  	s17 =	sshll.u32 s0, $0xA;
	s2 =	sadd.s32 s3, s2  }
0x8d: {  	s2 =	sadd.s32 s2, s17  }
0x8e: {  	[smem:$0x3FC1] =	sst s2  }
0x8f: {  	_ = 	snop  }
0x90: {  	s2 =	sld [smem:$0x3FC8]  }
0x91: {  	s18 =	sld [smem:$0x3FC7];
	(tm) =	ssettm $0x1  }
0x92: {  	s4 =	sld [smem:$0x3FFB];
	_ =	sdelay $0x3  }
0x93: {  	_ =	strace s4  }
0x94: {  	s4 =	sld [smem:$0x3FFC];
	_ =	sdelay $0x3  }
0x95: {  	_ =	strace s4  }
0x96: {  	s4 =	sld [smem:$0x3FFD];
	_ =	sdelay $0x3  }
0x97: {  	_ =	strace s4  }
0x98: {  	_ =	strace $0x8FFFFFFF  }
0x99: {  	s19 =	sld [smem:$0x3FDB];
	_ =	sdelay $0x1  }
0x9a: {  	s5 =	simm.s32 $_scs_section_size  }
0x9b: {  	s6 =	simm.s32 $_size__tile_overlayer_lowered;
	s7 =	simm.s32 $_tile_overlayer_lowered  }
0x9c: {  	s22 =	simm.s32 $0x1BFF;
	s21 =	sshll.u32 s7, $0x1;
	s4 =	sadd.s32 s5, s19  }
0x9d: {  	s8 =	simm.s32 $0x0;
	s20 =	sshll.u32 s6, $0x1;
	s6 =	sadd.s32 s21, s4  }
0x9e: {  	[timem:s8], [sflag:s22] =	dma.local [hbm:s6], s20  }
0x9f: {  	_ =	swait.ge [sflag:s22], s20  }
0xa0: {  	s5 =	ssub.s32 $0x0, s20;
	[sflag:s22] =	ssyncset.done $0x0  }
0xa1: {  	[sflag:s22] =	ssyncadd.s32 s5;
	_ =	sdelay $0x1  }
0xa2: {  	s23 =	simm.s32 $0x1B8B  }
0xa3: {  	_ =	swait.ge [sflag:s23], $0x1  }
0xa4: {  	[sflag:s23] =	ssyncset.done $0x0  }
0xa5: {  	s25 =	simm.s32 $0x1B8E;
	s24 =	sld [smem:$0x3FFE];
	[sflag:s23] =	ssyncadd.s32 $0xFFFFFFFF  }
0xa6: {  	s26 =	simm.s32 $execute0_lowered;
	[smem:$0x3FD2] =	sst s25  }
0xa7: {  	s6 =	sshll.u32 s26, $0x1;
	_ =	strace $0x80000046;
	[dreg:$0x1] =	wrdreg $0xFFFFFFFF  }
0xa8: {  	s28 =	simm.s32 $_size_execute0_lowered;
	s4 =	sadd.s32 s4, s6;
	[dreg:$0x0] =	wrdreg $0x0  }
0xa9: {  	s6 =	sshll.u32 s28, $0x1;
	[dreg:$0x2] =	wrdreg s4  }
0xaa: {  	[dreg:$0x3] =	wrdreg s6  }
0xab: {  	[dreg:$0x4] =	wrdreg $0xC0  }
0xac: {  	_ =	task [dreg:s8], $0x5FFFF  }
0xad: {  	[dreg:$0x1] =	wrdreg $0xFFFFFFFF  }
0xae: {  	[dreg:$0x0] =	wrdreg $0x60  }
0xaf: {  	[dreg:$0x2] =	wrdreg s2  }
0xb0: {  	[dreg:$0x3] =	wrdreg s18  }
0xb1: {  	[dreg:$0x4] =	wrdreg s24  }
0xb2: {  	[dreg:$0x5] =	wrdreg $0x9  }
0xb3: {  	_ =	task.clear_ibuf [dreg:s8], $0x6FFFF;
	_ =	strace $0x90000046  }
0xb4: {  	s29 =	simm.s32 $0x9;
	_ =	strace $0x80000048  }
0xb5: {  	_ =	swait.ge [sflag:s29], $0x1  }
0xb6: {  	[sflag:s29] =	ssyncadd.s32 $0xFFFFFFFF  }
0xb7: {  	_ =	strace $0x90000048  }
0xb8: {  	_ =	sfence  }
0xb9: {  	s30 =	sld [smem:$0x0];
	_ =	sdelay $0x2  }
0xba: {  	s31 =	sshll.u32 s1, $0xD;
	s1 =	sshrl.u32 s1, $0x2  }
0xbb: {  	s3 =	sand.u32 $0x4000, s31;
	s1 =	sadd.s32 s1, s30  }
0xbc: {  	s0 =	sor.u32 s3, s0;
	s1 =	sshll.u32 s1, $0x11  }
0xbd: {  	s0 =	sor.u32 s1, s0  }
0xbe: {  	s0 =	sadd.s32 $0x8F2B, s0  }
0xbf: {  	[sflag:s0] =	ssyncadd.remote.s32 $0x1  }
0xc0: {  	_ =	sfence.sel $0xFFFF  }
0xc1: {  	[dreg:$0x0] =	wrdreg $0xFFFFFFFF;
	(pc) =	sbr.abs _section_cstart, $3  }
0xc2: {  	[dreg:$0x1] =	wrdreg $0xFFFFFFFF  }
0xc3: {  	_ =	task.clear_ibuf [dreg:s8], $0x2FFFF;
	_ =	strace $0x9FFFFFFF  }
0xc4: {  	(tm) =	ssettm $0x7FFFFFFF  }
0xc5: {  	_ =	shalt  }
tec
execute0_lowered:
.L_overlay_start_1:
0x0: {  	(tag) =	ssettag $0x1  }
0x1: {  	s0 =	srdreg.scid;
	s1 =	rddreg [dreg:$0x0]  }
0x2: {  	s4 =	stileid.u32;
	s5 =	rddreg [dreg:$0x1]  }
0x3: {  	s7 =	rddreg [dreg:$0x2];
	s29 =	simm.s32 $0x1;
	s0 =	sand.u32 $0x1, s0  }
0x4: {  	s30 =	simm.s32 $0x17700;
	s3 =	sshrl.u32 s4, $0x3;
	s2 =	smul.u32 $0x50000, s0  }
0x5: {  	s31 =	simm.s32 $0x19F00;
	s4 =	sand.u32 $0x7, s4;
	s6 =	smul.u32 $0x28000, s3  }
0x6: {  	s8 =	smul.u32 $0x2800, s4;
	s13 =	sshll.u32 s0, $0x1;
	s0 =	ssub.s32 $0x2, s0  }
0x7: {  	s9 =	sshll.u32 s4, $0x7;
	s3 =	sor.u32 s3, s13;
	s15 =	sshrl.u32 s0, $0x1  }
0x8: {  	s6 =	sadd.s32 s2, s6;
	s2 =	simm.s32 $0x0;
	s14 =	smul.u32 $0x9C400, s3  }
0x9: {  	s0 =	ssub.s32 s0, s15;
	s6 =	sadd.s32 s8, s6;
	s8 =	smul.u32 $0x271, s3  }
0xa: {  	[smem:$0x7FF] =	sst s2;
	s3 =	smul.u32 $0x4E20, s3;
	s6 =	sshrl.u32 s6, $0x3  }
0xb: {  	_ =	strace $0x80000047;
	s6 =	sadd.s32 s6, s7;
	s7 =	sor.u32 s9, s14  }
0xc: {  	s17 =	sadd.s32 $0x7D, s8;
	s3 =	sadd.s32 s1, s3;
	s19 =	sadd.s32 $0xFA, s8  }
0xd: {  	s22 =	sadd.s32 $0x177, s8;
	s8 =	sadd.s32 $0x1F4, s8;
	s16 =	sshrl.u32 s7, $0x3  }
0xe: {  	[dreg:$0x4] =	wrdreg s3;
	s18 =	sshll.u32 s17, $0xA;
	s7 =	sshll.u32 s17, $0x5  }
0xf: {  	s11 =	sshll.u32 s19, $0xA;
	s24 =	sshll.u32 s22, $0xA;
	s12 =	sshll.u32 s8, $0xA  }
0x10: {  	s26 =	sshll.u32 s8, $0x5;
	s4 =	sadd.s32 s5, s16;
	s3 =	sor.u32 s9, s18  }
0x11: {  	s7 =	sadd.s32 s1, s7;
	s20 =	sor.u32 s9, s11;
	s11 =	sor.u32 s9, s24  }
0x12: {  	s9 =	sor.u32 s9, s12;
	s15 =	sadd.s32 s1, s26;
	s18 =	sadd.s32 $0xE00, s6  }
0x13: {  	s24 =	simm.s32 $0xFA00;
	s10 =	sadd.s32 $0x4E200, s4;
	s3 =	sshrl.u32 s3, $0x3  }
0x14: {  	[dreg:$0x6] =	wrdreg s7;
	s25 =	sshrl.u32 s11, $0x3;
	s28 =	sshrl.u32 s9, $0x3  }
0x15: {  	[dreg:$0x5] =	wrdreg s10;
	s7 =	sadd.s32 s5, s3;
	s10 =	sshll.u32 s19, $0x5  }
0x16: {  	s3 =	sshrl.u32 s20, $0x3;
	s13 =	sadd.s32 s5, s25;
	s16 =	sadd.s32 s5, s28  }
0x17: {  	s19 =	sadd.s32 $0x3600, s6;
	s20 =	smax.u32 s0, $0x1;
	s21 =	sadd.s32 $0x4E200, s7  }
0x18: {  	s0 =	simm.s32 $0x2;
	s10 =	sadd.s32 s1, s10;
	[dreg:$0x7] =	wrdreg s21  }
0x19: {  	s14 =	sadd.s32 $0x4E200, s13;
	s17 =	sadd.s32 $0x4E200, s16;
	[dreg:$0x8] =	wrdreg s10  }
0x1a: {  	s10 =	sadd.s32 s5, s3;
	s3 =	sshll.u32 s22, $0x5;
	s21 =	simm.s32 $0x100  }
0x1b: {  	s22 =	simm.s32 $0x400;
	s5 =	simm.s32 $0x0;
	s23 =	sadd.s32 $0x4E200, s10  }
0x1c: {  	s3 =	sadd.s32 s1, s3;
	s1 =	simm.s32 $0x80;
	[dreg:$0x9] =	wrdreg s23  }
0x1d: {  	v0 =	vimm.f32 $0.0e+00;
	[dreg:$0xa] =	wrdreg s3;
	s23 =	simm.s32 $0x7D00;
	s3 =	simm.s32 $0x3  }
.LBB2_1:
0x1e: {  	s6 =	simm.s32 $0x40;
	s8 =	simm.s32 $0x0  }
.LBB2_2:
0x1f: {  	p0 =	sne.s32 s6, $0x9FC0;
	[tilespmem:s8+$0x17700] =	vst v0;
	s9 =	smov.u32 s6;
	s6 =	sadd.s32 $0x40, s6  }
.Ltmp0:
0x20: {  	[tilespmem:s8+$0x19F00] =	vst v0;
	(pc) =	sbr.rel @p0 .LBB2_2-.Ltmp0, $2  }
0x21: {  	_ =	sdelay $0x2  }
0x22: {  	s8 =	sshra.s32 s9, $0x2  }
0x23: {  	[tilespmem:s8+$0x17700] =	vst v0  }
0x24: {  	[tilespmem:s8+$0x19F00] =	vst v0;
	s8 =	simm.s32 $0x80;
	s6 =	rddreg [dreg:$0x4]  }
0x25: {  	[tilespmem:s2], [sflag:$0x1] =	stream.strided.gather [hbm4b:s6+s8], $0x3E80, s21, s8, $0x38;
	[tilespmem:$0x1C700] =	vst v63  }
0x26: {  	_ = 	snop  }
0x27: {  	[tilespmem:s23], [sflag:$0x1] =	stream.strided.gather [hbm4b:s4+s8], $0x3E80, s22, s8, $0x38;
	[tilespmem:$0x1C700] =	vst v63  }
0x28: {  	s9 =	rddreg [dreg:$0x5]  }
0x29: {  	[tilespmem:s24], [sflag:$0x1] =	stream.strided.gather [hbm4b:s9+s8], $0x3E80, s22, s8, $0x38;
	[tilespmem:$0x1C700] =	vst v63  }
0x2a: {  	s11 =	rddreg [dreg:$0x6];
	s9 =	simm.s32 $0x3E80  }
0x2b: {  	[tilespmem:s9], [sflag:$0x2] =	stream.strided.gather [hbm4b:s11+s8], $0x3E80, s21, s8, $0x38;
	[tilespmem:$0x1C700] =	vst v63  }
0x2c: {  	s12 =	simm.s32 $0xBB80  }
0x2d: {  	[tilespmem:s12], [sflag:$0x2] =	stream.strided.gather [hbm4b:s7+s8], $0x3E80, s22, s8, $0x38;
	[tilespmem:$0x1C700] =	vst v63  }
0x2e: {  	s25 =	rddreg [dreg:$0x7];
	s26 =	simm.s32 $0x13880  }
0x2f: {  	[tilespmem:s26], [sflag:$0x2] =	stream.strided.gather [hbm4b:s25+s8], $0x3E80, s22, s8, $0x38;
	[tilespmem:$0x1C700] =	vst v63  }
0x30: {  	_ =	swait.ge [sflag:s29], $0x3E80  }
0x31: {  	[sflag:s29] =	ssyncset.done $0x0  }
0x32: {  	[sflag:s29] =	ssyncadd.s32 $0xFFFFC180  }
0x33: {  	_ =	swait.ge [sflag:s29], $0x3E80  }
0x34: {  	[sflag:s29] =	ssyncset.done $0x0  }
0x35: {  	[sflag:s29] =	ssyncadd.s32 $0xFFFFC180  }
0x36: {  	_ =	swait.ge [sflag:s29], $0x3E80  }
0x37: {  	[sflag:s29] =	ssyncset.done $0x0  }
0x38: {  	[sflag:s29] =	ssyncadd.s32 $0xFFFFC180  }
0x39: {  	v1 =	vld [tilespmem:s8+$0x0];
	_ =	sdelay $0x1  }
0x3a: {  	s9 =	simm.s32 $0x7D80  }
0x3b: {  	v2 =	vld [tilespmem:s9+$0x0];
	_ =	sdelay $0x4  }
0x3c: {  	s6 =	simm.s32 $0xFA80;
	[tilespmem:v1+s30+$0x0] =	vst.idx.add.f32.msk $0xffff, v2  }
0x3d: {  	v2 =	vld [tilespmem:s6+$0x0];
	_ =	sdelay $0x3  }
0x3e: {  	v3 =	vld [tilespmem:s8+$0xFFFFFF80]  }
0x3f: {  	[tilespmem:v1+s31+$0x0] =	vst.idx.add.f32.msk $0xffff, v2  }
0x40: {  	v1 =	vld [tilespmem:s8+$0x10]  }
0x41: {  	v2 =	vld [tilespmem:s9+$0xFFFFFF80];
	_ =	sdelay $0x1  }
0x42: {  	v4 =	vld [tilespmem:s9+$0x10];
	_ =	sdelay $0x2  }
0x43: {  	[tilespmem:v3+s30+$0x0] =	vst.idx.add.f32.msk $0xffff, v2  }
0x44: {  	v2 =	vld [tilespmem:s6+$0xFFFFFF80]  }
0x45: {  	[tilespmem:v1+s30+$0x0] =	vst.idx.add.f32.msk $0xffff, v4  }
0x46: {  	v4 =	vld [tilespmem:s6+$0x10];
	_ =	sdelay $0x2  }
0x47: {  	[tilespmem:v3+s31+$0x0] =	vst.idx.add.f32.msk $0xffff, v2  }
0x48: {  	v2 =	vld [tilespmem:s8+$0xFFFFFF90]  }
0x49: {  	[tilespmem:v1+s31+$0x0] =	vst.idx.add.f32.msk $0xffff, v4  }
0x4a: {  	v1 =	vld [tilespmem:s8+$0x20]  }
0x4b: {  	v3 =	vld [tilespmem:s9+$0xFFFFFF90];
	_ =	sdelay $0x1  }
0x4c: {  	v4 =	vld [tilespmem:s9+$0x20];
	_ =	sdelay $0x2  }
0x4d: {  	[tilespmem:v2+s30+$0x0] =	vst.idx.add.f32.msk $0xffff, v3  }
0x4e: {  	v3 =	vld [tilespmem:s6+$0xFFFFFF90]  }
0x4f: {  	[tilespmem:v1+s30+$0x0] =	vst.idx.add.f32.msk $0xffff, v4  }
0x50: {  	v4 =	vld [tilespmem:s6+$0x20];
	_ =	sdelay $0x2  }
0x51: {  	[tilespmem:v2+s31+$0x0] =	vst.idx.add.f32.msk $0xffff, v3  }
0x52: {  	v2 =	vld [tilespmem:s8+$0xFFFFFFA0]  }
0x53: {  	[tilespmem:v1+s31+$0x0] =	vst.idx.add.f32.msk $0xffff, v4  }
0x54: {  	v1 =	vld [tilespmem:s8+$0x30]  }
0x55: {  	v3 =	vld [tilespmem:s9+$0xFFFFFFA0];
	_ =	sdelay $0x1  }
0x56: {  	v4 =	vld [tilespmem:s9+$0x30];
	_ =	sdelay $0x2  }
0x57: {  	[tilespmem:v2+s30+$0x0] =	vst.idx.add.f32.msk $0xffff, v3  }
0x58: {  	v3 =	vld [tilespmem:s6+$0xFFFFFFA0]  }
0x59: {  	[tilespmem:v1+s30+$0x0] =	vst.idx.add.f32.msk $0xffff, v4  }
0x5a: {  	v4 =	vld [tilespmem:s6+$0x30];
	_ =	sdelay $0x2  }
0x5b: {  	[tilespmem:v2+s31+$0x0] =	vst.idx.add.f32.msk $0xffff, v3  }
0x5c: {  	v2 =	vld [tilespmem:s8+$0xFFFFFFB0]  }
0x5d: {  	[tilespmem:v1+s31+$0x0] =	vst.idx.add.f32.msk $0xffff, v4  }
0x5e: {  	v1 =	vld [tilespmem:s8+$0x40]  }
0x5f: {  	s25 =	simm.s32 $0x180;
	v3 =	vld [tilespmem:s9+$0xFFFFFFB0]  }
0x60: {  	v5 =	vld [tilespmem:s25+$0xFFFFFF80]  }
0x61: {  	v4 =	vld [tilespmem:s9+$0x40]  }
0x62: {  	s26 =	simm.s32 $0x7E80  }
0x63: {  	v8 =	vld [tilespmem:s26+$0xFFFFFF80]  }
0x64: {  	[tilespmem:v2+s30+$0x0] =	vst.idx.add.f32.msk $0xffff, v3  }
0x65: {  	v3 =	vld [tilespmem:s6+$0xFFFFFFB0]  }
0x66: {  	[tilespmem:v1+s30+$0x0] =	vst.idx.add.f32.msk $0xffff, v4  }
0x67: {  	v4 =	vld [tilespmem:s6+$0x40]  }
0x68: {  	s28 =	simm.s32 $0xFB80;
	[tilespmem:v5+s30+$0x0] =	vst.idx.add.f32.msk $0xffff, v8  }
0x69: {  	v8 =	vld [tilespmem:s28+$0xFFFFFF80]  }
0x6a: {  	[tilespmem:v2+s31+$0x0] =	vst.idx.add.f32.msk $0xffff, v3  }
0x6b: {  	v3 =	vld [tilespmem:s25+$0x0]  }
0x6c: {  	[tilespmem:v1+s31+$0x0] =	vst.idx.add.f32.msk $0xffff, v4  }
0x6d: {  	v1 =	vld [tilespmem:s8+$0x50]  }
0x6e: {  	v6 =	vld [tilespmem:s26+$0x0];
	_ =	sdelay $0x1  }
0x6f: {  	v4 =	vld [tilespmem:s9+$0x50];
	_ =	sdelay $0x1  }
0x70: {  	[tilespmem:v5+s31+$0x0] =	vst.idx.add.f32.msk $0xffff, v8  }
0x71: {  	[tilespmem:v3+s30+$0x0] =	vst.idx.add.f32.msk $0xffff, v6  }
0x72: {  	v6 =	vld [tilespmem:s28+$0x0]  }
0x73: {  	[tilespmem:v1+s30+$0x0] =	vst.idx.add.f32.msk $0xffff, v4  }
0x74: {  	v4 =	vld [tilespmem:s6+$0x50]  }
0x75: {  	v2 =	vld [tilespmem:s8+$0xFFFFFFC0]  }
0x76: {  	v7 =	vld [tilespmem:s9+$0xFFFFFFC0]  }
0x77: {  	[tilespmem:v3+s31+$0x0] =	vst.idx.add.f32.msk $0xffff, v6  }
0x78: {  	v3 =	vld [tilespmem:s25+$0x10]  }
0x79: {  	[tilespmem:v1+s31+$0x0] =	vst.idx.add.f32.msk $0xffff, v4  }
0x7a: {  	v1 =	vld [tilespmem:s8+$0x60]  }
0x7b: {  	v6 =	vld [tilespmem:s26+$0x10]  }
0x7c: {  	v5 =	vld [tilespmem:s25+$0xFFFFFF90]  }
0x7d: {  	v4 =	vld [tilespmem:s9+$0x60]  }
0x7e: {  	[tilespmem:v2+s30+$0x0] =	vst.idx.add.f32.msk $0xffff, v7  }
0x7f: {  	v7 =	vld [tilespmem:s26+$0xFFFFFF90]  }
0x80: {  	[tilespmem:v3+s30+$0x0] =	vst.idx.add.f32.msk $0xffff, v6  }
0x81: {  	v6 =	vld [tilespmem:s28+$0x10]  }
0x82: {  	[tilespmem:v1+s30+$0x0] =	vst.idx.add.f32.msk $0xffff, v4  }
0x83: {  	v4 =	vld [tilespmem:s6+$0x60]  }
0x84: {  	v60 =	vld [tilespmem:s6+$0xFFFFFFC0]  }
0x85: {  	[tilespmem:v5+s30+$0x0] =	vst.idx.add.f32.msk $0xffff, v7  }
0x86: {  	[tilespmem:v3+s31+$0x0] =	vst.idx.add.f32.msk $0xffff, v6  }
0x87: {  	v3 =	vld [tilespmem:s25+$0x20]  }
0x88: {  	[tilespmem:v1+s31+$0x0] =	vst.idx.add.f32.msk $0xffff, v4  }
0x89: {  	v1 =	vld [tilespmem:s28+$0xFFFFFF90]  }
0x8a: {  	v7 =	vld [tilespmem:s26+$0x20]  }
0x8b: {  	v4 =	vld [tilespmem:s8+$0x70]  }
0x8c: {  	[tilespmem:v2+s31+$0x0] =	vst.idx.add.f32.msk $0xffff, v60  }
0x8d: {  	v6 =	vld [tilespmem:s9+$0x70]  }
0x8e: {  	[tilespmem:v5+s31+$0x0] =	vst.idx.add.f32.msk $0xffff, v1  }
0x8f: {  	v1 =	vld [tilespmem:s25+$0xFFFFFFA0]  }
0x90: {  	[tilespmem:v3+s30+$0x0] =	vst.idx.add.f32.msk $0xffff, v7  }
0x91: {  	v5 =	vld [tilespmem:s28+$0x20]  }
0x92: {  	v2 =	vld [tilespmem:s26+$0xFFFFFFA0]  }
0x93: {  	[tilespmem:v4+s30+$0x0] =	vst.idx.add.f32.msk $0xffff, v6  }
0x94: {  	v6 =	vld [tilespmem:s8+$0xFFFFFFD0]  }
0x95: {  	v7 =	vld [tilespmem:s9+$0xFFFFFFD0]  }
0x96: {  	[tilespmem:v3+s31+$0x0] =	vst.idx.add.f32.msk $0xffff, v5  }
0x97: {  	[tilespmem:v1+s30+$0x0] =	vst.idx.add.f32.msk $0xffff, v2  }
0x98: {  	v2 =	vld [tilespmem:s25+$0x30]  }
0x99: {  	v3 =	vld [tilespmem:s28+$0xFFFFFFA0]  }
0x9a: {  	v5 =	vld [tilespmem:s6+$0x70]  }
0x9b: {  	v61 =	vld [tilespmem:s26+$0x30]  }
0x9c: {  	[tilespmem:v6+s30+$0x0] =	vst.idx.add.f32.msk $0xffff, v7  }
0x9d: {  	v7 =	vld [tilespmem:s6+$0xFFFFFFD0]  }
0x9e: {  	[tilespmem:v1+s31+$0x0] =	vst.idx.add.f32.msk $0xffff, v3  }
0x9f: {  	v1 =	vld [tilespmem:s25+$0xFFFFFFB0]  }
0xa0: {  	[tilespmem:v2+s30+$0x0] =	vst.idx.add.f32.msk $0xffff, v61  }
0xa1: {  	v3 =	vld [tilespmem:s28+$0x30]  }
0xa2: {  	v62 =	vld [tilespmem:s26+$0xFFFFFFB0]  }
0xa3: {  	[tilespmem:v6+s31+$0x0] =	vst.idx.add.f32.msk $0xffff, v7  }
0xa4: {  	v6 =	vld [tilespmem:s8+$0xFFFFFFE0]  }
0xa5: {  	v7 =	vld [tilespmem:s9+$0xFFFFFFE0]  }
0xa6: {  	[tilespmem:v2+s31+$0x0] =	vst.idx.add.f32.msk $0xffff, v3  }
0xa7: {  	v2 =	vld [tilespmem:s25+$0x40]  }
0xa8: {  	[tilespmem:v1+s30+$0x0] =	vst.idx.add.f32.msk $0xffff, v62  }
0xa9: {  	v3 =	vld [tilespmem:s28+$0xFFFFFFB0]  }
0xaa: {  	v63 =	vld [tilespmem:s26+$0x40]  }
0xab: {  	[tilespmem:v4+s31+$0x0] =	vst.idx.add.f32.msk $0xffff, v5  }
0xac: {  	[tilespmem:v6+s30+$0x0] =	vst.idx.add.f32.msk $0xffff, v7  }
0xad: {  	v4 =	vld [tilespmem:s6+$0xFFFFFFE0]  }
0xae: {  	[tilespmem:v1+s31+$0x0] =	vst.idx.add.f32.msk $0xffff, v3  }
0xaf: {  	[tilespmem:v2+s30+$0x0] =	vst.idx.add.f32.msk $0xffff, v63  }
0xb0: {  	v7 =	vld [tilespmem:s28+$0x40]  }
0xb1: {  	v3 =	vld [tilespmem:s25+$0xFFFFFFC0]  }
0xb2: {  	v5 =	vld [tilespmem:s26+$0xFFFFFFC0]  }
0xb3: {  	[tilespmem:v6+s31+$0x0] =	vst.idx.add.f32.msk $0xffff, v4  }
0xb4: {  	v1 =	vld [tilespmem:s8+$0xFFFFFFF0]  }
0xb5: {  	[tilespmem:v2+s31+$0x0] =	vst.idx.add.f32.msk $0xffff, v7  }
0xb6: {  	s11 =	simm.s32 $0x2;
	v4 =	vld [tilespmem:s25+$0x50]  }
0xb7: {  	s12 =	simm.s32 $0x280;
	s8 =	simm.s32 $0xFB80;
	v2 =	vld [tilespmem:s9+$0xFFFFFFF0];
	s9 =	simm.s32 $0x7E80  }
.LBB2_4:
0xb8: {  	v6 =	vld [tilespmem:s12+$0x0]  }
0xb9: {  	v7 =	vld [tilespmem:s26+$0x50]  }
0xba: {  	s26 =	sadd.s32 $0x100, s26;
	v8 =	vld [tilespmem:s12+$0xFFFFFF80]  }
0xbb: {  	s11 =	sadd.s32 $0x2, s11;
	v9 =	vld [tilespmem:s26+$0x0]  }
0xbc: {  	p0 =	slt.u32 s11, $0x7A;
	v10 =	vld [tilespmem:s26+$0xFFFFFF80]  }
0xbd: {  	[tilespmem:v3+s30+$0x0] =	vst.idx.add.f32.msk $0xffff, v5  }
0xbe: {  	[tilespmem:v4+s30+$0x0] =	vst.idx.add.f32.msk $0xffff, v7  }
0xbf: {  	v5 =	vld [tilespmem:s28+$0x50]  }
0xc0: {  	s28 =	sadd.s32 $0x100, s28;
	[tilespmem:v6+s30+$0x0] =	vst.idx.add.f32.msk $0xffff, v9  }
0xc1: {  	v7 =	vld [tilespmem:s28+$0x0]  }
0xc2: {  	[tilespmem:v8+s30+$0x0] =	vst.idx.add.f32.msk $0xffff, v10  }
0xc3: {  	v9 =	vld [tilespmem:s28+$0xFFFFFF80]  }
0xc4: {  	[tilespmem:v4+s31+$0x0] =	vst.idx.add.f32.msk $0xffff, v5  }
0xc5: {  	v4 =	vld [tilespmem:s25+$0x60]  }
0xc6: {  	[tilespmem:v6+s31+$0x0] =	vst.idx.add.f32.msk $0xffff, v7  }
0xc7: {  	v5 =	vld [tilespmem:s12+$0x10]  }
0xc8: {  	v6 =	vld [tilespmem:s9+$0x60]  }
0xc9: {  	[tilespmem:v8+s31+$0x0] =	vst.idx.add.f32.msk $0xffff, v9  }
0xca: {  	v7 =	vld [tilespmem:s12+$0xFFFFFF90]  }
0xcb: {  	v8 =	vld [tilespmem:s26+$0x10]  }
0xcc: {  	v9 =	vld [tilespmem:s26+$0xFFFFFF90]  }
0xcd: {  	[tilespmem:v4+s30+$0x0] =	vst.idx.add.f32.msk $0xffff, v6  }
0xce: {  	v6 =	vld [tilespmem:s8+$0x60]  }
0xcf: {  	v10 =	vld [tilespmem:s8+$0xFFFFFFC0]  }
0xd0: {  	[tilespmem:v5+s30+$0x0] =	vst.idx.add.f32.msk $0xffff, v8  }
0xd1: {  	v8 =	vld [tilespmem:s28+$0x10]  }
0xd2: {  	[tilespmem:v7+s30+$0x0] =	vst.idx.add.f32.msk $0xffff, v9  }
0xd3: {  	[tilespmem:v4+s31+$0x0] =	vst.idx.add.f32.msk $0xffff, v6  }
0xd4: {  	v4 =	vld [tilespmem:s25+$0x70]  }
0xd5: {  	v6 =	vld [tilespmem:s28+$0xFFFFFF90]  }
0xd6: {  	[tilespmem:v5+s31+$0x0] =	vst.idx.add.f32.msk $0xffff, v8  }
0xd7: {  	v5 =	vld [tilespmem:s9+$0x70]  }
0xd8: {  	v8 =	vld [tilespmem:s12+$0x20]  }
0xd9: {  	[tilespmem:v3+s31+$0x0] =	vst.idx.add.f32.msk $0xffff, v10  }
0xda: {  	[tilespmem:v7+s31+$0x0] =	vst.idx.add.f32.msk $0xffff, v6  }
0xdb: {  	v3 =	vld [tilespmem:s26+$0x20]  }
0xdc: {  	[tilespmem:v4+s30+$0x0] =	vst.idx.add.f32.msk $0xffff, v5  }
0xdd: {  	v5 =	vld [tilespmem:s8+$0x70]  }
0xde: {  	v6 =	vld [tilespmem:s12+$0xFFFFFFA0]  }
0xdf: {  	v7 =	vld [tilespmem:s26+$0xFFFFFFA0]  }
0xe0: {  	[tilespmem:v8+s30+$0x0] =	vst.idx.add.f32.msk $0xffff, v3  }
0xe1: {  	v3 =	vld [tilespmem:s28+$0x20]  }
0xe2: {  	[tilespmem:v4+s31+$0x0] =	vst.idx.add.f32.msk $0xffff, v5  }
0xe3: {  	v4 =	vld [tilespmem:s25+$0xFFFFFFD0]  }
0xe4: {  	v5 =	vld [tilespmem:s9+$0xFFFFFFD0]  }
0xe5: {  	[tilespmem:v1+s30+$0x0] =	vst.idx.add.f32.msk $0xffff, v2  }
0xe6: {  	[tilespmem:v6+s30+$0x0] =	vst.idx.add.f32.msk $0xffff, v7  }
0xe7: {  	[tilespmem:v8+s31+$0x0] =	vst.idx.add.f32.msk $0xffff, v3  }
0xe8: {  	v2 =	vld [tilespmem:s12+$0x30]  }
0xe9: {  	v3 =	vld [tilespmem:s28+$0xFFFFFFA0]  }
0xea: {  	v7 =	vld [tilespmem:s6+$0xFFFFFFF0];
	s6 =	smov.u32 s8;
	s8 =	smov.u32 s28  }
0xeb: {  	v8 =	vld [tilespmem:s26+$0x30]  }
0xec: {  	[tilespmem:v4+s30+$0x0] =	vst.idx.add.f32.msk $0xffff, v5  }
0xed: {  	v5 =	vld [tilespmem:s6+$0xFFFFFFD0]  }
0xee: {  	[tilespmem:v6+s31+$0x0] =	vst.idx.add.f32.msk $0xffff, v3  }
0xef: {  	v3 =	vld [tilespmem:s12+$0xFFFFFFB0]  }
0xf0: {  	[tilespmem:v2+s30+$0x0] =	vst.idx.add.f32.msk $0xffff, v8  }
0xf1: {  	v6 =	vld [tilespmem:s28+$0x30]  }
0xf2: {  	v8 =	vld [tilespmem:s26+$0xFFFFFFB0]  }
0xf3: {  	[tilespmem:v4+s31+$0x0] =	vst.idx.add.f32.msk $0xffff, v5  }
0xf4: {  	v4 =	vld [tilespmem:s25+$0xFFFFFFE0]  }
0xf5: {  	v5 =	vld [tilespmem:s9+$0xFFFFFFE0]  }
0xf6: {  	[tilespmem:v2+s31+$0x0] =	vst.idx.add.f32.msk $0xffff, v6  }
0xf7: {  	v2 =	vld [tilespmem:s12+$0x40]  }
0xf8: {  	[tilespmem:v3+s30+$0x0] =	vst.idx.add.f32.msk $0xffff, v8  }
0xf9: {  	v6 =	vld [tilespmem:s28+$0xFFFFFFB0]  }
0xfa: {  	v8 =	vld [tilespmem:s26+$0x40]  }
0xfb: {  	[tilespmem:v1+s31+$0x0] =	vst.idx.add.f32.msk $0xffff, v7  }
0xfc: {  	[tilespmem:v4+s30+$0x0] =	vst.idx.add.f32.msk $0xffff, v5  }
0xfd: {  	v1 =	vld [tilespmem:s6+$0xFFFFFFE0]  }
0xfe: {  	[tilespmem:v3+s31+$0x0] =	vst.idx.add.f32.msk $0xffff, v6  }
0xff: {  	[tilespmem:v2+s30+$0x0] =	vst.idx.add.f32.msk $0xffff, v8  }
0x100: {  	v6 =	vld [tilespmem:s28+$0x40]  }
0x101: {  	v3 =	vld [tilespmem:s12+$0xFFFFFFC0]  }
0x102: {  	v5 =	vld [tilespmem:s26+$0xFFFFFFC0]  }
.Ltmp1:
0x103: {  	[tilespmem:v4+s31+$0x0] =	vst.idx.add.f32.msk $0xffff, v1;
	(pc) =	sbr.rel @p0 .LBB2_4-.Ltmp1, $4  }
0x104: {  	v1 =	vld [tilespmem:s25+$0xFFFFFFF0];
	s25 =	smov.u32 s12  }
0x105: {  	[tilespmem:v2+s31+$0x0] =	vst.idx.add.f32.msk $0xffff, v6  }
0x106: {  	v4 =	vld [tilespmem:s12+$0x50]  }
0x107: {  	s12 =	sadd.s32 $0x100, s12;
	v2 =	vld [tilespmem:s9+$0xFFFFFFF0];
	s9 =	smov.u32 s26  }
0x108: {  	_ =	sdelay $0x3  }
0x109: {  	[tilespmem:v3+s30+$0x0] =	vst.idx.add.f32.msk $0xffff, v5  }
0x10a: {  	v5 =	vld [tilespmem:s8+$0xFFFFFFC0];
	_ =	sdelay $0x4  }
0x10b: {  	[tilespmem:v3+s31+$0x0] =	vst.idx.add.f32.msk $0xffff, v5  }
0x10c: {  	v3 =	vld [tilespmem:s25+$0xFFFFFFD0]  }
0x10d: {  	v6 =	vld [tilespmem:s26+$0x50];
	_ =	sdelay $0x1  }
0x10e: {  	v5 =	vld [tilespmem:s9+$0xFFFFFFD0];
	_ =	sdelay $0x2  }
0x10f: {  	[tilespmem:v4+s30+$0x0] =	vst.idx.add.f32.msk $0xffff, v6  }
0x110: {  	v6 =	vld [tilespmem:s28+$0x50]  }
0x111: {  	[tilespmem:v3+s30+$0x0] =	vst.idx.add.f32.msk $0xffff, v5  }
0x112: {  	v5 =	vld [tilespmem:s8+$0xFFFFFFD0];
	_ =	sdelay $0x2  }
0x113: {  	[tilespmem:v4+s31+$0x0] =	vst.idx.add.f32.msk $0xffff, v6  }
0x114: {  	v4 =	vld [tilespmem:s25+$0x60]  }
0x115: {  	[tilespmem:v3+s31+$0x0] =	vst.idx.add.f32.msk $0xffff, v5  }
0x116: {  	v3 =	vld [tilespmem:s25+$0xFFFFFFE0]  }
0x117: {  	v6 =	vld [tilespmem:s9+$0x60];
	_ =	sdelay $0x1  }
0x118: {  	v5 =	vld [tilespmem:s9+$0xFFFFFFE0];
	_ =	sdelay $0x2  }
0x119: {  	[tilespmem:v4+s30+$0x0] =	vst.idx.add.f32.msk $0xffff, v6  }
0x11a: {  	v6 =	vld [tilespmem:s8+$0x60]  }
0x11b: {  	[tilespmem:v3+s30+$0x0] =	vst.idx.add.f32.msk $0xffff, v5  }
0x11c: {  	v5 =	vld [tilespmem:s8+$0xFFFFFFE0];
	_ =	sdelay $0x2  }
0x11d: {  	[tilespmem:v4+s31+$0x0] =	vst.idx.add.f32.msk $0xffff, v6  }
0x11e: {  	v4 =	vld [tilespmem:s25+$0x70]  }
0x11f: {  	[tilespmem:v3+s31+$0x0] =	vst.idx.add.f32.msk $0xffff, v5  }
0x120: {  	v3 =	vld [tilespmem:s25+$0xFFFFFFF0]  }
0x121: {  	v6 =	vld [tilespmem:s9+$0x70];
	_ =	sdelay $0x1  }
0x122: {  	v5 =	vld [tilespmem:s9+$0xFFFFFFF0]  }
0x123: {  	[tilespmem:v1+s30+$0x0] =	vst.idx.add.f32.msk $0xffff, v2  }
0x124: {  	v2 =	vld [tilespmem:s6+$0xFFFFFFF0]  }
0x125: {  	[tilespmem:v4+s30+$0x0] =	vst.idx.add.f32.msk $0xffff, v6  }
0x126: {  	v6 =	vld [tilespmem:s8+$0x70]  }
0x127: {  	[tilespmem:v3+s30+$0x0] =	vst.idx.add.f32.msk $0xffff, v5  }
0x128: {  	v5 =	vld [tilespmem:s8+$0xFFFFFFF0];
	_ =	sdelay $0x2  }
0x129: {  	[tilespmem:v1+s31+$0x0] =	vst.idx.add.f32.msk $0xffff, v2  }
0x12a: {  	[tilespmem:v4+s31+$0x0] =	vst.idx.add.f32.msk $0xffff, v6  }
0x12b: {  	[tilespmem:v3+s31+$0x0] =	vst.idx.add.f32.msk $0xffff, v5  }
0x12c: {  	v1 =	vld [tilespmem:$0x3E00];
	_ =	sdelay $0x2  }
0x12d: {  	v2 =	vld [tilespmem:$0xBB00];
	_ =	sdelay $0x4  }
0x12e: {  	[tilespmem:v1+s30+$0x0] =	vst.idx.add.f32.msk $0xffff, v2  }
0x12f: {  	v2 =	vld [tilespmem:$0x13800];
	_ =	sdelay $0x4  }
0x130: {  	[tilespmem:v1+s31+$0x0] =	vst.idx.add.f32.msk $0xffff, v2  }
0x131: {  	v1 =	vld [tilespmem:$0x3E10];
	_ =	sdelay $0x2  }
0x132: {  	v2 =	vld [tilespmem:$0xBB10];
	_ =	sdelay $0x4  }
0x133: {  	[tilespmem:v1+s30+$0x0] =	vst.idx.add.f32.msk $0xffff, v2  }
0x134: {  	v2 =	vld [tilespmem:$0x13810];
	_ =	sdelay $0x4  }
0x135: {  	[tilespmem:v1+s31+$0x0] =	vst.idx.add.f32.msk $0xffff, v2  }
0x136: {  	v1 =	vld [tilespmem:$0x3E20];
	_ =	sdelay $0x2  }
0x137: {  	v2 =	vld [tilespmem:$0xBB20];
	_ =	sdelay $0x4  }
0x138: {  	[tilespmem:v1+s30+$0x0] =	vst.idx.add.f32.msk $0xffff, v2  }
0x139: {  	v2 =	vld [tilespmem:$0x13820];
	_ =	sdelay $0x4  }
0x13a: {  	[tilespmem:v1+s31+$0x0] =	vst.idx.add.f32.msk $0xffff, v2  }
0x13b: {  	v1 =	vld [tilespmem:$0x3E30];
	_ =	sdelay $0x2  }
0x13c: {  	v2 =	vld [tilespmem:$0xBB30];
	_ =	sdelay $0x4  }
0x13d: {  	[tilespmem:v1+s30+$0x0] =	vst.idx.add.f32.msk $0xffff, v2  }
0x13e: {  	v2 =	vld [tilespmem:$0x13830];
	_ =	sdelay $0x4  }
0x13f: {  	[tilespmem:v1+s31+$0x0] =	vst.idx.add.f32.msk $0xffff, v2  }
0x140: {  	v1 =	vld [tilespmem:$0x3E40];
	_ =	sdelay $0x2  }
0x141: {  	v2 =	vld [tilespmem:$0xBB40];
	_ =	sdelay $0x4  }
0x142: {  	[tilespmem:v1+s30+$0x0] =	vst.idx.add.f32.msk $0xffff, v2  }
0x143: {  	v2 =	vld [tilespmem:$0x13840];
	_ =	sdelay $0x4  }
0x144: {  	[tilespmem:v1+s31+$0x0] =	vst.idx.add.f32.msk $0xffff, v2  }
0x145: {  	v1 =	vld [tilespmem:$0x3E50];
	_ =	sdelay $0x2  }
0x146: {  	v2 =	vld [tilespmem:$0xBB50];
	_ =	sdelay $0x4  }
0x147: {  	[tilespmem:v1+s30+$0x0] =	vst.idx.add.f32.msk $0xffff, v2  }
0x148: {  	v2 =	vld [tilespmem:$0x13850];
	_ =	sdelay $0x4  }
0x149: {  	[tilespmem:v1+s31+$0x0] =	vst.idx.add.f32.msk $0xffff, v2  }
0x14a: {  	v1 =	vld [tilespmem:$0x3E60];
	_ =	sdelay $0x2  }
0x14b: {  	v2 =	vld [tilespmem:$0xBB60];
	_ =	sdelay $0x4  }
0x14c: {  	[tilespmem:v1+s30+$0x0] =	vst.idx.add.f32.msk $0xffff, v2  }
0x14d: {  	v2 =	vld [tilespmem:$0x13860];
	_ =	sdelay $0x4  }
0x14e: {  	[tilespmem:v1+s31+$0x0] =	vst.idx.add.f32.msk $0xffff, v2  }
0x14f: {  	v1 =	vld [tilespmem:$0x3E70];
	_ =	sdelay $0x2  }
0x150: {  	v2 =	vld [tilespmem:$0xBB70];
	_ =	sdelay $0x4  }
0x151: {  	[tilespmem:v1+s30+$0x0] =	vst.idx.add.f32.msk $0xffff, v2  }
0x152: {  	v2 =	vld [tilespmem:$0x13870];
	_ =	sdelay $0x4  }
0x153: {  	s9 =	rddreg [dreg:$0x8];
	[tilespmem:v1+s31+$0x0] =	vst.idx.add.f32.msk $0xffff, v2  }
0x154: {  	[tilespmem:s2], [sflag:$0x1] =	stream.strided.gather [hbm4b:s9+s1], $0x3E80, s21, s1, $0x38;
	[tilespmem:$0x1C700] =	vst v63  }
0x155: {  	_ = 	snop  }
0x156: {  	[tilespmem:s23], [sflag:$0x1] =	stream.strided.gather [hbm4b:s10+s1], $0x3E80, s22, s1, $0x38;
	[tilespmem:$0x1C700] =	vst v63  }
0x157: {  	s11 =	rddreg [dreg:$0x9]  }
0x158: {  	[tilespmem:s24], [sflag:$0x1] =	stream.strided.gather [hbm4b:s11+s1], $0x3E80, s22, s1, $0x38;
	[tilespmem:$0x1C700] =	vst v63  }
0x159: {  	_ =	swait.ge [sflag:s0], $0x3E80  }
0x15a: {  	[sflag:s0] =	ssyncset.done $0x0  }
0x15b: {  	[sflag:s0] =	ssyncadd.s32 $0xFFFFC180  }
0x15c: {  	_ =	swait.ge [sflag:s0], $0x3E80  }
0x15d: {  	[sflag:s0] =	ssyncset.done $0x0  }
0x15e: {  	[sflag:s0] =	ssyncadd.s32 $0xFFFFC180  }
0x15f: {  	_ =	swait.ge [sflag:s0], $0x3E80  }
0x160: {  	[sflag:s0] =	ssyncset.done $0x0  }
0x161: {  	s12 =	simm.s32 $0x3F00;
	[sflag:s0] =	ssyncadd.s32 $0xFFFFC180  }
0x162: {  	v1 =	vld [tilespmem:s12+$0x0];
	_ =	sdelay $0x1  }
0x163: {  	s8 =	simm.s32 $0xBC00  }
0x164: {  	v2 =	vld [tilespmem:s8+$0x0];
	_ =	sdelay $0x4  }
0x165: {  	s6 =	simm.s32 $0x13900;
	[tilespmem:v1+s30+$0x0] =	vst.idx.add.f32.msk $0xffff, v2  }
0x166: {  	v2 =	vld [tilespmem:s6+$0x0];
	_ =	sdelay $0x3  }
0x167: {  	v3 =	vld [tilespmem:s12+$0xFFFFFF80]  }
0x168: {  	[tilespmem:v1+s31+$0x0] =	vst.idx.add.f32.msk $0xffff, v2  }
0x169: {  	v1 =	vld [tilespmem:s12+$0x10]  }
0x16a: {  	v2 =	vld [tilespmem:s8+$0xFFFFFF80];
	_ =	sdelay $0x1  }
0x16b: {  	v4 =	vld [tilespmem:s8+$0x10];
	_ =	sdelay $0x2  }
0x16c: {  	[tilespmem:v3+s30+$0x0] =	vst.idx.add.f32.msk $0xffff, v2  }
0x16d: {  	v2 =	vld [tilespmem:s6+$0xFFFFFF80]  }
0x16e: {  	[tilespmem:v1+s30+$0x0] =	vst.idx.add.f32.msk $0xffff, v4  }
0x16f: {  	v4 =	vld [tilespmem:s6+$0x10];
	_ =	sdelay $0x2  }
0x170: {  	[tilespmem:v3+s31+$0x0] =	vst.idx.add.f32.msk $0xffff, v2  }
0x171: {  	v2 =	vld [tilespmem:s12+$0xFFFFFF90]  }
0x172: {  	[tilespmem:v1+s31+$0x0] =	vst.idx.add.f32.msk $0xffff, v4  }
0x173: {  	v1 =	vld [tilespmem:s12+$0x20]  }
0x174: {  	v3 =	vld [tilespmem:s8+$0xFFFFFF90];
	_ =	sdelay $0x1  }
0x175: {  	v4 =	vld [tilespmem:s8+$0x20];
	_ =	sdelay $0x2  }
0x176: {  	[tilespmem:v2+s30+$0x0] =	vst.idx.add.f32.msk $0xffff, v3  }
0x177: {  	v3 =	vld [tilespmem:s6+$0xFFFFFF90]  }
0x178: {  	[tilespmem:v1+s30+$0x0] =	vst.idx.add.f32.msk $0xffff, v4  }
0x179: {  	v4 =	vld [tilespmem:s6+$0x20];
	_ =	sdelay $0x2  }
0x17a: {  	[tilespmem:v2+s31+$0x0] =	vst.idx.add.f32.msk $0xffff, v3  }
0x17b: {  	v2 =	vld [tilespmem:s12+$0xFFFFFFA0]  }
0x17c: {  	[tilespmem:v1+s31+$0x0] =	vst.idx.add.f32.msk $0xffff, v4  }
0x17d: {  	v1 =	vld [tilespmem:s12+$0x30]  }
0x17e: {  	v3 =	vld [tilespmem:s8+$0xFFFFFFA0];
	_ =	sdelay $0x1  }
0x17f: {  	v4 =	vld [tilespmem:s8+$0x30];
	_ =	sdelay $0x2  }
0x180: {  	[tilespmem:v2+s30+$0x0] =	vst.idx.add.f32.msk $0xffff, v3  }
0x181: {  	v3 =	vld [tilespmem:s6+$0xFFFFFFA0]  }
0x182: {  	[tilespmem:v1+s30+$0x0] =	vst.idx.add.f32.msk $0xffff, v4  }
0x183: {  	v4 =	vld [tilespmem:s6+$0x30];
	_ =	sdelay $0x2  }
0x184: {  	[tilespmem:v2+s31+$0x0] =	vst.idx.add.f32.msk $0xffff, v3  }
0x185: {  	v2 =	vld [tilespmem:s12+$0xFFFFFFB0]  }
0x186: {  	[tilespmem:v1+s31+$0x0] =	vst.idx.add.f32.msk $0xffff, v4  }
0x187: {  	v1 =	vld [tilespmem:s12+$0x40]  }
0x188: {  	s25 =	simm.s32 $0x4000;
	v3 =	vld [tilespmem:s8+$0xFFFFFFB0]  }
0x189: {  	v5 =	vld [tilespmem:s25+$0xFFFFFF80]  }
0x18a: {  	v4 =	vld [tilespmem:s8+$0x40]  }
0x18b: {  	s26 =	simm.s32 $0xBD00  }
0x18c: {  	v8 =	vld [tilespmem:s26+$0xFFFFFF80]  }
0x18d: {  	[tilespmem:v2+s30+$0x0] =	vst.idx.add.f32.msk $0xffff, v3  }
0x18e: {  	v3 =	vld [tilespmem:s6+$0xFFFFFFB0]  }
0x18f: {  	[tilespmem:v1+s30+$0x0] =	vst.idx.add.f32.msk $0xffff, v4  }
0x190: {  	v4 =	vld [tilespmem:s6+$0x40]  }
0x191: {  	s28 =	simm.s32 $0x13A00;
	[tilespmem:v5+s30+$0x0] =	vst.idx.add.f32.msk $0xffff, v8  }
0x192: {  	v8 =	vld [tilespmem:s28+$0xFFFFFF80]  }
0x193: {  	[tilespmem:v2+s31+$0x0] =	vst.idx.add.f32.msk $0xffff, v3  }
0x194: {  	v3 =	vld [tilespmem:s25+$0x0]  }
0x195: {  	[tilespmem:v1+s31+$0x0] =	vst.idx.add.f32.msk $0xffff, v4  }
0x196: {  	v1 =	vld [tilespmem:s12+$0x50]  }
0x197: {  	v6 =	vld [tilespmem:s26+$0x0];
	_ =	sdelay $0x1  }
0x198: {  	v4 =	vld [tilespmem:s8+$0x50];
	_ =	sdelay $0x1  }
0x199: {  	[tilespmem:v5+s31+$0x0] =	vst.idx.add.f32.msk $0xffff, v8  }
0x19a: {  	[tilespmem:v3+s30+$0x0] =	vst.idx.add.f32.msk $0xffff, v6  }
0x19b: {  	v6 =	vld [tilespmem:s28+$0x0]  }
0x19c: {  	[tilespmem:v1+s30+$0x0] =	vst.idx.add.f32.msk $0xffff, v4  }
0x19d: {  	v4 =	vld [tilespmem:s6+$0x50]  }
0x19e: {  	v2 =	vld [tilespmem:s12+$0xFFFFFFC0]  }
0x19f: {  	v7 =	vld [tilespmem:s8+$0xFFFFFFC0]  }
0x1a0: {  	[tilespmem:v3+s31+$0x0] =	vst.idx.add.f32.msk $0xffff, v6  }
0x1a1: {  	v3 =	vld [tilespmem:s25+$0x10]  }
0x1a2: {  	[tilespmem:v1+s31+$0x0] =	vst.idx.add.f32.msk $0xffff, v4  }
0x1a3: {  	v1 =	vld [tilespmem:s12+$0x60]  }
0x1a4: {  	v6 =	vld [tilespmem:s26+$0x10]  }
0x1a5: {  	v5 =	vld [tilespmem:s25+$0xFFFFFF90]  }
0x1a6: {  	v4 =	vld [tilespmem:s8+$0x60]  }
0x1a7: {  	[tilespmem:v2+s30+$0x0] =	vst.idx.add.f32.msk $0xffff, v7  }
0x1a8: {  	v7 =	vld [tilespmem:s26+$0xFFFFFF90]  }
0x1a9: {  	[tilespmem:v3+s30+$0x0] =	vst.idx.add.f32.msk $0xffff, v6  }
0x1aa: {  	v6 =	vld [tilespmem:s28+$0x10]  }
0x1ab: {  	[tilespmem:v1+s30+$0x0] =	vst.idx.add.f32.msk $0xffff, v4  }
0x1ac: {  	v4 =	vld [tilespmem:s6+$0x60]  }
0x1ad: {  	v60 =	vld [tilespmem:s6+$0xFFFFFFC0]  }
0x1ae: {  	[tilespmem:v5+s30+$0x0] =	vst.idx.add.f32.msk $0xffff, v7  }
0x1af: {  	[tilespmem:v3+s31+$0x0] =	vst.idx.add.f32.msk $0xffff, v6  }
0x1b0: {  	v3 =	vld [tilespmem:s25+$0x20]  }
0x1b1: {  	[tilespmem:v1+s31+$0x0] =	vst.idx.add.f32.msk $0xffff, v4  }
0x1b2: {  	v1 =	vld [tilespmem:s28+$0xFFFFFF90]  }
0x1b3: {  	v7 =	vld [tilespmem:s26+$0x20]  }
0x1b4: {  	v4 =	vld [tilespmem:s12+$0x70]  }
0x1b5: {  	[tilespmem:v2+s31+$0x0] =	vst.idx.add.f32.msk $0xffff, v60  }
0x1b6: {  	v6 =	vld [tilespmem:s8+$0x70]  }
0x1b7: {  	[tilespmem:v5+s31+$0x0] =	vst.idx.add.f32.msk $0xffff, v1  }
0x1b8: {  	v1 =	vld [tilespmem:s25+$0xFFFFFFA0]  }
0x1b9: {  	[tilespmem:v3+s30+$0x0] =	vst.idx.add.f32.msk $0xffff, v7  }
0x1ba: {  	v5 =	vld [tilespmem:s28+$0x20]  }
0x1bb: {  	v2 =	vld [tilespmem:s26+$0xFFFFFFA0]  }
0x1bc: {  	[tilespmem:v4+s30+$0x0] =	vst.idx.add.f32.msk $0xffff, v6  }
0x1bd: {  	v6 =	vld [tilespmem:s12+$0xFFFFFFD0]  }
0x1be: {  	v7 =	vld [tilespmem:s8+$0xFFFFFFD0]  }
0x1bf: {  	[tilespmem:v3+s31+$0x0] =	vst.idx.add.f32.msk $0xffff, v5  }
0x1c0: {  	[tilespmem:v1+s30+$0x0] =	vst.idx.add.f32.msk $0xffff, v2  }
0x1c1: {  	v2 =	vld [tilespmem:s25+$0x30]  }
0x1c2: {  	v3 =	vld [tilespmem:s28+$0xFFFFFFA0]  }
0x1c3: {  	v5 =	vld [tilespmem:s6+$0x70]  }
0x1c4: {  	v61 =	vld [tilespmem:s26+$0x30]  }
0x1c5: {  	[tilespmem:v6+s30+$0x0] =	vst.idx.add.f32.msk $0xffff, v7  }
0x1c6: {  	v7 =	vld [tilespmem:s6+$0xFFFFFFD0]  }
0x1c7: {  	[tilespmem:v1+s31+$0x0] =	vst.idx.add.f32.msk $0xffff, v3  }
0x1c8: {  	v1 =	vld [tilespmem:s25+$0xFFFFFFB0]  }
0x1c9: {  	[tilespmem:v2+s30+$0x0] =	vst.idx.add.f32.msk $0xffff, v61  }
0x1ca: {  	v3 =	vld [tilespmem:s28+$0x30]  }
0x1cb: {  	v62 =	vld [tilespmem:s26+$0xFFFFFFB0]  }
0x1cc: {  	[tilespmem:v6+s31+$0x0] =	vst.idx.add.f32.msk $0xffff, v7  }
0x1cd: {  	v6 =	vld [tilespmem:s12+$0xFFFFFFE0]  }
0x1ce: {  	v7 =	vld [tilespmem:s8+$0xFFFFFFE0]  }
0x1cf: {  	[tilespmem:v2+s31+$0x0] =	vst.idx.add.f32.msk $0xffff, v3  }
0x1d0: {  	v2 =	vld [tilespmem:s25+$0x40]  }
0x1d1: {  	[tilespmem:v1+s30+$0x0] =	vst.idx.add.f32.msk $0xffff, v62  }
0x1d2: {  	v3 =	vld [tilespmem:s28+$0xFFFFFFB0]  }
0x1d3: {  	v63 =	vld [tilespmem:s26+$0x40]  }
0x1d4: {  	[tilespmem:v4+s31+$0x0] =	vst.idx.add.f32.msk $0xffff, v5  }
0x1d5: {  	[tilespmem:v6+s30+$0x0] =	vst.idx.add.f32.msk $0xffff, v7  }
0x1d6: {  	v4 =	vld [tilespmem:s6+$0xFFFFFFE0]  }
0x1d7: {  	[tilespmem:v1+s31+$0x0] =	vst.idx.add.f32.msk $0xffff, v3  }
0x1d8: {  	[tilespmem:v2+s30+$0x0] =	vst.idx.add.f32.msk $0xffff, v63  }
0x1d9: {  	v7 =	vld [tilespmem:s28+$0x40]  }
0x1da: {  	v3 =	vld [tilespmem:s25+$0xFFFFFFC0]  }
0x1db: {  	v5 =	vld [tilespmem:s26+$0xFFFFFFC0]  }
0x1dc: {  	[tilespmem:v6+s31+$0x0] =	vst.idx.add.f32.msk $0xffff, v4  }
0x1dd: {  	v1 =	vld [tilespmem:s12+$0xFFFFFFF0]  }
0x1de: {  	[tilespmem:v2+s31+$0x0] =	vst.idx.add.f32.msk $0xffff, v7  }
0x1df: {  	s9 =	simm.s32 $0xBD00;
	v4 =	vld [tilespmem:s25+$0x50]  }
0x1e0: {  	s11 =	simm.s32 $0x2;
	s12 =	simm.s32 $0x4100;
	v2 =	vld [tilespmem:s8+$0xFFFFFFF0];
	s8 =	simm.s32 $0x13A00  }
.LBB2_6:
0x1e1: {  	v6 =	vld [tilespmem:s12+$0x0]  }
0x1e2: {  	v7 =	vld [tilespmem:s26+$0x50]  }
0x1e3: {  	s26 =	sadd.s32 $0x100, s26;
	v8 =	vld [tilespmem:s12+$0xFFFFFF80]  }
0x1e4: {  	s11 =	sadd.s32 $0x2, s11;
	v9 =	vld [tilespmem:s26+$0x0]  }
0x1e5: {  	p0 =	slt.u32 s11, $0x7A;
	v10 =	vld [tilespmem:s26+$0xFFFFFF80]  }
0x1e6: {  	[tilespmem:v3+s30+$0x0] =	vst.idx.add.f32.msk $0xffff, v5  }
0x1e7: {  	[tilespmem:v4+s30+$0x0] =	vst.idx.add.f32.msk $0xffff, v7  }
0x1e8: {  	v5 =	vld [tilespmem:s28+$0x50]  }
0x1e9: {  	s28 =	sadd.s32 $0x100, s28;
	[tilespmem:v6+s30+$0x0] =	vst.idx.add.f32.msk $0xffff, v9  }
0x1ea: {  	v7 =	vld [tilespmem:s28+$0x0]  }
0x1eb: {  	[tilespmem:v8+s30+$0x0] =	vst.idx.add.f32.msk $0xffff, v10  }
0x1ec: {  	v9 =	vld [tilespmem:s28+$0xFFFFFF80]  }
0x1ed: {  	[tilespmem:v4+s31+$0x0] =	vst.idx.add.f32.msk $0xffff, v5  }
0x1ee: {  	v4 =	vld [tilespmem:s25+$0x60]  }
0x1ef: {  	[tilespmem:v6+s31+$0x0] =	vst.idx.add.f32.msk $0xffff, v7  }
0x1f0: {  	v5 =	vld [tilespmem:s12+$0x10]  }
0x1f1: {  	v6 =	vld [tilespmem:s9+$0x60]  }
0x1f2: {  	[tilespmem:v8+s31+$0x0] =	vst.idx.add.f32.msk $0xffff, v9  }
0x1f3: {  	v7 =	vld [tilespmem:s12+$0xFFFFFF90]  }
0x1f4: {  	v8 =	vld [tilespmem:s26+$0x10]  }
0x1f5: {  	v9 =	vld [tilespmem:s26+$0xFFFFFF90]  }
0x1f6: {  	[tilespmem:v4+s30+$0x0] =	vst.idx.add.f32.msk $0xffff, v6  }
0x1f7: {  	v6 =	vld [tilespmem:s8+$0x60]  }
0x1f8: {  	v10 =	vld [tilespmem:s8+$0xFFFFFFC0]  }
0x1f9: {  	[tilespmem:v5+s30+$0x0] =	vst.idx.add.f32.msk $0xffff, v8  }
0x1fa: {  	v8 =	vld [tilespmem:s28+$0x10]  }
0x1fb: {  	[tilespmem:v7+s30+$0x0] =	vst.idx.add.f32.msk $0xffff, v9  }
0x1fc: {  	[tilespmem:v4+s31+$0x0] =	vst.idx.add.f32.msk $0xffff, v6  }
0x1fd: {  	v4 =	vld [tilespmem:s25+$0x70]  }
0x1fe: {  	v6 =	vld [tilespmem:s28+$0xFFFFFF90]  }
0x1ff: {  	[tilespmem:v5+s31+$0x0] =	vst.idx.add.f32.msk $0xffff, v8  }
0x200: {  	v5 =	vld [tilespmem:s9+$0x70]  }
0x201: {  	v8 =	vld [tilespmem:s12+$0x20]  }
0x202: {  	[tilespmem:v3+s31+$0x0] =	vst.idx.add.f32.msk $0xffff, v10  }
0x203: {  	[tilespmem:v7+s31+$0x0] =	vst.idx.add.f32.msk $0xffff, v6  }
0x204: {  	v3 =	vld [tilespmem:s26+$0x20]  }
0x205: {  	[tilespmem:v4+s30+$0x0] =	vst.idx.add.f32.msk $0xffff, v5  }
0x206: {  	v5 =	vld [tilespmem:s8+$0x70]  }
0x207: {  	v6 =	vld [tilespmem:s12+$0xFFFFFFA0]  }
0x208: {  	v7 =	vld [tilespmem:s26+$0xFFFFFFA0]  }
0x209: {  	[tilespmem:v8+s30+$0x0] =	vst.idx.add.f32.msk $0xffff, v3  }
0x20a: {  	v3 =	vld [tilespmem:s28+$0x20]  }
0x20b: {  	[tilespmem:v4+s31+$0x0] =	vst.idx.add.f32.msk $0xffff, v5  }
0x20c: {  	v4 =	vld [tilespmem:s25+$0xFFFFFFD0]  }
0x20d: {  	v5 =	vld [tilespmem:s9+$0xFFFFFFD0]  }
0x20e: {  	[tilespmem:v1+s30+$0x0] =	vst.idx.add.f32.msk $0xffff, v2  }
0x20f: {  	[tilespmem:v6+s30+$0x0] =	vst.idx.add.f32.msk $0xffff, v7  }
0x210: {  	[tilespmem:v8+s31+$0x0] =	vst.idx.add.f32.msk $0xffff, v3  }
0x211: {  	v2 =	vld [tilespmem:s12+$0x30]  }
0x212: {  	v3 =	vld [tilespmem:s28+$0xFFFFFFA0]  }
0x213: {  	v7 =	vld [tilespmem:s6+$0xFFFFFFF0];
	s6 =	smov.u32 s8;
	s8 =	smov.u32 s28  }
0x214: {  	v8 =	vld [tilespmem:s26+$0x30]  }
0x215: {  	[tilespmem:v4+s30+$0x0] =	vst.idx.add.f32.msk $0xffff, v5  }
0x216: {  	v5 =	vld [tilespmem:s6+$0xFFFFFFD0]  }
0x217: {  	[tilespmem:v6+s31+$0x0] =	vst.idx.add.f32.msk $0xffff, v3  }
0x218: {  	v3 =	vld [tilespmem:s12+$0xFFFFFFB0]  }
0x219: {  	[tilespmem:v2+s30+$0x0] =	vst.idx.add.f32.msk $0xffff, v8  }
0x21a: {  	v6 =	vld [tilespmem:s28+$0x30]  }
0x21b: {  	v8 =	vld [tilespmem:s26+$0xFFFFFFB0]  }
0x21c: {  	[tilespmem:v4+s31+$0x0] =	vst.idx.add.f32.msk $0xffff, v5  }
0x21d: {  	v4 =	vld [tilespmem:s25+$0xFFFFFFE0]  }
0x21e: {  	v5 =	vld [tilespmem:s9+$0xFFFFFFE0]  }
0x21f: {  	[tilespmem:v2+s31+$0x0] =	vst.idx.add.f32.msk $0xffff, v6  }
0x220: {  	v2 =	vld [tilespmem:s12+$0x40]  }
0x221: {  	[tilespmem:v3+s30+$0x0] =	vst.idx.add.f32.msk $0xffff, v8  }
0x222: {  	v6 =	vld [tilespmem:s28+$0xFFFFFFB0]  }
0x223: {  	v8 =	vld [tilespmem:s26+$0x40]  }
0x224: {  	[tilespmem:v1+s31+$0x0] =	vst.idx.add.f32.msk $0xffff, v7  }
0x225: {  	[tilespmem:v4+s30+$0x0] =	vst.idx.add.f32.msk $0xffff, v5  }
0x226: {  	v1 =	vld [tilespmem:s6+$0xFFFFFFE0]  }
0x227: {  	[tilespmem:v3+s31+$0x0] =	vst.idx.add.f32.msk $0xffff, v6  }
0x228: {  	[tilespmem:v2+s30+$0x0] =	vst.idx.add.f32.msk $0xffff, v8  }
0x229: {  	v6 =	vld [tilespmem:s28+$0x40]  }
0x22a: {  	v3 =	vld [tilespmem:s12+$0xFFFFFFC0]  }
0x22b: {  	v5 =	vld [tilespmem:s26+$0xFFFFFFC0]  }
.Ltmp2:
0x22c: {  	[tilespmem:v4+s31+$0x0] =	vst.idx.add.f32.msk $0xffff, v1;
	(pc) =	sbr.rel @p0 .LBB2_6-.Ltmp2, $4  }
0x22d: {  	v1 =	vld [tilespmem:s25+$0xFFFFFFF0];
	s25 =	smov.u32 s12  }
0x22e: {  	[tilespmem:v2+s31+$0x0] =	vst.idx.add.f32.msk $0xffff, v6  }
0x22f: {  	v4 =	vld [tilespmem:s12+$0x50]  }
0x230: {  	s12 =	sadd.s32 $0x100, s12;
	v2 =	vld [tilespmem:s9+$0xFFFFFFF0];
	s9 =	smov.u32 s26  }
0x231: {  	_ =	sdelay $0x3  }
0x232: {  	[tilespmem:v3+s30+$0x0] =	vst.idx.add.f32.msk $0xffff, v5  }
0x233: {  	v5 =	vld [tilespmem:s8+$0xFFFFFFC0];
	_ =	sdelay $0x4  }
0x234: {  	[tilespmem:v3+s31+$0x0] =	vst.idx.add.f32.msk $0xffff, v5  }
0x235: {  	v3 =	vld [tilespmem:s25+$0xFFFFFFD0]  }
0x236: {  	v6 =	vld [tilespmem:s26+$0x50];
	_ =	sdelay $0x1  }
0x237: {  	v5 =	vld [tilespmem:s9+$0xFFFFFFD0];
	_ =	sdelay $0x2  }
0x238: {  	[tilespmem:v4+s30+$0x0] =	vst.idx.add.f32.msk $0xffff, v6  }
0x239: {  	v6 =	vld [tilespmem:s28+$0x50]  }
0x23a: {  	[tilespmem:v3+s30+$0x0] =	vst.idx.add.f32.msk $0xffff, v5  }
0x23b: {  	v5 =	vld [tilespmem:s8+$0xFFFFFFD0];
	_ =	sdelay $0x2  }
0x23c: {  	[tilespmem:v4+s31+$0x0] =	vst.idx.add.f32.msk $0xffff, v6  }
0x23d: {  	v4 =	vld [tilespmem:s25+$0x60]  }
0x23e: {  	[tilespmem:v3+s31+$0x0] =	vst.idx.add.f32.msk $0xffff, v5  }
0x23f: {  	v3 =	vld [tilespmem:s25+$0xFFFFFFE0]  }
0x240: {  	v6 =	vld [tilespmem:s9+$0x60];
	_ =	sdelay $0x1  }
0x241: {  	v5 =	vld [tilespmem:s9+$0xFFFFFFE0];
	_ =	sdelay $0x2  }
0x242: {  	[tilespmem:v4+s30+$0x0] =	vst.idx.add.f32.msk $0xffff, v6  }
0x243: {  	v6 =	vld [tilespmem:s8+$0x60]  }
0x244: {  	[tilespmem:v3+s30+$0x0] =	vst.idx.add.f32.msk $0xffff, v5  }
0x245: {  	v5 =	vld [tilespmem:s8+$0xFFFFFFE0];
	_ =	sdelay $0x2  }
0x246: {  	[tilespmem:v4+s31+$0x0] =	vst.idx.add.f32.msk $0xffff, v6  }
0x247: {  	v4 =	vld [tilespmem:s25+$0x70]  }
0x248: {  	[tilespmem:v3+s31+$0x0] =	vst.idx.add.f32.msk $0xffff, v5  }
0x249: {  	v3 =	vld [tilespmem:s25+$0xFFFFFFF0]  }
0x24a: {  	v6 =	vld [tilespmem:s9+$0x70];
	_ =	sdelay $0x1  }
0x24b: {  	v5 =	vld [tilespmem:s9+$0xFFFFFFF0]  }
0x24c: {  	[tilespmem:v1+s30+$0x0] =	vst.idx.add.f32.msk $0xffff, v2  }
0x24d: {  	v2 =	vld [tilespmem:s6+$0xFFFFFFF0]  }
0x24e: {  	[tilespmem:v4+s30+$0x0] =	vst.idx.add.f32.msk $0xffff, v6  }
0x24f: {  	v6 =	vld [tilespmem:s8+$0x70]  }
0x250: {  	[tilespmem:v3+s30+$0x0] =	vst.idx.add.f32.msk $0xffff, v5  }
0x251: {  	v5 =	vld [tilespmem:s8+$0xFFFFFFF0];
	_ =	sdelay $0x2  }
0x252: {  	[tilespmem:v1+s31+$0x0] =	vst.idx.add.f32.msk $0xffff, v2  }
0x253: {  	[tilespmem:v4+s31+$0x0] =	vst.idx.add.f32.msk $0xffff, v6  }
0x254: {  	[tilespmem:v3+s31+$0x0] =	vst.idx.add.f32.msk $0xffff, v5  }
0x255: {  	v1 =	vld [tilespmem:$0x7C80];
	_ =	sdelay $0x2  }
0x256: {  	v2 =	vld [tilespmem:$0xF980];
	_ =	sdelay $0x4  }
0x257: {  	[tilespmem:v1+s30+$0x0] =	vst.idx.add.f32.msk $0xffff, v2  }
0x258: {  	v2 =	vld [tilespmem:$0x17680];
	_ =	sdelay $0x4  }
0x259: {  	[tilespmem:v1+s31+$0x0] =	vst.idx.add.f32.msk $0xffff, v2  }
0x25a: {  	v1 =	vld [tilespmem:$0x7C90];
	_ =	sdelay $0x2  }
0x25b: {  	v2 =	vld [tilespmem:$0xF990];
	_ =	sdelay $0x4  }
0x25c: {  	[tilespmem:v1+s30+$0x0] =	vst.idx.add.f32.msk $0xffff, v2  }
0x25d: {  	v2 =	vld [tilespmem:$0x17690];
	_ =	sdelay $0x4  }
0x25e: {  	[tilespmem:v1+s31+$0x0] =	vst.idx.add.f32.msk $0xffff, v2  }
0x25f: {  	v1 =	vld [tilespmem:$0x7CA0];
	_ =	sdelay $0x2  }
0x260: {  	v2 =	vld [tilespmem:$0xF9A0];
	_ =	sdelay $0x4  }
0x261: {  	[tilespmem:v1+s30+$0x0] =	vst.idx.add.f32.msk $0xffff, v2  }
0x262: {  	v2 =	vld [tilespmem:$0x176A0];
	_ =	sdelay $0x4  }
0x263: {  	[tilespmem:v1+s31+$0x0] =	vst.idx.add.f32.msk $0xffff, v2  }
0x264: {  	v1 =	vld [tilespmem:$0x7CB0];
	_ =	sdelay $0x2  }
0x265: {  	v2 =	vld [tilespmem:$0xF9B0];
	_ =	sdelay $0x4  }
0x266: {  	[tilespmem:v1+s30+$0x0] =	vst.idx.add.f32.msk $0xffff, v2  }
0x267: {  	v2 =	vld [tilespmem:$0x176B0];
	_ =	sdelay $0x4  }
0x268: {  	[tilespmem:v1+s31+$0x0] =	vst.idx.add.f32.msk $0xffff, v2  }
0x269: {  	v1 =	vld [tilespmem:$0x7CC0];
	_ =	sdelay $0x2  }
0x26a: {  	v2 =	vld [tilespmem:$0xF9C0];
	_ =	sdelay $0x4  }
0x26b: {  	[tilespmem:v1+s30+$0x0] =	vst.idx.add.f32.msk $0xffff, v2  }
0x26c: {  	v2 =	vld [tilespmem:$0x176C0];
	_ =	sdelay $0x4  }
0x26d: {  	[tilespmem:v1+s31+$0x0] =	vst.idx.add.f32.msk $0xffff, v2  }
0x26e: {  	v1 =	vld [tilespmem:$0x7CD0];
	_ =	sdelay $0x2  }
0x26f: {  	v2 =	vld [tilespmem:$0xF9D0];
	_ =	sdelay $0x4  }
0x270: {  	[tilespmem:v1+s30+$0x0] =	vst.idx.add.f32.msk $0xffff, v2  }
0x271: {  	v2 =	vld [tilespmem:$0x176D0];
	_ =	sdelay $0x4  }
0x272: {  	[tilespmem:v1+s31+$0x0] =	vst.idx.add.f32.msk $0xffff, v2  }
0x273: {  	v1 =	vld [tilespmem:$0x7CE0];
	_ =	sdelay $0x2  }
0x274: {  	v2 =	vld [tilespmem:$0xF9E0];
	_ =	sdelay $0x4  }
0x275: {  	[tilespmem:v1+s30+$0x0] =	vst.idx.add.f32.msk $0xffff, v2  }
0x276: {  	v2 =	vld [tilespmem:$0x176E0];
	_ =	sdelay $0x4  }
0x277: {  	[tilespmem:v1+s31+$0x0] =	vst.idx.add.f32.msk $0xffff, v2  }
0x278: {  	v1 =	vld [tilespmem:$0x7CF0];
	_ =	sdelay $0x2  }
0x279: {  	v2 =	vld [tilespmem:$0xF9F0];
	_ =	sdelay $0x4  }
0x27a: {  	[tilespmem:v1+s30+$0x0] =	vst.idx.add.f32.msk $0xffff, v2  }
0x27b: {  	v2 =	vld [tilespmem:$0x176F0];
	_ =	sdelay $0x4  }
0x27c: {  	s12 =	simm.s32 $0x3E80;
	s8 =	simm.s32 $0x80;
	s11 =	rddreg [dreg:$0xa];
	[tilespmem:v1+s31+$0x0] =	vst.idx.add.f32.msk $0xffff, v2  }
0x27d: {  	[tilespmem:s12], [sflag:$0x2] =	stream.strided.gather [hbm4b:s11+s8], $0x3E80, s21, s8, $0x38;
	[tilespmem:$0x1C700] =	vst v63  }
0x27e: {  	s25 =	simm.s32 $0xBB80  }
0x27f: {  	[tilespmem:s25], [sflag:$0x2] =	stream.strided.gather [hbm4b:s13+s8], $0x3E80, s22, s8, $0x38;
	[tilespmem:$0x1C700] =	vst v63  }
0x280: {  	s26 =	simm.s32 $0x13880  }
0x281: {  	[tilespmem:s26], [sflag:$0x2] =	stream.strided.gather [hbm4b:s14+s8], $0x3E80, s22, s8, $0x38;
	[tilespmem:$0x1C700] =	vst v63  }
0x282: {  	_ =	swait.ge [sflag:s29], $0x3E80  }
0x283: {  	[sflag:s29] =	ssyncset.done $0x0  }
0x284: {  	[sflag:s29] =	ssyncadd.s32 $0xFFFFC180  }
0x285: {  	_ =	swait.ge [sflag:s29], $0x3E80  }
0x286: {  	[sflag:s29] =	ssyncset.done $0x0  }
0x287: {  	[sflag:s29] =	ssyncadd.s32 $0xFFFFC180  }
0x288: {  	_ =	swait.ge [sflag:s29], $0x3E80  }
0x289: {  	[sflag:s29] =	ssyncset.done $0x0  }
0x28a: {  	[sflag:s29] =	ssyncadd.s32 $0xFFFFC180  }
0x28b: {  	v1 =	vld [tilespmem:s8+$0x0];
	_ =	sdelay $0x1  }
0x28c: {  	s9 =	simm.s32 $0x7D80  }
0x28d: {  	v2 =	vld [tilespmem:s9+$0x0];
	_ =	sdelay $0x4  }
0x28e: {  	s6 =	simm.s32 $0xFA80;
	[tilespmem:v1+s30+$0x0] =	vst.idx.add.f32.msk $0xffff, v2  }
0x28f: {  	v2 =	vld [tilespmem:s6+$0x0];
	_ =	sdelay $0x3  }
0x290: {  	v3 =	vld [tilespmem:s8+$0xFFFFFF80]  }
0x291: {  	[tilespmem:v1+s31+$0x0] =	vst.idx.add.f32.msk $0xffff, v2  }
0x292: {  	v1 =	vld [tilespmem:s8+$0x10]  }
0x293: {  	v2 =	vld [tilespmem:s9+$0xFFFFFF80];
	_ =	sdelay $0x1  }
0x294: {  	v4 =	vld [tilespmem:s9+$0x10];
	_ =	sdelay $0x2  }
0x295: {  	[tilespmem:v3+s30+$0x0] =	vst.idx.add.f32.msk $0xffff, v2  }
0x296: {  	v2 =	vld [tilespmem:s6+$0xFFFFFF80]  }
0x297: {  	[tilespmem:v1+s30+$0x0] =	vst.idx.add.f32.msk $0xffff, v4  }
0x298: {  	v4 =	vld [tilespmem:s6+$0x10];
	_ =	sdelay $0x2  }
0x299: {  	[tilespmem:v3+s31+$0x0] =	vst.idx.add.f32.msk $0xffff, v2  }
0x29a: {  	v2 =	vld [tilespmem:s8+$0xFFFFFF90]  }
0x29b: {  	[tilespmem:v1+s31+$0x0] =	vst.idx.add.f32.msk $0xffff, v4  }
0x29c: {  	v1 =	vld [tilespmem:s8+$0x20]  }
0x29d: {  	v3 =	vld [tilespmem:s9+$0xFFFFFF90];
	_ =	sdelay $0x1  }
0x29e: {  	v4 =	vld [tilespmem:s9+$0x20];
	_ =	sdelay $0x2  }
0x29f: {  	[tilespmem:v2+s30+$0x0] =	vst.idx.add.f32.msk $0xffff, v3  }
0x2a0: {  	v3 =	vld [tilespmem:s6+$0xFFFFFF90]  }
0x2a1: {  	[tilespmem:v1+s30+$0x0] =	vst.idx.add.f32.msk $0xffff, v4  }
0x2a2: {  	v4 =	vld [tilespmem:s6+$0x20];
	_ =	sdelay $0x2  }
0x2a3: {  	[tilespmem:v2+s31+$0x0] =	vst.idx.add.f32.msk $0xffff, v3  }
0x2a4: {  	v2 =	vld [tilespmem:s8+$0xFFFFFFA0]  }
0x2a5: {  	[tilespmem:v1+s31+$0x0] =	vst.idx.add.f32.msk $0xffff, v4  }
0x2a6: {  	v1 =	vld [tilespmem:s8+$0x30]  }
0x2a7: {  	v3 =	vld [tilespmem:s9+$0xFFFFFFA0];
	_ =	sdelay $0x1  }
0x2a8: {  	v4 =	vld [tilespmem:s9+$0x30];
	_ =	sdelay $0x2  }
0x2a9: {  	[tilespmem:v2+s30+$0x0] =	vst.idx.add.f32.msk $0xffff, v3  }
0x2aa: {  	v3 =	vld [tilespmem:s6+$0xFFFFFFA0]  }
0x2ab: {  	[tilespmem:v1+s30+$0x0] =	vst.idx.add.f32.msk $0xffff, v4  }
0x2ac: {  	v4 =	vld [tilespmem:s6+$0x30];
	_ =	sdelay $0x2  }
0x2ad: {  	[tilespmem:v2+s31+$0x0] =	vst.idx.add.f32.msk $0xffff, v3  }
0x2ae: {  	v2 =	vld [tilespmem:s8+$0xFFFFFFB0]  }
0x2af: {  	[tilespmem:v1+s31+$0x0] =	vst.idx.add.f32.msk $0xffff, v4  }
0x2b0: {  	v1 =	vld [tilespmem:s8+$0x40]  }
0x2b1: {  	s25 =	simm.s32 $0x180;
	v3 =	vld [tilespmem:s9+$0xFFFFFFB0]  }
0x2b2: {  	v5 =	vld [tilespmem:s25+$0xFFFFFF80]  }
0x2b3: {  	v4 =	vld [tilespmem:s9+$0x40]  }
0x2b4: {  	s26 =	simm.s32 $0x7E80  }
0x2b5: {  	v8 =	vld [tilespmem:s26+$0xFFFFFF80]  }
0x2b6: {  	[tilespmem:v2+s30+$0x0] =	vst.idx.add.f32.msk $0xffff, v3  }
0x2b7: {  	v3 =	vld [tilespmem:s6+$0xFFFFFFB0]  }
0x2b8: {  	[tilespmem:v1+s30+$0x0] =	vst.idx.add.f32.msk $0xffff, v4  }
0x2b9: {  	v4 =	vld [tilespmem:s6+$0x40]  }
0x2ba: {  	s28 =	simm.s32 $0xFB80;
	[tilespmem:v5+s30+$0x0] =	vst.idx.add.f32.msk $0xffff, v8  }
0x2bb: {  	v8 =	vld [tilespmem:s28+$0xFFFFFF80]  }
0x2bc: {  	[tilespmem:v2+s31+$0x0] =	vst.idx.add.f32.msk $0xffff, v3  }
0x2bd: {  	v3 =	vld [tilespmem:s25+$0x0]  }
0x2be: {  	[tilespmem:v1+s31+$0x0] =	vst.idx.add.f32.msk $0xffff, v4  }
0x2bf: {  	v1 =	vld [tilespmem:s8+$0x50]  }
0x2c0: {  	v6 =	vld [tilespmem:s26+$0x0];
	_ =	sdelay $0x1  }
0x2c1: {  	v4 =	vld [tilespmem:s9+$0x50];
	_ =	sdelay $0x1  }
0x2c2: {  	[tilespmem:v5+s31+$0x0] =	vst.idx.add.f32.msk $0xffff, v8  }
0x2c3: {  	[tilespmem:v3+s30+$0x0] =	vst.idx.add.f32.msk $0xffff, v6  }
0x2c4: {  	v6 =	vld [tilespmem:s28+$0x0]  }
0x2c5: {  	[tilespmem:v1+s30+$0x0] =	vst.idx.add.f32.msk $0xffff, v4  }
0x2c6: {  	v4 =	vld [tilespmem:s6+$0x50]  }
0x2c7: {  	v2 =	vld [tilespmem:s8+$0xFFFFFFC0]  }
0x2c8: {  	v7 =	vld [tilespmem:s9+$0xFFFFFFC0]  }
0x2c9: {  	[tilespmem:v3+s31+$0x0] =	vst.idx.add.f32.msk $0xffff, v6  }
0x2ca: {  	v3 =	vld [tilespmem:s25+$0x10]  }
0x2cb: {  	[tilespmem:v1+s31+$0x0] =	vst.idx.add.f32.msk $0xffff, v4  }
0x2cc: {  	v1 =	vld [tilespmem:s8+$0x60]  }
0x2cd: {  	v6 =	vld [tilespmem:s26+$0x10]  }
0x2ce: {  	v5 =	vld [tilespmem:s25+$0xFFFFFF90]  }
0x2cf: {  	v4 =	vld [tilespmem:s9+$0x60]  }
0x2d0: {  	[tilespmem:v2+s30+$0x0] =	vst.idx.add.f32.msk $0xffff, v7  }
0x2d1: {  	v7 =	vld [tilespmem:s26+$0xFFFFFF90]  }
0x2d2: {  	[tilespmem:v3+s30+$0x0] =	vst.idx.add.f32.msk $0xffff, v6  }
0x2d3: {  	v6 =	vld [tilespmem:s28+$0x10]  }
0x2d4: {  	[tilespmem:v1+s30+$0x0] =	vst.idx.add.f32.msk $0xffff, v4  }
0x2d5: {  	v4 =	vld [tilespmem:s6+$0x60]  }
0x2d6: {  	v60 =	vld [tilespmem:s6+$0xFFFFFFC0]  }
0x2d7: {  	[tilespmem:v5+s30+$0x0] =	vst.idx.add.f32.msk $0xffff, v7  }
0x2d8: {  	[tilespmem:v3+s31+$0x0] =	vst.idx.add.f32.msk $0xffff, v6  }
0x2d9: {  	v3 =	vld [tilespmem:s25+$0x20]  }
0x2da: {  	[tilespmem:v1+s31+$0x0] =	vst.idx.add.f32.msk $0xffff, v4  }
0x2db: {  	v1 =	vld [tilespmem:s28+$0xFFFFFF90]  }
0x2dc: {  	v7 =	vld [tilespmem:s26+$0x20]  }
0x2dd: {  	v4 =	vld [tilespmem:s8+$0x70]  }
0x2de: {  	[tilespmem:v2+s31+$0x0] =	vst.idx.add.f32.msk $0xffff, v60  }
0x2df: {  	v6 =	vld [tilespmem:s9+$0x70]  }
0x2e0: {  	[tilespmem:v5+s31+$0x0] =	vst.idx.add.f32.msk $0xffff, v1  }
0x2e1: {  	v1 =	vld [tilespmem:s25+$0xFFFFFFA0]  }
0x2e2: {  	[tilespmem:v3+s30+$0x0] =	vst.idx.add.f32.msk $0xffff, v7  }
0x2e3: {  	v5 =	vld [tilespmem:s28+$0x20]  }
0x2e4: {  	v2 =	vld [tilespmem:s26+$0xFFFFFFA0]  }
0x2e5: {  	[tilespmem:v4+s30+$0x0] =	vst.idx.add.f32.msk $0xffff, v6  }
0x2e6: {  	v6 =	vld [tilespmem:s8+$0xFFFFFFD0]  }
0x2e7: {  	v7 =	vld [tilespmem:s9+$0xFFFFFFD0]  }
0x2e8: {  	[tilespmem:v3+s31+$0x0] =	vst.idx.add.f32.msk $0xffff, v5  }
0x2e9: {  	[tilespmem:v1+s30+$0x0] =	vst.idx.add.f32.msk $0xffff, v2  }
0x2ea: {  	v2 =	vld [tilespmem:s25+$0x30]  }
0x2eb: {  	v3 =	vld [tilespmem:s28+$0xFFFFFFA0]  }
0x2ec: {  	v5 =	vld [tilespmem:s6+$0x70]  }
0x2ed: {  	v61 =	vld [tilespmem:s26+$0x30]  }
0x2ee: {  	[tilespmem:v6+s30+$0x0] =	vst.idx.add.f32.msk $0xffff, v7  }
0x2ef: {  	v7 =	vld [tilespmem:s6+$0xFFFFFFD0]  }
0x2f0: {  	[tilespmem:v1+s31+$0x0] =	vst.idx.add.f32.msk $0xffff, v3  }
0x2f1: {  	v1 =	vld [tilespmem:s25+$0xFFFFFFB0]  }
0x2f2: {  	[tilespmem:v2+s30+$0x0] =	vst.idx.add.f32.msk $0xffff, v61  }
0x2f3: {  	v3 =	vld [tilespmem:s28+$0x30]  }
0x2f4: {  	v62 =	vld [tilespmem:s26+$0xFFFFFFB0]  }
0x2f5: {  	[tilespmem:v6+s31+$0x0] =	vst.idx.add.f32.msk $0xffff, v7  }
0x2f6: {  	v6 =	vld [tilespmem:s8+$0xFFFFFFE0]  }
0x2f7: {  	v7 =	vld [tilespmem:s9+$0xFFFFFFE0]  }
0x2f8: {  	[tilespmem:v2+s31+$0x0] =	vst.idx.add.f32.msk $0xffff, v3  }
0x2f9: {  	v2 =	vld [tilespmem:s25+$0x40]  }
0x2fa: {  	[tilespmem:v1+s30+$0x0] =	vst.idx.add.f32.msk $0xffff, v62  }
0x2fb: {  	v3 =	vld [tilespmem:s28+$0xFFFFFFB0]  }
0x2fc: {  	v63 =	vld [tilespmem:s26+$0x40]  }
0x2fd: {  	[tilespmem:v4+s31+$0x0] =	vst.idx.add.f32.msk $0xffff, v5  }
0x2fe: {  	[tilespmem:v6+s30+$0x0] =	vst.idx.add.f32.msk $0xffff, v7  }
0x2ff: {  	v4 =	vld [tilespmem:s6+$0xFFFFFFE0]  }
0x300: {  	[tilespmem:v1+s31+$0x0] =	vst.idx.add.f32.msk $0xffff, v3  }
0x301: {  	[tilespmem:v2+s30+$0x0] =	vst.idx.add.f32.msk $0xffff, v63  }
0x302: {  	v7 =	vld [tilespmem:s28+$0x40]  }
0x303: {  	v3 =	vld [tilespmem:s25+$0xFFFFFFC0]  }
0x304: {  	v5 =	vld [tilespmem:s26+$0xFFFFFFC0]  }
0x305: {  	[tilespmem:v6+s31+$0x0] =	vst.idx.add.f32.msk $0xffff, v4  }
0x306: {  	v1 =	vld [tilespmem:s8+$0xFFFFFFF0]  }
0x307: {  	[tilespmem:v2+s31+$0x0] =	vst.idx.add.f32.msk $0xffff, v7  }
0x308: {  	s11 =	simm.s32 $0x2;
	v4 =	vld [tilespmem:s25+$0x50]  }
0x309: {  	s12 =	simm.s32 $0x280;
	s8 =	simm.s32 $0xFB80;
	v2 =	vld [tilespmem:s9+$0xFFFFFFF0];
	s9 =	simm.s32 $0x7E80  }
.LBB2_8:
0x30a: {  	v6 =	vld [tilespmem:s12+$0x0]  }
0x30b: {  	v7 =	vld [tilespmem:s26+$0x50]  }
0x30c: {  	s26 =	sadd.s32 $0x100, s26;
	v8 =	vld [tilespmem:s12+$0xFFFFFF80]  }
0x30d: {  	s11 =	sadd.s32 $0x2, s11;
	v9 =	vld [tilespmem:s26+$0x0]  }
0x30e: {  	p0 =	slt.u32 s11, $0x7A;
	v10 =	vld [tilespmem:s26+$0xFFFFFF80]  }
0x30f: {  	[tilespmem:v3+s30+$0x0] =	vst.idx.add.f32.msk $0xffff, v5  }
0x310: {  	[tilespmem:v4+s30+$0x0] =	vst.idx.add.f32.msk $0xffff, v7  }
0x311: {  	v5 =	vld [tilespmem:s28+$0x50]  }
0x312: {  	s28 =	sadd.s32 $0x100, s28;
	[tilespmem:v6+s30+$0x0] =	vst.idx.add.f32.msk $0xffff, v9  }
0x313: {  	v7 =	vld [tilespmem:s28+$0x0]  }
0x314: {  	[tilespmem:v8+s30+$0x0] =	vst.idx.add.f32.msk $0xffff, v10  }
0x315: {  	v9 =	vld [tilespmem:s28+$0xFFFFFF80]  }
0x316: {  	[tilespmem:v4+s31+$0x0] =	vst.idx.add.f32.msk $0xffff, v5  }
0x317: {  	v4 =	vld [tilespmem:s25+$0x60]  }
0x318: {  	[tilespmem:v6+s31+$0x0] =	vst.idx.add.f32.msk $0xffff, v7  }
0x319: {  	v5 =	vld [tilespmem:s12+$0x10]  }
0x31a: {  	v6 =	vld [tilespmem:s9+$0x60]  }
0x31b: {  	[tilespmem:v8+s31+$0x0] =	vst.idx.add.f32.msk $0xffff, v9  }
0x31c: {  	v7 =	vld [tilespmem:s12+$0xFFFFFF90]  }
0x31d: {  	v8 =	vld [tilespmem:s26+$0x10]  }
0x31e: {  	v9 =	vld [tilespmem:s26+$0xFFFFFF90]  }
0x31f: {  	[tilespmem:v4+s30+$0x0] =	vst.idx.add.f32.msk $0xffff, v6  }
0x320: {  	v6 =	vld [tilespmem:s8+$0x60]  }
0x321: {  	v10 =	vld [tilespmem:s8+$0xFFFFFFC0]  }
0x322: {  	[tilespmem:v5+s30+$0x0] =	vst.idx.add.f32.msk $0xffff, v8  }
0x323: {  	v8 =	vld [tilespmem:s28+$0x10]  }
0x324: {  	[tilespmem:v7+s30+$0x0] =	vst.idx.add.f32.msk $0xffff, v9  }
0x325: {  	[tilespmem:v4+s31+$0x0] =	vst.idx.add.f32.msk $0xffff, v6  }
0x326: {  	v4 =	vld [tilespmem:s25+$0x70]  }
0x327: {  	v6 =	vld [tilespmem:s28+$0xFFFFFF90]  }
0x328: {  	[tilespmem:v5+s31+$0x0] =	vst.idx.add.f32.msk $0xffff, v8  }
0x329: {  	v5 =	vld [tilespmem:s9+$0x70]  }
0x32a: {  	v8 =	vld [tilespmem:s12+$0x20]  }
0x32b: {  	[tilespmem:v3+s31+$0x0] =	vst.idx.add.f32.msk $0xffff, v10  }
0x32c: {  	[tilespmem:v7+s31+$0x0] =	vst.idx.add.f32.msk $0xffff, v6  }
0x32d: {  	v3 =	vld [tilespmem:s26+$0x20]  }
0x32e: {  	[tilespmem:v4+s30+$0x0] =	vst.idx.add.f32.msk $0xffff, v5  }
0x32f: {  	v5 =	vld [tilespmem:s8+$0x70]  }
0x330: {  	v6 =	vld [tilespmem:s12+$0xFFFFFFA0]  }
0x331: {  	v7 =	vld [tilespmem:s26+$0xFFFFFFA0]  }
0x332: {  	[tilespmem:v8+s30+$0x0] =	vst.idx.add.f32.msk $0xffff, v3  }
0x333: {  	v3 =	vld [tilespmem:s28+$0x20]  }
0x334: {  	[tilespmem:v4+s31+$0x0] =	vst.idx.add.f32.msk $0xffff, v5  }
0x335: {  	v4 =	vld [tilespmem:s25+$0xFFFFFFD0]  }
0x336: {  	v5 =	vld [tilespmem:s9+$0xFFFFFFD0]  }
0x337: {  	[tilespmem:v1+s30+$0x0] =	vst.idx.add.f32.msk $0xffff, v2  }
0x338: {  	[tilespmem:v6+s30+$0x0] =	vst.idx.add.f32.msk $0xffff, v7  }
0x339: {  	[tilespmem:v8+s31+$0x0] =	vst.idx.add.f32.msk $0xffff, v3  }
0x33a: {  	v2 =	vld [tilespmem:s12+$0x30]  }
0x33b: {  	v3 =	vld [tilespmem:s28+$0xFFFFFFA0]  }
0x33c: {  	v7 =	vld [tilespmem:s6+$0xFFFFFFF0];
	s6 =	smov.u32 s8;
	s8 =	smov.u32 s28  }
0x33d: {  	v8 =	vld [tilespmem:s26+$0x30]  }
0x33e: {  	[tilespmem:v4+s30+$0x0] =	vst.idx.add.f32.msk $0xffff, v5  }
0x33f: {  	v5 =	vld [tilespmem:s6+$0xFFFFFFD0]  }
0x340: {  	[tilespmem:v6+s31+$0x0] =	vst.idx.add.f32.msk $0xffff, v3  }
0x341: {  	v3 =	vld [tilespmem:s12+$0xFFFFFFB0]  }
0x342: {  	[tilespmem:v2+s30+$0x0] =	vst.idx.add.f32.msk $0xffff, v8  }
0x343: {  	v6 =	vld [tilespmem:s28+$0x30]  }
0x344: {  	v8 =	vld [tilespmem:s26+$0xFFFFFFB0]  }
0x345: {  	[tilespmem:v4+s31+$0x0] =	vst.idx.add.f32.msk $0xffff, v5  }
0x346: {  	v4 =	vld [tilespmem:s25+$0xFFFFFFE0]  }
0x347: {  	v5 =	vld [tilespmem:s9+$0xFFFFFFE0]  }
0x348: {  	[tilespmem:v2+s31+$0x0] =	vst.idx.add.f32.msk $0xffff, v6  }
0x349: {  	v2 =	vld [tilespmem:s12+$0x40]  }
0x34a: {  	[tilespmem:v3+s30+$0x0] =	vst.idx.add.f32.msk $0xffff, v8  }
0x34b: {  	v6 =	vld [tilespmem:s28+$0xFFFFFFB0]  }
0x34c: {  	v8 =	vld [tilespmem:s26+$0x40]  }
0x34d: {  	[tilespmem:v1+s31+$0x0] =	vst.idx.add.f32.msk $0xffff, v7  }
0x34e: {  	[tilespmem:v4+s30+$0x0] =	vst.idx.add.f32.msk $0xffff, v5  }
0x34f: {  	v1 =	vld [tilespmem:s6+$0xFFFFFFE0]  }
0x350: {  	[tilespmem:v3+s31+$0x0] =	vst.idx.add.f32.msk $0xffff, v6  }
0x351: {  	[tilespmem:v2+s30+$0x0] =	vst.idx.add.f32.msk $0xffff, v8  }
0x352: {  	v6 =	vld [tilespmem:s28+$0x40]  }
0x353: {  	v3 =	vld [tilespmem:s12+$0xFFFFFFC0]  }
0x354: {  	v5 =	vld [tilespmem:s26+$0xFFFFFFC0]  }
.Ltmp3:
0x355: {  	[tilespmem:v4+s31+$0x0] =	vst.idx.add.f32.msk $0xffff, v1;
	(pc) =	sbr.rel @p0 .LBB2_8-.Ltmp3, $4  }
0x356: {  	v1 =	vld [tilespmem:s25+$0xFFFFFFF0];
	s25 =	smov.u32 s12  }
0x357: {  	[tilespmem:v2+s31+$0x0] =	vst.idx.add.f32.msk $0xffff, v6  }
0x358: {  	v4 =	vld [tilespmem:s12+$0x50]  }
0x359: {  	s12 =	sadd.s32 $0x100, s12;
	v2 =	vld [tilespmem:s9+$0xFFFFFFF0];
	s9 =	smov.u32 s26  }
0x35a: {  	_ =	sdelay $0x3  }
0x35b: {  	[tilespmem:v3+s30+$0x0] =	vst.idx.add.f32.msk $0xffff, v5  }
0x35c: {  	v5 =	vld [tilespmem:s8+$0xFFFFFFC0];
	_ =	sdelay $0x4  }
0x35d: {  	[tilespmem:v3+s31+$0x0] =	vst.idx.add.f32.msk $0xffff, v5  }
0x35e: {  	v3 =	vld [tilespmem:s25+$0xFFFFFFD0]  }
0x35f: {  	v6 =	vld [tilespmem:s26+$0x50];
	_ =	sdelay $0x1  }
0x360: {  	v5 =	vld [tilespmem:s9+$0xFFFFFFD0];
	_ =	sdelay $0x2  }
0x361: {  	[tilespmem:v4+s30+$0x0] =	vst.idx.add.f32.msk $0xffff, v6  }
0x362: {  	v6 =	vld [tilespmem:s28+$0x50]  }
0x363: {  	[tilespmem:v3+s30+$0x0] =	vst.idx.add.f32.msk $0xffff, v5  }
0x364: {  	v5 =	vld [tilespmem:s8+$0xFFFFFFD0];
	_ =	sdelay $0x2  }
0x365: {  	[tilespmem:v4+s31+$0x0] =	vst.idx.add.f32.msk $0xffff, v6  }
0x366: {  	v4 =	vld [tilespmem:s25+$0x60]  }
0x367: {  	[tilespmem:v3+s31+$0x0] =	vst.idx.add.f32.msk $0xffff, v5  }
0x368: {  	v3 =	vld [tilespmem:s25+$0xFFFFFFE0]  }
0x369: {  	v6 =	vld [tilespmem:s9+$0x60];
	_ =	sdelay $0x1  }
0x36a: {  	v5 =	vld [tilespmem:s9+$0xFFFFFFE0];
	_ =	sdelay $0x2  }
0x36b: {  	[tilespmem:v4+s30+$0x0] =	vst.idx.add.f32.msk $0xffff, v6  }
0x36c: {  	v6 =	vld [tilespmem:s8+$0x60]  }
0x36d: {  	[tilespmem:v3+s30+$0x0] =	vst.idx.add.f32.msk $0xffff, v5  }
0x36e: {  	v5 =	vld [tilespmem:s8+$0xFFFFFFE0];
	_ =	sdelay $0x2  }
0x36f: {  	[tilespmem:v4+s31+$0x0] =	vst.idx.add.f32.msk $0xffff, v6  }
0x370: {  	v4 =	vld [tilespmem:s25+$0x70]  }
0x371: {  	[tilespmem:v3+s31+$0x0] =	vst.idx.add.f32.msk $0xffff, v5  }
0x372: {  	v3 =	vld [tilespmem:s25+$0xFFFFFFF0]  }
0x373: {  	v6 =	vld [tilespmem:s9+$0x70];
	_ =	sdelay $0x1  }
0x374: {  	v5 =	vld [tilespmem:s9+$0xFFFFFFF0]  }
0x375: {  	[tilespmem:v1+s30+$0x0] =	vst.idx.add.f32.msk $0xffff, v2  }
0x376: {  	v2 =	vld [tilespmem:s6+$0xFFFFFFF0]  }
0x377: {  	[tilespmem:v4+s30+$0x0] =	vst.idx.add.f32.msk $0xffff, v6  }
0x378: {  	v6 =	vld [tilespmem:s8+$0x70]  }
0x379: {  	[tilespmem:v3+s30+$0x0] =	vst.idx.add.f32.msk $0xffff, v5  }
0x37a: {  	v5 =	vld [tilespmem:s8+$0xFFFFFFF0];
	_ =	sdelay $0x2  }
0x37b: {  	[tilespmem:v1+s31+$0x0] =	vst.idx.add.f32.msk $0xffff, v2  }
0x37c: {  	[tilespmem:v4+s31+$0x0] =	vst.idx.add.f32.msk $0xffff, v6  }
0x37d: {  	[tilespmem:v3+s31+$0x0] =	vst.idx.add.f32.msk $0xffff, v5  }
0x37e: {  	v1 =	vld [tilespmem:$0x3E00];
	_ =	sdelay $0x2  }
0x37f: {  	v2 =	vld [tilespmem:$0xBB00];
	_ =	sdelay $0x4  }
0x380: {  	[tilespmem:v1+s30+$0x0] =	vst.idx.add.f32.msk $0xffff, v2  }
0x381: {  	v2 =	vld [tilespmem:$0x13800];
	_ =	sdelay $0x4  }
0x382: {  	[tilespmem:v1+s31+$0x0] =	vst.idx.add.f32.msk $0xffff, v2  }
0x383: {  	v1 =	vld [tilespmem:$0x3E10];
	_ =	sdelay $0x2  }
0x384: {  	v2 =	vld [tilespmem:$0xBB10];
	_ =	sdelay $0x4  }
0x385: {  	[tilespmem:v1+s30+$0x0] =	vst.idx.add.f32.msk $0xffff, v2  }
0x386: {  	v2 =	vld [tilespmem:$0x13810];
	_ =	sdelay $0x4  }
0x387: {  	[tilespmem:v1+s31+$0x0] =	vst.idx.add.f32.msk $0xffff, v2  }
0x388: {  	v1 =	vld [tilespmem:$0x3E20];
	_ =	sdelay $0x2  }
0x389: {  	v2 =	vld [tilespmem:$0xBB20];
	_ =	sdelay $0x4  }
0x38a: {  	[tilespmem:v1+s30+$0x0] =	vst.idx.add.f32.msk $0xffff, v2  }
0x38b: {  	v2 =	vld [tilespmem:$0x13820];
	_ =	sdelay $0x4  }
0x38c: {  	[tilespmem:v1+s31+$0x0] =	vst.idx.add.f32.msk $0xffff, v2  }
0x38d: {  	v1 =	vld [tilespmem:$0x3E30];
	_ =	sdelay $0x2  }
0x38e: {  	v2 =	vld [tilespmem:$0xBB30];
	_ =	sdelay $0x4  }
0x38f: {  	[tilespmem:v1+s30+$0x0] =	vst.idx.add.f32.msk $0xffff, v2  }
0x390: {  	v2 =	vld [tilespmem:$0x13830];
	_ =	sdelay $0x4  }
0x391: {  	[tilespmem:v1+s31+$0x0] =	vst.idx.add.f32.msk $0xffff, v2  }
0x392: {  	v1 =	vld [tilespmem:$0x3E40];
	_ =	sdelay $0x2  }
0x393: {  	v2 =	vld [tilespmem:$0xBB40];
	_ =	sdelay $0x4  }
0x394: {  	[tilespmem:v1+s30+$0x0] =	vst.idx.add.f32.msk $0xffff, v2  }
0x395: {  	v2 =	vld [tilespmem:$0x13840];
	_ =	sdelay $0x4  }
0x396: {  	[tilespmem:v1+s31+$0x0] =	vst.idx.add.f32.msk $0xffff, v2  }
0x397: {  	v1 =	vld [tilespmem:$0x3E50];
	_ =	sdelay $0x2  }
0x398: {  	v2 =	vld [tilespmem:$0xBB50];
	_ =	sdelay $0x4  }
0x399: {  	[tilespmem:v1+s30+$0x0] =	vst.idx.add.f32.msk $0xffff, v2  }
0x39a: {  	v2 =	vld [tilespmem:$0x13850];
	_ =	sdelay $0x4  }
0x39b: {  	[tilespmem:v1+s31+$0x0] =	vst.idx.add.f32.msk $0xffff, v2  }
0x39c: {  	v1 =	vld [tilespmem:$0x3E60];
	_ =	sdelay $0x2  }
0x39d: {  	v2 =	vld [tilespmem:$0xBB60];
	_ =	sdelay $0x4  }
0x39e: {  	[tilespmem:v1+s30+$0x0] =	vst.idx.add.f32.msk $0xffff, v2  }
0x39f: {  	v2 =	vld [tilespmem:$0x13860];
	_ =	sdelay $0x4  }
0x3a0: {  	[tilespmem:v1+s31+$0x0] =	vst.idx.add.f32.msk $0xffff, v2  }
0x3a1: {  	v1 =	vld [tilespmem:$0x3E70];
	_ =	sdelay $0x2  }
0x3a2: {  	v2 =	vld [tilespmem:$0xBB70];
	_ =	sdelay $0x4  }
0x3a3: {  	[tilespmem:v1+s30+$0x0] =	vst.idx.add.f32.msk $0xffff, v2  }
0x3a4: {  	v2 =	vld [tilespmem:$0x13870];
	_ =	sdelay $0x4  }
0x3a5: {  	[tilespmem:v1+s31+$0x0] =	vst.idx.add.f32.msk $0xffff, v2  }
0x3a6: {  	[tilespmem:s2], [sflag:$0x1] =	stream.strided.gather [hbm4b:s15+s1], $0x3E80, s21, s1, $0x38;
	[tilespmem:$0x1C700] =	vst v63  }
0x3a7: {  	_ = 	snop  }
0x3a8: {  	[tilespmem:s23], [sflag:$0x1] =	stream.strided.gather [hbm4b:s16+s1], $0x3E80, s22, s1, $0x38;
	[tilespmem:$0x1C700] =	vst v63  }
0x3a9: {  	_ = 	snop  }
0x3aa: {  	[tilespmem:s24], [sflag:$0x1] =	stream.strided.gather [hbm4b:s17+s1], $0x3E80, s22, s1, $0x38;
	[tilespmem:$0x1C700] =	vst v63  }
0x3ab: {  	_ =	swait.ge [sflag:s0], $0x3E80  }
0x3ac: {  	[sflag:s0] =	ssyncset.done $0x0  }
0x3ad: {  	[sflag:s0] =	ssyncadd.s32 $0xFFFFC180  }
0x3ae: {  	_ =	swait.ge [sflag:s0], $0x3E80  }
0x3af: {  	[sflag:s0] =	ssyncset.done $0x0  }
0x3b0: {  	[sflag:s0] =	ssyncadd.s32 $0xFFFFC180  }
0x3b1: {  	_ =	swait.ge [sflag:s0], $0x3E80  }
0x3b2: {  	[sflag:s0] =	ssyncset.done $0x0  }
0x3b3: {  	s12 =	simm.s32 $0x3F00;
	[sflag:s0] =	ssyncadd.s32 $0xFFFFC180  }
0x3b4: {  	v1 =	vld [tilespmem:s12+$0x0];
	_ =	sdelay $0x1  }
0x3b5: {  	s8 =	simm.s32 $0xBC00  }
0x3b6: {  	v2 =	vld [tilespmem:s8+$0x0];
	_ =	sdelay $0x4  }
0x3b7: {  	s6 =	simm.s32 $0x13900;
	[tilespmem:v1+s30+$0x0] =	vst.idx.add.f32.msk $0xffff, v2  }
0x3b8: {  	v2 =	vld [tilespmem:s6+$0x0];
	_ =	sdelay $0x3  }
0x3b9: {  	v3 =	vld [tilespmem:s12+$0xFFFFFF80]  }
0x3ba: {  	[tilespmem:v1+s31+$0x0] =	vst.idx.add.f32.msk $0xffff, v2  }
0x3bb: {  	v1 =	vld [tilespmem:s12+$0x10]  }
0x3bc: {  	v2 =	vld [tilespmem:s8+$0xFFFFFF80];
	_ =	sdelay $0x1  }
0x3bd: {  	v4 =	vld [tilespmem:s8+$0x10];
	_ =	sdelay $0x2  }
0x3be: {  	[tilespmem:v3+s30+$0x0] =	vst.idx.add.f32.msk $0xffff, v2  }
0x3bf: {  	v2 =	vld [tilespmem:s6+$0xFFFFFF80]  }
0x3c0: {  	[tilespmem:v1+s30+$0x0] =	vst.idx.add.f32.msk $0xffff, v4  }
0x3c1: {  	v4 =	vld [tilespmem:s6+$0x10];
	_ =	sdelay $0x2  }
0x3c2: {  	[tilespmem:v3+s31+$0x0] =	vst.idx.add.f32.msk $0xffff, v2  }
0x3c3: {  	v2 =	vld [tilespmem:s12+$0xFFFFFF90]  }
0x3c4: {  	[tilespmem:v1+s31+$0x0] =	vst.idx.add.f32.msk $0xffff, v4  }
0x3c5: {  	v1 =	vld [tilespmem:s12+$0x20]  }
0x3c6: {  	v3 =	vld [tilespmem:s8+$0xFFFFFF90];
	_ =	sdelay $0x1  }
0x3c7: {  	v4 =	vld [tilespmem:s8+$0x20];
	_ =	sdelay $0x2  }
0x3c8: {  	[tilespmem:v2+s30+$0x0] =	vst.idx.add.f32.msk $0xffff, v3  }
0x3c9: {  	v3 =	vld [tilespmem:s6+$0xFFFFFF90]  }
0x3ca: {  	[tilespmem:v1+s30+$0x0] =	vst.idx.add.f32.msk $0xffff, v4  }
0x3cb: {  	v4 =	vld [tilespmem:s6+$0x20];
	_ =	sdelay $0x2  }
0x3cc: {  	[tilespmem:v2+s31+$0x0] =	vst.idx.add.f32.msk $0xffff, v3  }
0x3cd: {  	v2 =	vld [tilespmem:s12+$0xFFFFFFA0]  }
0x3ce: {  	[tilespmem:v1+s31+$0x0] =	vst.idx.add.f32.msk $0xffff, v4  }
0x3cf: {  	v1 =	vld [tilespmem:s12+$0x30]  }
0x3d0: {  	v3 =	vld [tilespmem:s8+$0xFFFFFFA0];
	_ =	sdelay $0x1  }
0x3d1: {  	v4 =	vld [tilespmem:s8+$0x30];
	_ =	sdelay $0x2  }
0x3d2: {  	[tilespmem:v2+s30+$0x0] =	vst.idx.add.f32.msk $0xffff, v3  }
0x3d3: {  	v3 =	vld [tilespmem:s6+$0xFFFFFFA0]  }
0x3d4: {  	[tilespmem:v1+s30+$0x0] =	vst.idx.add.f32.msk $0xffff, v4  }
0x3d5: {  	v4 =	vld [tilespmem:s6+$0x30];
	_ =	sdelay $0x2  }
0x3d6: {  	[tilespmem:v2+s31+$0x0] =	vst.idx.add.f32.msk $0xffff, v3  }
0x3d7: {  	v2 =	vld [tilespmem:s12+$0xFFFFFFB0]  }
0x3d8: {  	[tilespmem:v1+s31+$0x0] =	vst.idx.add.f32.msk $0xffff, v4  }
0x3d9: {  	v1 =	vld [tilespmem:s12+$0x40]  }
0x3da: {  	s25 =	simm.s32 $0x4000;
	v3 =	vld [tilespmem:s8+$0xFFFFFFB0]  }
0x3db: {  	v5 =	vld [tilespmem:s25+$0xFFFFFF80]  }
0x3dc: {  	v4 =	vld [tilespmem:s8+$0x40]  }
0x3dd: {  	s26 =	simm.s32 $0xBD00  }
0x3de: {  	v8 =	vld [tilespmem:s26+$0xFFFFFF80]  }
0x3df: {  	[tilespmem:v2+s30+$0x0] =	vst.idx.add.f32.msk $0xffff, v3  }
0x3e0: {  	v3 =	vld [tilespmem:s6+$0xFFFFFFB0]  }
0x3e1: {  	[tilespmem:v1+s30+$0x0] =	vst.idx.add.f32.msk $0xffff, v4  }
0x3e2: {  	v4 =	vld [tilespmem:s6+$0x40]  }
0x3e3: {  	s28 =	simm.s32 $0x13A00;
	[tilespmem:v5+s30+$0x0] =	vst.idx.add.f32.msk $0xffff, v8  }
0x3e4: {  	v8 =	vld [tilespmem:s28+$0xFFFFFF80]  }
0x3e5: {  	[tilespmem:v2+s31+$0x0] =	vst.idx.add.f32.msk $0xffff, v3  }
0x3e6: {  	v3 =	vld [tilespmem:s25+$0x0]  }
0x3e7: {  	[tilespmem:v1+s31+$0x0] =	vst.idx.add.f32.msk $0xffff, v4  }
0x3e8: {  	v1 =	vld [tilespmem:s12+$0x50]  }
0x3e9: {  	v6 =	vld [tilespmem:s26+$0x0];
	_ =	sdelay $0x1  }
0x3ea: {  	v4 =	vld [tilespmem:s8+$0x50];
	_ =	sdelay $0x1  }
0x3eb: {  	[tilespmem:v5+s31+$0x0] =	vst.idx.add.f32.msk $0xffff, v8  }
0x3ec: {  	[tilespmem:v3+s30+$0x0] =	vst.idx.add.f32.msk $0xffff, v6  }
0x3ed: {  	v6 =	vld [tilespmem:s28+$0x0]  }
0x3ee: {  	[tilespmem:v1+s30+$0x0] =	vst.idx.add.f32.msk $0xffff, v4  }
0x3ef: {  	v4 =	vld [tilespmem:s6+$0x50]  }
0x3f0: {  	v2 =	vld [tilespmem:s12+$0xFFFFFFC0]  }
0x3f1: {  	v7 =	vld [tilespmem:s8+$0xFFFFFFC0]  }
0x3f2: {  	[tilespmem:v3+s31+$0x0] =	vst.idx.add.f32.msk $0xffff, v6  }
0x3f3: {  	v3 =	vld [tilespmem:s25+$0x10]  }
0x3f4: {  	[tilespmem:v1+s31+$0x0] =	vst.idx.add.f32.msk $0xffff, v4  }
0x3f5: {  	v1 =	vld [tilespmem:s12+$0x60]  }
0x3f6: {  	v6 =	vld [tilespmem:s26+$0x10]  }
0x3f7: {  	v5 =	vld [tilespmem:s25+$0xFFFFFF90]  }
0x3f8: {  	v4 =	vld [tilespmem:s8+$0x60]  }
0x3f9: {  	[tilespmem:v2+s30+$0x0] =	vst.idx.add.f32.msk $0xffff, v7  }
0x3fa: {  	v7 =	vld [tilespmem:s26+$0xFFFFFF90]  }
0x3fb: {  	[tilespmem:v3+s30+$0x0] =	vst.idx.add.f32.msk $0xffff, v6  }
0x3fc: {  	v6 =	vld [tilespmem:s28+$0x10]  }
0x3fd: {  	[tilespmem:v1+s30+$0x0] =	vst.idx.add.f32.msk $0xffff, v4  }
0x3fe: {  	v4 =	vld [tilespmem:s6+$0x60]  }
0x3ff: {  	v60 =	vld [tilespmem:s6+$0xFFFFFFC0]  }
0x400: {  	[tilespmem:v5+s30+$0x0] =	vst.idx.add.f32.msk $0xffff, v7  }
0x401: {  	[tilespmem:v3+s31+$0x0] =	vst.idx.add.f32.msk $0xffff, v6  }
0x402: {  	v3 =	vld [tilespmem:s25+$0x20]  }
0x403: {  	[tilespmem:v1+s31+$0x0] =	vst.idx.add.f32.msk $0xffff, v4  }
0x404: {  	v1 =	vld [tilespmem:s28+$0xFFFFFF90]  }
0x405: {  	v7 =	vld [tilespmem:s26+$0x20]  }
0x406: {  	v4 =	vld [tilespmem:s12+$0x70]  }
0x407: {  	[tilespmem:v2+s31+$0x0] =	vst.idx.add.f32.msk $0xffff, v60  }
0x408: {  	v6 =	vld [tilespmem:s8+$0x70]  }
0x409: {  	[tilespmem:v5+s31+$0x0] =	vst.idx.add.f32.msk $0xffff, v1  }
0x40a: {  	v1 =	vld [tilespmem:s25+$0xFFFFFFA0]  }
0x40b: {  	[tilespmem:v3+s30+$0x0] =	vst.idx.add.f32.msk $0xffff, v7  }
0x40c: {  	v5 =	vld [tilespmem:s28+$0x20]  }
0x40d: {  	v2 =	vld [tilespmem:s26+$0xFFFFFFA0]  }
0x40e: {  	[tilespmem:v4+s30+$0x0] =	vst.idx.add.f32.msk $0xffff, v6  }
0x40f: {  	v6 =	vld [tilespmem:s12+$0xFFFFFFD0]  }
0x410: {  	v7 =	vld [tilespmem:s8+$0xFFFFFFD0]  }
0x411: {  	[tilespmem:v3+s31+$0x0] =	vst.idx.add.f32.msk $0xffff, v5  }
0x412: {  	[tilespmem:v1+s30+$0x0] =	vst.idx.add.f32.msk $0xffff, v2  }
0x413: {  	v2 =	vld [tilespmem:s25+$0x30]  }
0x414: {  	v3 =	vld [tilespmem:s28+$0xFFFFFFA0]  }
0x415: {  	v5 =	vld [tilespmem:s6+$0x70]  }
0x416: {  	v61 =	vld [tilespmem:s26+$0x30]  }
0x417: {  	[tilespmem:v6+s30+$0x0] =	vst.idx.add.f32.msk $0xffff, v7  }
0x418: {  	v7 =	vld [tilespmem:s6+$0xFFFFFFD0]  }
0x419: {  	[tilespmem:v1+s31+$0x0] =	vst.idx.add.f32.msk $0xffff, v3  }
0x41a: {  	v1 =	vld [tilespmem:s25+$0xFFFFFFB0]  }
0x41b: {  	[tilespmem:v2+s30+$0x0] =	vst.idx.add.f32.msk $0xffff, v61  }
0x41c: {  	v3 =	vld [tilespmem:s28+$0x30]  }
0x41d: {  	v62 =	vld [tilespmem:s26+$0xFFFFFFB0]  }
0x41e: {  	[tilespmem:v6+s31+$0x0] =	vst.idx.add.f32.msk $0xffff, v7  }
0x41f: {  	v6 =	vld [tilespmem:s12+$0xFFFFFFE0]  }
0x420: {  	v7 =	vld [tilespmem:s8+$0xFFFFFFE0]  }
0x421: {  	[tilespmem:v2+s31+$0x0] =	vst.idx.add.f32.msk $0xffff, v3  }
0x422: {  	v2 =	vld [tilespmem:s25+$0x40]  }
0x423: {  	[tilespmem:v1+s30+$0x0] =	vst.idx.add.f32.msk $0xffff, v62  }
0x424: {  	v3 =	vld [tilespmem:s28+$0xFFFFFFB0]  }
0x425: {  	v63 =	vld [tilespmem:s26+$0x40]  }
0x426: {  	[tilespmem:v4+s31+$0x0] =	vst.idx.add.f32.msk $0xffff, v5  }
0x427: {  	[tilespmem:v6+s30+$0x0] =	vst.idx.add.f32.msk $0xffff, v7  }
0x428: {  	v4 =	vld [tilespmem:s6+$0xFFFFFFE0]  }
0x429: {  	[tilespmem:v1+s31+$0x0] =	vst.idx.add.f32.msk $0xffff, v3  }
0x42a: {  	[tilespmem:v2+s30+$0x0] =	vst.idx.add.f32.msk $0xffff, v63  }
0x42b: {  	v7 =	vld [tilespmem:s28+$0x40]  }
0x42c: {  	v3 =	vld [tilespmem:s25+$0xFFFFFFC0]  }
0x42d: {  	v5 =	vld [tilespmem:s26+$0xFFFFFFC0]  }
0x42e: {  	[tilespmem:v6+s31+$0x0] =	vst.idx.add.f32.msk $0xffff, v4  }
0x42f: {  	v1 =	vld [tilespmem:s12+$0xFFFFFFF0]  }
0x430: {  	[tilespmem:v2+s31+$0x0] =	vst.idx.add.f32.msk $0xffff, v7  }
0x431: {  	s11 =	simm.s32 $0x2;
	v4 =	vld [tilespmem:s25+$0x50]  }
0x432: {  	s9 =	simm.s32 $0xBD00;
	s12 =	simm.s32 $0x4100;
	v2 =	vld [tilespmem:s8+$0xFFFFFFF0];
	s8 =	simm.s32 $0x13A00  }
.LBB2_10:
0x433: {  	v6 =	vld [tilespmem:s12+$0x0]  }
0x434: {  	v7 =	vld [tilespmem:s26+$0x50]  }
0x435: {  	s26 =	sadd.s32 $0x100, s26;
	v8 =	vld [tilespmem:s12+$0xFFFFFF80]  }
0x436: {  	s11 =	sadd.s32 $0x2, s11;
	v9 =	vld [tilespmem:s26+$0x0]  }
0x437: {  	p0 =	slt.u32 s11, $0x7A;
	v10 =	vld [tilespmem:s26+$0xFFFFFF80]  }
0x438: {  	[tilespmem:v3+s30+$0x0] =	vst.idx.add.f32.msk $0xffff, v5  }
0x439: {  	[tilespmem:v4+s30+$0x0] =	vst.idx.add.f32.msk $0xffff, v7  }
0x43a: {  	v5 =	vld [tilespmem:s28+$0x50]  }
0x43b: {  	s28 =	sadd.s32 $0x100, s28;
	[tilespmem:v6+s30+$0x0] =	vst.idx.add.f32.msk $0xffff, v9  }
0x43c: {  	v7 =	vld [tilespmem:s28+$0x0]  }
0x43d: {  	[tilespmem:v8+s30+$0x0] =	vst.idx.add.f32.msk $0xffff, v10  }
0x43e: {  	v9 =	vld [tilespmem:s28+$0xFFFFFF80]  }
0x43f: {  	[tilespmem:v4+s31+$0x0] =	vst.idx.add.f32.msk $0xffff, v5  }
0x440: {  	v4 =	vld [tilespmem:s25+$0x60]  }
0x441: {  	[tilespmem:v6+s31+$0x0] =	vst.idx.add.f32.msk $0xffff, v7  }
0x442: {  	v5 =	vld [tilespmem:s12+$0x10]  }
0x443: {  	v6 =	vld [tilespmem:s9+$0x60]  }
0x444: {  	[tilespmem:v8+s31+$0x0] =	vst.idx.add.f32.msk $0xffff, v9  }
0x445: {  	v7 =	vld [tilespmem:s12+$0xFFFFFF90]  }
0x446: {  	v8 =	vld [tilespmem:s26+$0x10]  }
0x447: {  	v9 =	vld [tilespmem:s26+$0xFFFFFF90]  }
0x448: {  	[tilespmem:v4+s30+$0x0] =	vst.idx.add.f32.msk $0xffff, v6  }
0x449: {  	v6 =	vld [tilespmem:s8+$0x60]  }
0x44a: {  	v10 =	vld [tilespmem:s8+$0xFFFFFFC0]  }
0x44b: {  	[tilespmem:v5+s30+$0x0] =	vst.idx.add.f32.msk $0xffff, v8  }
0x44c: {  	v8 =	vld [tilespmem:s28+$0x10]  }
0x44d: {  	[tilespmem:v7+s30+$0x0] =	vst.idx.add.f32.msk $0xffff, v9  }
0x44e: {  	[tilespmem:v4+s31+$0x0] =	vst.idx.add.f32.msk $0xffff, v6  }
0x44f: {  	v4 =	vld [tilespmem:s25+$0x70]  }
0x450: {  	v6 =	vld [tilespmem:s28+$0xFFFFFF90]  }
0x451: {  	[tilespmem:v5+s31+$0x0] =	vst.idx.add.f32.msk $0xffff, v8  }
0x452: {  	v5 =	vld [tilespmem:s9+$0x70]  }
0x453: {  	v8 =	vld [tilespmem:s12+$0x20]  }
0x454: {  	[tilespmem:v3+s31+$0x0] =	vst.idx.add.f32.msk $0xffff, v10  }
0x455: {  	[tilespmem:v7+s31+$0x0] =	vst.idx.add.f32.msk $0xffff, v6  }
0x456: {  	v3 =	vld [tilespmem:s26+$0x20]  }
0x457: {  	[tilespmem:v4+s30+$0x0] =	vst.idx.add.f32.msk $0xffff, v5  }
0x458: {  	v5 =	vld [tilespmem:s8+$0x70]  }
0x459: {  	v6 =	vld [tilespmem:s12+$0xFFFFFFA0]  }
0x45a: {  	v7 =	vld [tilespmem:s26+$0xFFFFFFA0]  }
0x45b: {  	[tilespmem:v8+s30+$0x0] =	vst.idx.add.f32.msk $0xffff, v3  }
0x45c: {  	v3 =	vld [tilespmem:s28+$0x20]  }
0x45d: {  	[tilespmem:v4+s31+$0x0] =	vst.idx.add.f32.msk $0xffff, v5  }
0x45e: {  	v4 =	vld [tilespmem:s25+$0xFFFFFFD0]  }
0x45f: {  	v5 =	vld [tilespmem:s9+$0xFFFFFFD0]  }
0x460: {  	[tilespmem:v1+s30+$0x0] =	vst.idx.add.f32.msk $0xffff, v2  }
0x461: {  	[tilespmem:v6+s30+$0x0] =	vst.idx.add.f32.msk $0xffff, v7  }
0x462: {  	[tilespmem:v8+s31+$0x0] =	vst.idx.add.f32.msk $0xffff, v3  }
0x463: {  	v2 =	vld [tilespmem:s12+$0x30]  }
0x464: {  	v3 =	vld [tilespmem:s28+$0xFFFFFFA0]  }
0x465: {  	v7 =	vld [tilespmem:s6+$0xFFFFFFF0];
	s6 =	smov.u32 s8;
	s8 =	smov.u32 s28  }
0x466: {  	v8 =	vld [tilespmem:s26+$0x30]  }
0x467: {  	[tilespmem:v4+s30+$0x0] =	vst.idx.add.f32.msk $0xffff, v5  }
0x468: {  	v5 =	vld [tilespmem:s6+$0xFFFFFFD0]  }
0x469: {  	[tilespmem:v6+s31+$0x0] =	vst.idx.add.f32.msk $0xffff, v3  }
0x46a: {  	v3 =	vld [tilespmem:s12+$0xFFFFFFB0]  }
0x46b: {  	[tilespmem:v2+s30+$0x0] =	vst.idx.add.f32.msk $0xffff, v8  }
0x46c: {  	v6 =	vld [tilespmem:s28+$0x30]  }
0x46d: {  	v8 =	vld [tilespmem:s26+$0xFFFFFFB0]  }
0x46e: {  	[tilespmem:v4+s31+$0x0] =	vst.idx.add.f32.msk $0xffff, v5  }
0x46f: {  	v4 =	vld [tilespmem:s25+$0xFFFFFFE0]  }
0x470: {  	v5 =	vld [tilespmem:s9+$0xFFFFFFE0]  }
0x471: {  	[tilespmem:v2+s31+$0x0] =	vst.idx.add.f32.msk $0xffff, v6  }
0x472: {  	v2 =	vld [tilespmem:s12+$0x40]  }
0x473: {  	[tilespmem:v3+s30+$0x0] =	vst.idx.add.f32.msk $0xffff, v8  }
0x474: {  	v6 =	vld [tilespmem:s28+$0xFFFFFFB0]  }
0x475: {  	v8 =	vld [tilespmem:s26+$0x40]  }
0x476: {  	[tilespmem:v1+s31+$0x0] =	vst.idx.add.f32.msk $0xffff, v7  }
0x477: {  	[tilespmem:v4+s30+$0x0] =	vst.idx.add.f32.msk $0xffff, v5  }
0x478: {  	v1 =	vld [tilespmem:s6+$0xFFFFFFE0]  }
0x479: {  	[tilespmem:v3+s31+$0x0] =	vst.idx.add.f32.msk $0xffff, v6  }
0x47a: {  	[tilespmem:v2+s30+$0x0] =	vst.idx.add.f32.msk $0xffff, v8  }
0x47b: {  	v6 =	vld [tilespmem:s28+$0x40]  }
0x47c: {  	v3 =	vld [tilespmem:s12+$0xFFFFFFC0]  }
0x47d: {  	v5 =	vld [tilespmem:s26+$0xFFFFFFC0]  }
.Ltmp4:
0x47e: {  	[tilespmem:v4+s31+$0x0] =	vst.idx.add.f32.msk $0xffff, v1;
	(pc) =	sbr.rel @p0 .LBB2_10-.Ltmp4, $4  }
0x47f: {  	v1 =	vld [tilespmem:s25+$0xFFFFFFF0];
	s25 =	smov.u32 s12  }
0x480: {  	[tilespmem:v2+s31+$0x0] =	vst.idx.add.f32.msk $0xffff, v6  }
0x481: {  	v4 =	vld [tilespmem:s12+$0x50]  }
0x482: {  	s12 =	sadd.s32 $0x100, s12;
	v2 =	vld [tilespmem:s9+$0xFFFFFFF0];
	s9 =	smov.u32 s26  }
0x483: {  	_ =	sdelay $0x3  }
0x484: {  	[tilespmem:v3+s30+$0x0] =	vst.idx.add.f32.msk $0xffff, v5  }
0x485: {  	v5 =	vld [tilespmem:s8+$0xFFFFFFC0];
	_ =	sdelay $0x4  }
0x486: {  	[tilespmem:v3+s31+$0x0] =	vst.idx.add.f32.msk $0xffff, v5  }
0x487: {  	v3 =	vld [tilespmem:s25+$0xFFFFFFD0]  }
0x488: {  	v6 =	vld [tilespmem:s26+$0x50];
	_ =	sdelay $0x1  }
0x489: {  	v5 =	vld [tilespmem:s9+$0xFFFFFFD0];
	_ =	sdelay $0x2  }
0x48a: {  	[tilespmem:v4+s30+$0x0] =	vst.idx.add.f32.msk $0xffff, v6  }
0x48b: {  	v6 =	vld [tilespmem:s28+$0x50]  }
0x48c: {  	[tilespmem:v3+s30+$0x0] =	vst.idx.add.f32.msk $0xffff, v5  }
0x48d: {  	v5 =	vld [tilespmem:s8+$0xFFFFFFD0];
	_ =	sdelay $0x2  }
0x48e: {  	[tilespmem:v4+s31+$0x0] =	vst.idx.add.f32.msk $0xffff, v6  }
0x48f: {  	v4 =	vld [tilespmem:s25+$0x60]  }
0x490: {  	[tilespmem:v3+s31+$0x0] =	vst.idx.add.f32.msk $0xffff, v5  }
0x491: {  	v3 =	vld [tilespmem:s25+$0xFFFFFFE0]  }
0x492: {  	v6 =	vld [tilespmem:s9+$0x60];
	_ =	sdelay $0x1  }
0x493: {  	v5 =	vld [tilespmem:s9+$0xFFFFFFE0];
	_ =	sdelay $0x2  }
0x494: {  	[tilespmem:v4+s30+$0x0] =	vst.idx.add.f32.msk $0xffff, v6  }
0x495: {  	v6 =	vld [tilespmem:s8+$0x60]  }
0x496: {  	[tilespmem:v3+s30+$0x0] =	vst.idx.add.f32.msk $0xffff, v5  }
0x497: {  	v5 =	vld [tilespmem:s8+$0xFFFFFFE0];
	_ =	sdelay $0x2  }
0x498: {  	[tilespmem:v4+s31+$0x0] =	vst.idx.add.f32.msk $0xffff, v6  }
0x499: {  	v4 =	vld [tilespmem:s25+$0x70]  }
0x49a: {  	[tilespmem:v3+s31+$0x0] =	vst.idx.add.f32.msk $0xffff, v5  }
0x49b: {  	v3 =	vld [tilespmem:s25+$0xFFFFFFF0]  }
0x49c: {  	v6 =	vld [tilespmem:s9+$0x70];
	_ =	sdelay $0x1  }
0x49d: {  	v5 =	vld [tilespmem:s9+$0xFFFFFFF0]  }
0x49e: {  	[tilespmem:v1+s30+$0x0] =	vst.idx.add.f32.msk $0xffff, v2  }
0x49f: {  	v2 =	vld [tilespmem:s6+$0xFFFFFFF0]  }
0x4a0: {  	[tilespmem:v4+s30+$0x0] =	vst.idx.add.f32.msk $0xffff, v6  }
0x4a1: {  	v6 =	vld [tilespmem:s8+$0x70]  }
0x4a2: {  	[tilespmem:v3+s30+$0x0] =	vst.idx.add.f32.msk $0xffff, v5  }
0x4a3: {  	v5 =	vld [tilespmem:s8+$0xFFFFFFF0];
	_ =	sdelay $0x2  }
0x4a4: {  	[tilespmem:v1+s31+$0x0] =	vst.idx.add.f32.msk $0xffff, v2  }
0x4a5: {  	[tilespmem:v4+s31+$0x0] =	vst.idx.add.f32.msk $0xffff, v6  }
0x4a6: {  	[tilespmem:v3+s31+$0x0] =	vst.idx.add.f32.msk $0xffff, v5  }
0x4a7: {  	v1 =	vld [tilespmem:$0x7C80];
	_ =	sdelay $0x2  }
0x4a8: {  	v2 =	vld [tilespmem:$0xF980];
	_ =	sdelay $0x4  }
0x4a9: {  	[tilespmem:v1+s30+$0x0] =	vst.idx.add.f32.msk $0xffff, v2  }
0x4aa: {  	v2 =	vld [tilespmem:$0x17680];
	_ =	sdelay $0x4  }
0x4ab: {  	[tilespmem:v1+s31+$0x0] =	vst.idx.add.f32.msk $0xffff, v2  }
0x4ac: {  	v1 =	vld [tilespmem:$0x7C90];
	_ =	sdelay $0x2  }
0x4ad: {  	v2 =	vld [tilespmem:$0xF990];
	_ =	sdelay $0x4  }
0x4ae: {  	[tilespmem:v1+s30+$0x0] =	vst.idx.add.f32.msk $0xffff, v2  }
0x4af: {  	v2 =	vld [tilespmem:$0x17690];
	_ =	sdelay $0x4  }
0x4b0: {  	[tilespmem:v1+s31+$0x0] =	vst.idx.add.f32.msk $0xffff, v2  }
0x4b1: {  	v1 =	vld [tilespmem:$0x7CA0];
	_ =	sdelay $0x2  }
0x4b2: {  	v2 =	vld [tilespmem:$0xF9A0];
	_ =	sdelay $0x4  }
0x4b3: {  	[tilespmem:v1+s30+$0x0] =	vst.idx.add.f32.msk $0xffff, v2  }
0x4b4: {  	v2 =	vld [tilespmem:$0x176A0];
	_ =	sdelay $0x4  }
0x4b5: {  	[tilespmem:v1+s31+$0x0] =	vst.idx.add.f32.msk $0xffff, v2  }
0x4b6: {  	v1 =	vld [tilespmem:$0x7CB0];
	_ =	sdelay $0x2  }
0x4b7: {  	v2 =	vld [tilespmem:$0xF9B0];
	_ =	sdelay $0x4  }
0x4b8: {  	[tilespmem:v1+s30+$0x0] =	vst.idx.add.f32.msk $0xffff, v2  }
0x4b9: {  	v2 =	vld [tilespmem:$0x176B0];
	_ =	sdelay $0x4  }
0x4ba: {  	[tilespmem:v1+s31+$0x0] =	vst.idx.add.f32.msk $0xffff, v2  }
0x4bb: {  	v1 =	vld [tilespmem:$0x7CC0];
	_ =	sdelay $0x2  }
0x4bc: {  	v2 =	vld [tilespmem:$0xF9C0];
	_ =	sdelay $0x4  }
0x4bd: {  	[tilespmem:v1+s30+$0x0] =	vst.idx.add.f32.msk $0xffff, v2  }
0x4be: {  	v2 =	vld [tilespmem:$0x176C0];
	_ =	sdelay $0x4  }
0x4bf: {  	[tilespmem:v1+s31+$0x0] =	vst.idx.add.f32.msk $0xffff, v2  }
0x4c0: {  	v1 =	vld [tilespmem:$0x7CD0];
	_ =	sdelay $0x2  }
0x4c1: {  	v2 =	vld [tilespmem:$0xF9D0];
	_ =	sdelay $0x4  }
0x4c2: {  	[tilespmem:v1+s30+$0x0] =	vst.idx.add.f32.msk $0xffff, v2  }
0x4c3: {  	v2 =	vld [tilespmem:$0x176D0];
	_ =	sdelay $0x4  }
0x4c4: {  	[tilespmem:v1+s31+$0x0] =	vst.idx.add.f32.msk $0xffff, v2  }
0x4c5: {  	v1 =	vld [tilespmem:$0x7CE0];
	_ =	sdelay $0x2  }
0x4c6: {  	v2 =	vld [tilespmem:$0xF9E0];
	_ =	sdelay $0x4  }
0x4c7: {  	[tilespmem:v1+s30+$0x0] =	vst.idx.add.f32.msk $0xffff, v2  }
0x4c8: {  	v2 =	vld [tilespmem:$0x176E0];
	_ =	sdelay $0x4  }
0x4c9: {  	[tilespmem:v1+s31+$0x0] =	vst.idx.add.f32.msk $0xffff, v2  }
0x4ca: {  	v1 =	vld [tilespmem:$0x7CF0];
	_ =	sdelay $0x2  }
0x4cb: {  	v2 =	vld [tilespmem:$0xF9F0];
	_ =	sdelay $0x4  }
0x4cc: {  	[tilespmem:v1+s30+$0x0] =	vst.idx.add.f32.msk $0xffff, v2  }
0x4cd: {  	v2 =	vld [tilespmem:$0x176F0];
	_ =	sdelay $0x4  }
0x4ce: {  	[tilespmem:v1+s31+$0x0] =	vst.idx.add.f32.msk $0xffff, v2  }
0x4cf: {  	_ =	swait.ge [sflag:s29], $0x3E80  }
0x4d0: {  	[sflag:s29] =	ssyncset.done $0x0  }
0x4d1: {  	[sflag:s29] =	ssyncadd.s32 $0xFFFFC180  }
0x4d2: {  	_ =	swait.ge [sflag:s29], $0x3E80  }
0x4d3: {  	[sflag:s29] =	ssyncset.done $0x0  }
0x4d4: {  	[sflag:s29] =	ssyncadd.s32 $0xFFFFC180  }
0x4d5: {  	_ =	swait.ge [sflag:s29], $0x3E80  }
0x4d6: {  	[sflag:s29] =	ssyncset.done $0x0  }
0x4d7: {  	s12 =	simm.s32 $0x80;
	[sflag:s29] =	ssyncadd.s32 $0xFFFFC180  }
0x4d8: {  	v1 =	vld [tilespmem:s12+$0x0];
	_ =	sdelay $0x1  }
0x4d9: {  	s8 =	simm.s32 $0x7D80  }
0x4da: {  	v2 =	vld [tilespmem:s8+$0x0];
	_ =	sdelay $0x4  }
0x4db: {  	s6 =	simm.s32 $0xFA80;
	[tilespmem:v1+s30+$0x0] =	vst.idx.add.f32.msk $0xffff, v2  }
0x4dc: {  	v2 =	vld [tilespmem:s6+$0x0];
	_ =	sdelay $0x3  }
0x4dd: {  	v3 =	vld [tilespmem:s12+$0xFFFFFF80]  }
0x4de: {  	[tilespmem:v1+s31+$0x0] =	vst.idx.add.f32.msk $0xffff, v2  }
0x4df: {  	v1 =	vld [tilespmem:s12+$0x10]  }
0x4e0: {  	v2 =	vld [tilespmem:s8+$0xFFFFFF80];
	_ =	sdelay $0x1  }
0x4e1: {  	v4 =	vld [tilespmem:s8+$0x10];
	_ =	sdelay $0x2  }
0x4e2: {  	[tilespmem:v3+s30+$0x0] =	vst.idx.add.f32.msk $0xffff, v2  }
0x4e3: {  	v2 =	vld [tilespmem:s6+$0xFFFFFF80]  }
0x4e4: {  	[tilespmem:v1+s30+$0x0] =	vst.idx.add.f32.msk $0xffff, v4  }
0x4e5: {  	v4 =	vld [tilespmem:s6+$0x10];
	_ =	sdelay $0x2  }
0x4e6: {  	[tilespmem:v3+s31+$0x0] =	vst.idx.add.f32.msk $0xffff, v2  }
0x4e7: {  	v2 =	vld [tilespmem:s12+$0xFFFFFF90]  }
0x4e8: {  	[tilespmem:v1+s31+$0x0] =	vst.idx.add.f32.msk $0xffff, v4  }
0x4e9: {  	v1 =	vld [tilespmem:s12+$0x20]  }
0x4ea: {  	v3 =	vld [tilespmem:s8+$0xFFFFFF90];
	_ =	sdelay $0x1  }
0x4eb: {  	v4 =	vld [tilespmem:s8+$0x20];
	_ =	sdelay $0x2  }
0x4ec: {  	[tilespmem:v2+s30+$0x0] =	vst.idx.add.f32.msk $0xffff, v3  }
0x4ed: {  	v3 =	vld [tilespmem:s6+$0xFFFFFF90]  }
0x4ee: {  	[tilespmem:v1+s30+$0x0] =	vst.idx.add.f32.msk $0xffff, v4  }
0x4ef: {  	v4 =	vld [tilespmem:s6+$0x20];
	_ =	sdelay $0x2  }
0x4f0: {  	[tilespmem:v2+s31+$0x0] =	vst.idx.add.f32.msk $0xffff, v3  }
0x4f1: {  	v2 =	vld [tilespmem:s12+$0xFFFFFFA0]  }
0x4f2: {  	[tilespmem:v1+s31+$0x0] =	vst.idx.add.f32.msk $0xffff, v4  }
0x4f3: {  	v1 =	vld [tilespmem:s12+$0x30]  }
0x4f4: {  	v3 =	vld [tilespmem:s8+$0xFFFFFFA0];
	_ =	sdelay $0x1  }
0x4f5: {  	v4 =	vld [tilespmem:s8+$0x30];
	_ =	sdelay $0x2  }
0x4f6: {  	[tilespmem:v2+s30+$0x0] =	vst.idx.add.f32.msk $0xffff, v3  }
0x4f7: {  	v3 =	vld [tilespmem:s6+$0xFFFFFFA0]  }
0x4f8: {  	[tilespmem:v1+s30+$0x0] =	vst.idx.add.f32.msk $0xffff, v4  }
0x4f9: {  	v4 =	vld [tilespmem:s6+$0x30];
	_ =	sdelay $0x2  }
0x4fa: {  	[tilespmem:v2+s31+$0x0] =	vst.idx.add.f32.msk $0xffff, v3  }
0x4fb: {  	v2 =	vld [tilespmem:s12+$0xFFFFFFB0]  }
0x4fc: {  	[tilespmem:v1+s31+$0x0] =	vst.idx.add.f32.msk $0xffff, v4  }
0x4fd: {  	v1 =	vld [tilespmem:s12+$0x40]  }
0x4fe: {  	s25 =	simm.s32 $0x180;
	v3 =	vld [tilespmem:s8+$0xFFFFFFB0]  }
0x4ff: {  	v5 =	vld [tilespmem:s25+$0xFFFFFF80]  }
0x500: {  	v4 =	vld [tilespmem:s8+$0x40]  }
0x501: {  	s26 =	simm.s32 $0x7E80  }
0x502: {  	v8 =	vld [tilespmem:s26+$0xFFFFFF80]  }
0x503: {  	[tilespmem:v2+s30+$0x0] =	vst.idx.add.f32.msk $0xffff, v3  }
0x504: {  	v3 =	vld [tilespmem:s6+$0xFFFFFFB0]  }
0x505: {  	[tilespmem:v1+s30+$0x0] =	vst.idx.add.f32.msk $0xffff, v4  }
0x506: {  	v4 =	vld [tilespmem:s6+$0x40]  }
0x507: {  	s28 =	simm.s32 $0xFB80;
	[tilespmem:v5+s30+$0x0] =	vst.idx.add.f32.msk $0xffff, v8  }
0x508: {  	v8 =	vld [tilespmem:s28+$0xFFFFFF80]  }
0x509: {  	[tilespmem:v2+s31+$0x0] =	vst.idx.add.f32.msk $0xffff, v3  }
0x50a: {  	v3 =	vld [tilespmem:s25+$0x0]  }
0x50b: {  	[tilespmem:v1+s31+$0x0] =	vst.idx.add.f32.msk $0xffff, v4  }
0x50c: {  	v1 =	vld [tilespmem:s12+$0x50]  }
0x50d: {  	v6 =	vld [tilespmem:s26+$0x0];
	_ =	sdelay $0x1  }
0x50e: {  	v4 =	vld [tilespmem:s8+$0x50];
	_ =	sdelay $0x1  }
0x50f: {  	[tilespmem:v5+s31+$0x0] =	vst.idx.add.f32.msk $0xffff, v8  }
0x510: {  	[tilespmem:v3+s30+$0x0] =	vst.idx.add.f32.msk $0xffff, v6  }
0x511: {  	v6 =	vld [tilespmem:s28+$0x0]  }
0x512: {  	[tilespmem:v1+s30+$0x0] =	vst.idx.add.f32.msk $0xffff, v4  }
0x513: {  	v4 =	vld [tilespmem:s6+$0x50]  }
0x514: {  	v2 =	vld [tilespmem:s12+$0xFFFFFFC0]  }
0x515: {  	v7 =	vld [tilespmem:s8+$0xFFFFFFC0]  }
0x516: {  	[tilespmem:v3+s31+$0x0] =	vst.idx.add.f32.msk $0xffff, v6  }
0x517: {  	v3 =	vld [tilespmem:s25+$0x10]  }
0x518: {  	[tilespmem:v1+s31+$0x0] =	vst.idx.add.f32.msk $0xffff, v4  }
0x519: {  	v1 =	vld [tilespmem:s12+$0x60]  }
0x51a: {  	v6 =	vld [tilespmem:s26+$0x10]  }
0x51b: {  	v5 =	vld [tilespmem:s25+$0xFFFFFF90]  }
0x51c: {  	v4 =	vld [tilespmem:s8+$0x60]  }
0x51d: {  	[tilespmem:v2+s30+$0x0] =	vst.idx.add.f32.msk $0xffff, v7  }
0x51e: {  	v7 =	vld [tilespmem:s26+$0xFFFFFF90]  }
0x51f: {  	[tilespmem:v3+s30+$0x0] =	vst.idx.add.f32.msk $0xffff, v6  }
0x520: {  	v6 =	vld [tilespmem:s28+$0x10]  }
0x521: {  	[tilespmem:v1+s30+$0x0] =	vst.idx.add.f32.msk $0xffff, v4  }
0x522: {  	v4 =	vld [tilespmem:s6+$0x60]  }
0x523: {  	v60 =	vld [tilespmem:s6+$0xFFFFFFC0]  }
0x524: {  	[tilespmem:v5+s30+$0x0] =	vst.idx.add.f32.msk $0xffff, v7  }
0x525: {  	[tilespmem:v3+s31+$0x0] =	vst.idx.add.f32.msk $0xffff, v6  }
0x526: {  	v3 =	vld [tilespmem:s25+$0x20]  }
0x527: {  	[tilespmem:v1+s31+$0x0] =	vst.idx.add.f32.msk $0xffff, v4  }
0x528: {  	v1 =	vld [tilespmem:s28+$0xFFFFFF90]  }
0x529: {  	v7 =	vld [tilespmem:s26+$0x20]  }
0x52a: {  	v4 =	vld [tilespmem:s12+$0x70]  }
0x52b: {  	[tilespmem:v2+s31+$0x0] =	vst.idx.add.f32.msk $0xffff, v60  }
0x52c: {  	v6 =	vld [tilespmem:s8+$0x70]  }
0x52d: {  	[tilespmem:v5+s31+$0x0] =	vst.idx.add.f32.msk $0xffff, v1  }
0x52e: {  	v1 =	vld [tilespmem:s25+$0xFFFFFFA0]  }
0x52f: {  	[tilespmem:v3+s30+$0x0] =	vst.idx.add.f32.msk $0xffff, v7  }
0x530: {  	v5 =	vld [tilespmem:s28+$0x20]  }
0x531: {  	v2 =	vld [tilespmem:s26+$0xFFFFFFA0]  }
0x532: {  	[tilespmem:v4+s30+$0x0] =	vst.idx.add.f32.msk $0xffff, v6  }
0x533: {  	v6 =	vld [tilespmem:s12+$0xFFFFFFD0]  }
0x534: {  	v7 =	vld [tilespmem:s8+$0xFFFFFFD0]  }
0x535: {  	[tilespmem:v3+s31+$0x0] =	vst.idx.add.f32.msk $0xffff, v5  }
0x536: {  	[tilespmem:v1+s30+$0x0] =	vst.idx.add.f32.msk $0xffff, v2  }
0x537: {  	v2 =	vld [tilespmem:s25+$0x30]  }
0x538: {  	v3 =	vld [tilespmem:s28+$0xFFFFFFA0]  }
0x539: {  	v5 =	vld [tilespmem:s6+$0x70]  }
0x53a: {  	v61 =	vld [tilespmem:s26+$0x30]  }
0x53b: {  	[tilespmem:v6+s30+$0x0] =	vst.idx.add.f32.msk $0xffff, v7  }
0x53c: {  	v7 =	vld [tilespmem:s6+$0xFFFFFFD0]  }
0x53d: {  	[tilespmem:v1+s31+$0x0] =	vst.idx.add.f32.msk $0xffff, v3  }
0x53e: {  	v1 =	vld [tilespmem:s25+$0xFFFFFFB0]  }
0x53f: {  	[tilespmem:v2+s30+$0x0] =	vst.idx.add.f32.msk $0xffff, v61  }
0x540: {  	v3 =	vld [tilespmem:s28+$0x30]  }
0x541: {  	v62 =	vld [tilespmem:s26+$0xFFFFFFB0]  }
0x542: {  	[tilespmem:v6+s31+$0x0] =	vst.idx.add.f32.msk $0xffff, v7  }
0x543: {  	v6 =	vld [tilespmem:s12+$0xFFFFFFE0]  }
0x544: {  	v7 =	vld [tilespmem:s8+$0xFFFFFFE0]  }
0x545: {  	[tilespmem:v2+s31+$0x0] =	vst.idx.add.f32.msk $0xffff, v3  }
0x546: {  	v2 =	vld [tilespmem:s25+$0x40]  }
0x547: {  	[tilespmem:v1+s30+$0x0] =	vst.idx.add.f32.msk $0xffff, v62  }
0x548: {  	v3 =	vld [tilespmem:s28+$0xFFFFFFB0]  }
0x549: {  	v63 =	vld [tilespmem:s26+$0x40]  }
0x54a: {  	[tilespmem:v4+s31+$0x0] =	vst.idx.add.f32.msk $0xffff, v5  }
0x54b: {  	[tilespmem:v6+s30+$0x0] =	vst.idx.add.f32.msk $0xffff, v7  }
0x54c: {  	v4 =	vld [tilespmem:s6+$0xFFFFFFE0]  }
0x54d: {  	[tilespmem:v1+s31+$0x0] =	vst.idx.add.f32.msk $0xffff, v3  }
0x54e: {  	[tilespmem:v2+s30+$0x0] =	vst.idx.add.f32.msk $0xffff, v63  }
0x54f: {  	v7 =	vld [tilespmem:s28+$0x40]  }
0x550: {  	v3 =	vld [tilespmem:s25+$0xFFFFFFC0]  }
0x551: {  	v5 =	vld [tilespmem:s26+$0xFFFFFFC0]  }
0x552: {  	[tilespmem:v6+s31+$0x0] =	vst.idx.add.f32.msk $0xffff, v4  }
0x553: {  	v1 =	vld [tilespmem:s12+$0xFFFFFFF0]  }
0x554: {  	[tilespmem:v2+s31+$0x0] =	vst.idx.add.f32.msk $0xffff, v7  }
0x555: {  	s11 =	simm.s32 $0x2;
	v4 =	vld [tilespmem:s25+$0x50]  }
0x556: {  	s9 =	simm.s32 $0x7E80;
	s12 =	simm.s32 $0x280;
	v2 =	vld [tilespmem:s8+$0xFFFFFFF0];
	s8 =	simm.s32 $0xFB80  }
.LBB2_12:
0x557: {  	v6 =	vld [tilespmem:s12+$0x0]  }
0x558: {  	v7 =	vld [tilespmem:s26+$0x50]  }
0x559: {  	s26 =	sadd.s32 $0x100, s26;
	v8 =	vld [tilespmem:s12+$0xFFFFFF80]  }
0x55a: {  	s11 =	sadd.s32 $0x2, s11;
	v9 =	vld [tilespmem:s26+$0x0]  }
0x55b: {  	p0 =	slt.u32 s11, $0x7A;
	v10 =	vld [tilespmem:s26+$0xFFFFFF80]  }
0x55c: {  	[tilespmem:v3+s30+$0x0] =	vst.idx.add.f32.msk $0xffff, v5  }
0x55d: {  	[tilespmem:v4+s30+$0x0] =	vst.idx.add.f32.msk $0xffff, v7  }
0x55e: {  	v5 =	vld [tilespmem:s28+$0x50]  }
0x55f: {  	s28 =	sadd.s32 $0x100, s28;
	[tilespmem:v6+s30+$0x0] =	vst.idx.add.f32.msk $0xffff, v9  }
0x560: {  	v7 =	vld [tilespmem:s28+$0x0]  }
0x561: {  	[tilespmem:v8+s30+$0x0] =	vst.idx.add.f32.msk $0xffff, v10  }
0x562: {  	v9 =	vld [tilespmem:s28+$0xFFFFFF80]  }
0x563: {  	[tilespmem:v4+s31+$0x0] =	vst.idx.add.f32.msk $0xffff, v5  }
0x564: {  	v4 =	vld [tilespmem:s25+$0x60]  }
0x565: {  	[tilespmem:v6+s31+$0x0] =	vst.idx.add.f32.msk $0xffff, v7  }
0x566: {  	v5 =	vld [tilespmem:s12+$0x10]  }
0x567: {  	v6 =	vld [tilespmem:s9+$0x60]  }
0x568: {  	[tilespmem:v8+s31+$0x0] =	vst.idx.add.f32.msk $0xffff, v9  }
0x569: {  	v7 =	vld [tilespmem:s12+$0xFFFFFF90]  }
0x56a: {  	v8 =	vld [tilespmem:s26+$0x10]  }
0x56b: {  	v9 =	vld [tilespmem:s26+$0xFFFFFF90]  }
0x56c: {  	[tilespmem:v4+s30+$0x0] =	vst.idx.add.f32.msk $0xffff, v6  }
0x56d: {  	v6 =	vld [tilespmem:s8+$0x60]  }
0x56e: {  	v10 =	vld [tilespmem:s8+$0xFFFFFFC0]  }
0x56f: {  	[tilespmem:v5+s30+$0x0] =	vst.idx.add.f32.msk $0xffff, v8  }
0x570: {  	v8 =	vld [tilespmem:s28+$0x10]  }
0x571: {  	[tilespmem:v7+s30+$0x0] =	vst.idx.add.f32.msk $0xffff, v9  }
0x572: {  	[tilespmem:v4+s31+$0x0] =	vst.idx.add.f32.msk $0xffff, v6  }
0x573: {  	v4 =	vld [tilespmem:s25+$0x70]  }
0x574: {  	v6 =	vld [tilespmem:s28+$0xFFFFFF90]  }
0x575: {  	[tilespmem:v5+s31+$0x0] =	vst.idx.add.f32.msk $0xffff, v8  }
0x576: {  	v5 =	vld [tilespmem:s9+$0x70]  }
0x577: {  	v8 =	vld [tilespmem:s12+$0x20]  }
0x578: {  	[tilespmem:v3+s31+$0x0] =	vst.idx.add.f32.msk $0xffff, v10  }
0x579: {  	[tilespmem:v7+s31+$0x0] =	vst.idx.add.f32.msk $0xffff, v6  }
0x57a: {  	v3 =	vld [tilespmem:s26+$0x20]  }
0x57b: {  	[tilespmem:v4+s30+$0x0] =	vst.idx.add.f32.msk $0xffff, v5  }
0x57c: {  	v5 =	vld [tilespmem:s8+$0x70]  }
0x57d: {  	v6 =	vld [tilespmem:s12+$0xFFFFFFA0]  }
0x57e: {  	v7 =	vld [tilespmem:s26+$0xFFFFFFA0]  }
0x57f: {  	[tilespmem:v8+s30+$0x0] =	vst.idx.add.f32.msk $0xffff, v3  }
0x580: {  	v3 =	vld [tilespmem:s28+$0x20]  }
0x581: {  	[tilespmem:v4+s31+$0x0] =	vst.idx.add.f32.msk $0xffff, v5  }
0x582: {  	v4 =	vld [tilespmem:s25+$0xFFFFFFD0]  }
0x583: {  	v5 =	vld [tilespmem:s9+$0xFFFFFFD0]  }
0x584: {  	[tilespmem:v1+s30+$0x0] =	vst.idx.add.f32.msk $0xffff, v2  }
0x585: {  	[tilespmem:v6+s30+$0x0] =	vst.idx.add.f32.msk $0xffff, v7  }
0x586: {  	[tilespmem:v8+s31+$0x0] =	vst.idx.add.f32.msk $0xffff, v3  }
0x587: {  	v2 =	vld [tilespmem:s12+$0x30]  }
0x588: {  	v3 =	vld [tilespmem:s28+$0xFFFFFFA0]  }
0x589: {  	v7 =	vld [tilespmem:s6+$0xFFFFFFF0];
	s6 =	smov.u32 s8;
	s8 =	smov.u32 s28  }
0x58a: {  	v8 =	vld [tilespmem:s26+$0x30]  }
0x58b: {  	[tilespmem:v4+s30+$0x0] =	vst.idx.add.f32.msk $0xffff, v5  }
0x58c: {  	v5 =	vld [tilespmem:s6+$0xFFFFFFD0]  }
0x58d: {  	[tilespmem:v6+s31+$0x0] =	vst.idx.add.f32.msk $0xffff, v3  }
0x58e: {  	v3 =	vld [tilespmem:s12+$0xFFFFFFB0]  }
0x58f: {  	[tilespmem:v2+s30+$0x0] =	vst.idx.add.f32.msk $0xffff, v8  }
0x590: {  	v6 =	vld [tilespmem:s28+$0x30]  }
0x591: {  	v8 =	vld [tilespmem:s26+$0xFFFFFFB0]  }
0x592: {  	[tilespmem:v4+s31+$0x0] =	vst.idx.add.f32.msk $0xffff, v5  }
0x593: {  	v4 =	vld [tilespmem:s25+$0xFFFFFFE0]  }
0x594: {  	v5 =	vld [tilespmem:s9+$0xFFFFFFE0]  }
0x595: {  	[tilespmem:v2+s31+$0x0] =	vst.idx.add.f32.msk $0xffff, v6  }
0x596: {  	v2 =	vld [tilespmem:s12+$0x40]  }
0x597: {  	[tilespmem:v3+s30+$0x0] =	vst.idx.add.f32.msk $0xffff, v8  }
0x598: {  	v6 =	vld [tilespmem:s28+$0xFFFFFFB0]  }
0x599: {  	v8 =	vld [tilespmem:s26+$0x40]  }
0x59a: {  	[tilespmem:v1+s31+$0x0] =	vst.idx.add.f32.msk $0xffff, v7  }
0x59b: {  	[tilespmem:v4+s30+$0x0] =	vst.idx.add.f32.msk $0xffff, v5  }
0x59c: {  	v1 =	vld [tilespmem:s6+$0xFFFFFFE0]  }
0x59d: {  	[tilespmem:v3+s31+$0x0] =	vst.idx.add.f32.msk $0xffff, v6  }
0x59e: {  	[tilespmem:v2+s30+$0x0] =	vst.idx.add.f32.msk $0xffff, v8  }
0x59f: {  	v6 =	vld [tilespmem:s28+$0x40]  }
0x5a0: {  	v3 =	vld [tilespmem:s12+$0xFFFFFFC0]  }
0x5a1: {  	v5 =	vld [tilespmem:s26+$0xFFFFFFC0]  }
.Ltmp5:
0x5a2: {  	[tilespmem:v4+s31+$0x0] =	vst.idx.add.f32.msk $0xffff, v1;
	(pc) =	sbr.rel @p0 .LBB2_12-.Ltmp5, $4  }
0x5a3: {  	v1 =	vld [tilespmem:s25+$0xFFFFFFF0];
	s25 =	smov.u32 s12  }
0x5a4: {  	[tilespmem:v2+s31+$0x0] =	vst.idx.add.f32.msk $0xffff, v6  }
0x5a5: {  	v4 =	vld [tilespmem:s12+$0x50]  }
0x5a6: {  	s12 =	sadd.s32 $0x100, s12;
	v2 =	vld [tilespmem:s9+$0xFFFFFFF0];
	s9 =	smov.u32 s26  }
0x5a7: {  	_ =	sdelay $0x3  }
0x5a8: {  	[tilespmem:v3+s30+$0x0] =	vst.idx.add.f32.msk $0xffff, v5  }
0x5a9: {  	v5 =	vld [tilespmem:s8+$0xFFFFFFC0];
	_ =	sdelay $0x4  }
0x5aa: {  	[tilespmem:v3+s31+$0x0] =	vst.idx.add.f32.msk $0xffff, v5  }
0x5ab: {  	v3 =	vld [tilespmem:s25+$0xFFFFFFD0]  }
0x5ac: {  	v6 =	vld [tilespmem:s26+$0x50];
	_ =	sdelay $0x1  }
0x5ad: {  	v5 =	vld [tilespmem:s9+$0xFFFFFFD0];
	_ =	sdelay $0x2  }
0x5ae: {  	[tilespmem:v4+s30+$0x0] =	vst.idx.add.f32.msk $0xffff, v6  }
0x5af: {  	v6 =	vld [tilespmem:s28+$0x50]  }
0x5b0: {  	[tilespmem:v3+s30+$0x0] =	vst.idx.add.f32.msk $0xffff, v5  }
0x5b1: {  	v5 =	vld [tilespmem:s8+$0xFFFFFFD0];
	_ =	sdelay $0x2  }
0x5b2: {  	[tilespmem:v4+s31+$0x0] =	vst.idx.add.f32.msk $0xffff, v6  }
0x5b3: {  	v4 =	vld [tilespmem:s25+$0x60]  }
0x5b4: {  	[tilespmem:v3+s31+$0x0] =	vst.idx.add.f32.msk $0xffff, v5  }
0x5b5: {  	v3 =	vld [tilespmem:s25+$0xFFFFFFE0]  }
0x5b6: {  	v6 =	vld [tilespmem:s9+$0x60];
	_ =	sdelay $0x1  }
0x5b7: {  	v5 =	vld [tilespmem:s9+$0xFFFFFFE0];
	_ =	sdelay $0x2  }
0x5b8: {  	[tilespmem:v4+s30+$0x0] =	vst.idx.add.f32.msk $0xffff, v6  }
0x5b9: {  	v6 =	vld [tilespmem:s8+$0x60]  }
0x5ba: {  	[tilespmem:v3+s30+$0x0] =	vst.idx.add.f32.msk $0xffff, v5  }
0x5bb: {  	v5 =	vld [tilespmem:s8+$0xFFFFFFE0];
	_ =	sdelay $0x2  }
0x5bc: {  	[tilespmem:v4+s31+$0x0] =	vst.idx.add.f32.msk $0xffff, v6  }
0x5bd: {  	v4 =	vld [tilespmem:s25+$0x70]  }
0x5be: {  	[tilespmem:v3+s31+$0x0] =	vst.idx.add.f32.msk $0xffff, v5  }
0x5bf: {  	v3 =	vld [tilespmem:s25+$0xFFFFFFF0]  }
0x5c0: {  	v6 =	vld [tilespmem:s9+$0x70];
	_ =	sdelay $0x1  }
0x5c1: {  	v5 =	vld [tilespmem:s9+$0xFFFFFFF0]  }
0x5c2: {  	[tilespmem:v1+s30+$0x0] =	vst.idx.add.f32.msk $0xffff, v2  }
0x5c3: {  	v2 =	vld [tilespmem:s6+$0xFFFFFFF0]  }
0x5c4: {  	[tilespmem:v4+s30+$0x0] =	vst.idx.add.f32.msk $0xffff, v6  }
0x5c5: {  	v6 =	vld [tilespmem:s8+$0x70]  }
0x5c6: {  	[tilespmem:v3+s30+$0x0] =	vst.idx.add.f32.msk $0xffff, v5  }
0x5c7: {  	v5 =	vld [tilespmem:s8+$0xFFFFFFF0];
	_ =	sdelay $0x2  }
0x5c8: {  	[tilespmem:v1+s31+$0x0] =	vst.idx.add.f32.msk $0xffff, v2  }
0x5c9: {  	[tilespmem:v4+s31+$0x0] =	vst.idx.add.f32.msk $0xffff, v6  }
0x5ca: {  	[tilespmem:v3+s31+$0x0] =	vst.idx.add.f32.msk $0xffff, v5  }
0x5cb: {  	v1 =	vld [tilespmem:$0x3E00];
	_ =	sdelay $0x2  }
0x5cc: {  	v2 =	vld [tilespmem:$0xBB00];
	_ =	sdelay $0x4  }
0x5cd: {  	[tilespmem:v1+s30+$0x0] =	vst.idx.add.f32.msk $0xffff, v2  }
0x5ce: {  	v2 =	vld [tilespmem:$0x13800];
	_ =	sdelay $0x4  }
0x5cf: {  	[tilespmem:v1+s31+$0x0] =	vst.idx.add.f32.msk $0xffff, v2  }
0x5d0: {  	v1 =	vld [tilespmem:$0x3E10];
	_ =	sdelay $0x2  }
0x5d1: {  	v2 =	vld [tilespmem:$0xBB10];
	_ =	sdelay $0x4  }
0x5d2: {  	[tilespmem:v1+s30+$0x0] =	vst.idx.add.f32.msk $0xffff, v2  }
0x5d3: {  	v2 =	vld [tilespmem:$0x13810];
	_ =	sdelay $0x4  }
0x5d4: {  	[tilespmem:v1+s31+$0x0] =	vst.idx.add.f32.msk $0xffff, v2  }
0x5d5: {  	v1 =	vld [tilespmem:$0x3E20];
	_ =	sdelay $0x2  }
0x5d6: {  	v2 =	vld [tilespmem:$0xBB20];
	_ =	sdelay $0x4  }
0x5d7: {  	[tilespmem:v1+s30+$0x0] =	vst.idx.add.f32.msk $0xffff, v2  }
0x5d8: {  	v2 =	vld [tilespmem:$0x13820];
	_ =	sdelay $0x4  }
0x5d9: {  	[tilespmem:v1+s31+$0x0] =	vst.idx.add.f32.msk $0xffff, v2  }
0x5da: {  	v1 =	vld [tilespmem:$0x3E30];
	_ =	sdelay $0x2  }
0x5db: {  	v2 =	vld [tilespmem:$0xBB30];
	_ =	sdelay $0x4  }
0x5dc: {  	[tilespmem:v1+s30+$0x0] =	vst.idx.add.f32.msk $0xffff, v2  }
0x5dd: {  	v2 =	vld [tilespmem:$0x13830];
	_ =	sdelay $0x4  }
0x5de: {  	[tilespmem:v1+s31+$0x0] =	vst.idx.add.f32.msk $0xffff, v2  }
0x5df: {  	v1 =	vld [tilespmem:$0x3E40];
	_ =	sdelay $0x2  }
0x5e0: {  	v2 =	vld [tilespmem:$0xBB40];
	_ =	sdelay $0x4  }
0x5e1: {  	[tilespmem:v1+s30+$0x0] =	vst.idx.add.f32.msk $0xffff, v2  }
0x5e2: {  	v2 =	vld [tilespmem:$0x13840];
	_ =	sdelay $0x4  }
0x5e3: {  	[tilespmem:v1+s31+$0x0] =	vst.idx.add.f32.msk $0xffff, v2  }
0x5e4: {  	v1 =	vld [tilespmem:$0x3E50];
	_ =	sdelay $0x2  }
0x5e5: {  	v2 =	vld [tilespmem:$0xBB50];
	_ =	sdelay $0x4  }
0x5e6: {  	[tilespmem:v1+s30+$0x0] =	vst.idx.add.f32.msk $0xffff, v2  }
0x5e7: {  	v2 =	vld [tilespmem:$0x13850];
	_ =	sdelay $0x4  }
0x5e8: {  	[tilespmem:v1+s31+$0x0] =	vst.idx.add.f32.msk $0xffff, v2  }
0x5e9: {  	v1 =	vld [tilespmem:$0x3E60];
	_ =	sdelay $0x2  }
0x5ea: {  	v2 =	vld [tilespmem:$0xBB60];
	_ =	sdelay $0x4  }
0x5eb: {  	[tilespmem:v1+s30+$0x0] =	vst.idx.add.f32.msk $0xffff, v2  }
0x5ec: {  	v2 =	vld [tilespmem:$0x13860];
	_ =	sdelay $0x4  }
0x5ed: {  	[tilespmem:v1+s31+$0x0] =	vst.idx.add.f32.msk $0xffff, v2  }
0x5ee: {  	v1 =	vld [tilespmem:$0x3E70];
	_ =	sdelay $0x2  }
0x5ef: {  	v2 =	vld [tilespmem:$0xBB70];
	_ =	sdelay $0x4  }
0x5f0: {  	[tilespmem:v1+s30+$0x0] =	vst.idx.add.f32.msk $0xffff, v2  }
0x5f1: {  	v2 =	vld [tilespmem:$0x13870];
	_ =	sdelay $0x4  }
0x5f2: {  	[tilespmem:v1+s31+$0x0] =	vst.idx.add.f32.msk $0xffff, v2  }
0x5f3: {  	[hbm4b:s18+s2] =	stream.linear.scatter [tilespmem:s30], [sflag:$0x3], $0x2800, $0x38;
	[tilespmem:$0x1C700] =	vst v63  }
0x5f4: {  	s5 =	sadd.s32 $0x1, s5;
	_ =	swait.ge [sflag:s3], $0x2800  }
0x5f5: {  	p0 =	sne.s32 s5, s20;
	[sflag:s3] =	ssyncset.done $0x0  }
.Ltmp6:
0x5f6: {  	[sflag:s3] =	ssyncadd.s32 $0xFFFFD800;
	(pc) =	sbr.rel @p0 .LBB2_1-.Ltmp6, $4  }
0x5f7: {  	[hbm4b:s19+s2] =	stream.linear.scatter [tilespmem:s31], [sflag:$0x3], $0x2800, $0x38;
	[tilespmem:$0x1C700] =	vst v63  }
0x5f8: {  	_ =	swait.ge [sflag:s3], $0x2800  }
0x5f9: {  	[sflag:s3] =	ssyncset.done $0x0  }
0x5fa: {  	[sflag:s3] =	ssyncadd.s32 $0xFFFFD800  }
0x5fb: {  	_ =	sfence.sel $0x180000  }
0x5fc: {  	[bflag:$0x0] =	sbarrier.arrive $0xFFFF  }
0x5fd: {  	_ =	strace $0x90000047  }
0x5fe: {  	s0 =	stileid.u32;
	[bflag:$0x2] =	sbarrier.arrive $0xFFFF  }
0x5ff: {  	p0 =	sne.s32 s0, $0x0;
	s0 =	rddreg [dreg:$0x3]  }
0x600: {  	s0 =	sadd.s32 @!p0 $0x100000, s0  }
0x601: {  	[sflag:s0] =	ssyncadd.tile.s32 @!p0 $0x1;
	_ =	shalt  }
.Lfunc_end2:
_tile_overlayer_lowered:
.L_overlay_start_2:
0x602: {  	(tag) =	ssettag $0x2  }
0x603: {  	s0 =	rddreg [dreg:$0x0];
	s2 =	stileid.u32  }
0x604: {  	s1 =	rddreg [dreg:$0x1];
	p0 =	sne.s32 s2, $0x0  }
0x605: {  	s3 =	rddreg [dreg:$0x2];
	[bflag:$0x3] =	sbarrier.arrive $0xFFFF;
	s2 =	simm.s32 @!p0 $0x1C03  }
0x606: {  	[timem:s3], [sflag:s2] =	dma.local @!p0 [hbm:s0], s1  }
0x607: {  	s0 =	simm.s32 @!p0 $0x3  }
0x608: {  	_ =	swait.ge @!p0 [sflag:s0], s1  }
0x609: {  	s1 =	ssub.s32 @!p0 $0x0, s1;
	[sflag:s0] =	ssyncset.done @!p0 $0x0  }
0x60a: {  	[sflag:s0] =	ssyncadd.s32 @!p0 s1  }
0x60b: {  	[bflag:$0x3] =	sbarrier.arrive $0xFFFF  }
0x60c: {  	_ =	shalt  }

</sc_bundles>
